<compile_context>
chip_gen: v7x
topology: tpu7x:2x2x1
jax: 0.10.2.dev20260603
libtpu: 0.0.44.dev20260713+nightly
codegen_flags: <defaults>
</compile_context>

<pallas_src>
import dataclasses
import functools

import jax
import jax.numpy as jnp
from jax import lax
from jax.experimental import pallas as pl
from jax.experimental.pallas import tpu as pltpu
from jax.experimental.pallas import tpu_sc as plsc

NC = 2
NS = 16
L = 16
NW = NC * NS

BATCH = 16384
DIM = 128
ROWS_PER_W = BATCH // NW
CHUNK = 64
NCHUNK = ROWS_PER_W // CHUNK


def _compiler_params():
    cp = pltpu.CompilerParams()
    if "needs_layout_passes" in pltpu.CompilerParams.__dataclass_fields__:
        cp = dataclasses.replace(cp, needs_layout_passes=False)
    return cp


@jax.jit
def _bpr_sc(user_indices, item_indices, user_table, item_table):
    mesh = plsc.VectorSubcoreMesh(core_axis_name="c", subcore_axis_name="s")

    @functools.partial(
        pl.kernel,
        out_type=jax.ShapeDtypeStruct((BATCH,), jnp.float32),
        mesh=mesh,
        compiler_params=_compiler_params(),
        scratch_types=[
            pltpu.VMEM((ROWS_PER_W,), jnp.int32),
            pltpu.VMEM((ROWS_PER_W,), jnp.int32),
            pltpu.VMEM((CHUNK, DIM), jnp.float32),
            pltpu.VMEM((CHUNK, DIM), jnp.float32),
            pltpu.VMEM((CHUNK, DIM), jnp.float32),
            pltpu.VMEM((CHUNK, DIM), jnp.float32),
            pltpu.VMEM((L, L + 1), jnp.float32),
            pltpu.VMEM((ROWS_PER_W,), jnp.float32),
            pltpu.SemaphoreType.DMA,
            pltpu.SemaphoreType.DMA,
            pltpu.SemaphoreType.DMA,
            pltpu.SemaphoreType.DMA,
        ],
    )
    def k(uidx_hbm, iidx_hbm, utab_hbm, itab_hbm, out_hbm,
          uidx_v, iidx_v, u0, u1, i0, i1, scr, out_v,
          su0, su1, si0, si1):
        wid = lax.axis_index("s") * NC + lax.axis_index("c")
        base = wid * ROWS_PER_W
        cpu = pltpu.async_copy(uidx_hbm.at[pl.ds(base, ROWS_PER_W)], uidx_v, su0)
        cpi = pltpu.async_copy(iidx_hbm.at[pl.ds(base, ROWS_PER_W)], iidx_v, si0)
        cpu.wait()
        cpi.wait()

        iota = lax.iota(jnp.int32, L)
        cols = [jnp.full((L,), c, jnp.int32) for c in range(L)]

        def issue(c, ub, ib, su, si):
            pltpu.async_copy(
                utab_hbm.at[uidx_v.at[pl.ds(c * CHUNK, CHUNK)]], ub, su)
            pltpu.async_copy(
                itab_hbm.at[iidx_v.at[pl.ds(c * CHUNK, CHUNK)]], ib, si)

        def wait(c, ub, ib, su, si):
            pltpu.make_async_copy(
                utab_hbm.at[uidx_v.at[pl.ds(c * CHUNK, CHUNK)]], ub, su).wait()
            pltpu.make_async_copy(
                itab_hbm.at[iidx_v.at[pl.ds(c * CHUNK, CHUNK)]], ib, si).wait()

        def compute(c, uv, iv):
            @pl.loop(0, CHUNK // L)
            def _(grp, c=c, uv=uv, iv=iv):
                def lds(r16):
                    r = grp * L + r16
                    us = [uv[r, pl.ds(j * L, L)] for j in range(DIM // L)]
                    vs = [iv[r, pl.ds(j * L, L)] for j in range(DIM // L)]
                    return us, vs

                def cst(r16, regs):
                    us, vs = regs
                    prods = [us[j] * vs[j] for j in range(DIM // L)]
                    while len(prods) > 1:
                        prods = [prods[k] + prods[k + 1]
                                 for k in range(0, len(prods), 2)]
                    scr[r16, pl.ds(0, L)] = prods[0]

                cur = lds(0)
                for r16 in range(L - 1):
                    nxt = lds(r16 + 1)
                    cst(r16, cur)
                    cur = nxt
                cst(L - 1, cur)
                gath = [plsc.load_gather(scr, [iota, cols[c2]])
                        for c2 in range(L)]
                while len(gath) > 1:
                    gath = [gath[k] + gath[k + 1] for k in range(0, len(gath), 2)]
                out_v[pl.ds(c * CHUNK + grp * L, L)] = gath[0]

        issue(0, u0, i0, su0, si0)

        @pl.loop(0, NCHUNK // 2)
        def _(t):
            c0 = 2 * t
            c1 = 2 * t + 1
            issue(c1, u1, i1, su1, si1)
            wait(c0, u0, i0, su0, si0)
            compute(c0, u0, i0)

            @pl.when(t + 1 < NCHUNK // 2)
            def _():
                issue(c0 + 2, u0, i0, su0, si0)

            wait(c1, u1, i1, su1, si1)
            compute(c1, u1, i1)

        pltpu.sync_copy(out_v, out_hbm.at[pl.ds(base, ROWS_PER_W)])

    return k(user_indices, item_indices, user_table, item_table)


def kernel(user_indices, item_indices, user_table, item_table):
    return _bpr_sc(user_indices, item_indices, user_table, item_table)

# --- scband reference (transcript-rebuilt; emitter-appended) ---
"""Pipeline reference for scband-bpr-80564996538555 (READ-ONLY COPY).

The authoritative reference and input builder live on the scoring server;
editing this copy changes nothing except your own understanding.
"""

import jax, jax.numpy as jnp
import numpy as np

N_USERS = 1000000
N_ITEMS = 1000000
EMB_DIM = 128
BATCH = 16384


def setup_inputs(seed: int = 0) -> dict:
    key = jax.random.key(seed)
    k1, k2, k3, k4 = jax.random.split(key, 4)
    user_indices = jax.random.randint(k1, (BATCH,), 0, N_USERS, dtype=jnp.int64 if jax.config.jax_enable_x64 else jnp.int32).astype(jnp.int32)
    item_indices = jax.random.randint(k2, (BATCH,), 0, N_ITEMS, dtype=jnp.int64 if jax.config.jax_enable_x64 else jnp.int32).astype(jnp.int32)
    user_table = jax.random.normal(k3, (N_USERS, EMB_DIM), dtype=jnp.float32) * 0.1
    item_table = jax.random.normal(k4, (N_ITEMS, EMB_DIM), dtype=jnp.float32) * 0.1
    return {"user_indices": user_indices, "item_indices": item_indices, "user_table": user_table, "item_table": item_table}


def reference(user_indices, item_indices, user_table, item_table):
    # user_emb = self.user_embeddings(user_indices)
    user_emb = jnp.take(user_table, user_indices, axis=0)
    # item_emb = self.item_embeddings(item_indices)
    item_emb = jnp.take(item_table, item_indices, axis=0)
    # pred = torch.mul(user_emb, item_emb).sum(dim=1)
    pred = jnp.sum(user_emb * item_emb, axis=1)
    return pred

if __name__ == "__main__":
    import jax
    _d = setup_inputs()
    print(jax.jit(kernel)(*tuple(_d.values())))

</pallas_src>

<mosaic_0001>
#map = affine_map<(d0, d1) -> (0)>
#map1 = affine_map<(d0, d1) -> (0, 0)>
module attributes {stable_mosaic.version = 14 : i64} {
  func.func @k(%arg0: i32, %arg1: i32, %arg2: memref<16384xi32, #tpu.memory_space<hbm>>, %arg3: memref<16384xi32, #tpu.memory_space<hbm>>, %arg4: memref<1000000x128xf32, #tpu.memory_space<hbm>>, %arg5: memref<1000000x128xf32, #tpu.memory_space<hbm>>, %arg6: memref<16384xf32, #tpu.memory_space<hbm>>, %arg7: memref<512xi32, #tpu.memory_space<vmem>>, %arg8: memref<512xi32, #tpu.memory_space<vmem>>, %arg9: memref<64x128xf32, #tpu.memory_space<vmem>>, %arg10: memref<64x128xf32, #tpu.memory_space<vmem>>, %arg11: memref<64x128xf32, #tpu.memory_space<vmem>>, %arg12: memref<64x128xf32, #tpu.memory_space<vmem>>, %arg13: memref<16x17xf32, #tpu.memory_space<vmem>>, %arg14: memref<512xf32, #tpu.memory_space<vmem>>, %arg15: memref<!tpu.dma_semaphore, #tpu.memory_space<semaphore_mem>>, %arg16: memref<!tpu.dma_semaphore, #tpu.memory_space<semaphore_mem>>, %arg17: memref<!tpu.dma_semaphore, #tpu.memory_space<semaphore_mem>>, %arg18: memref<!tpu.dma_semaphore, #tpu.memory_space<semaphore_mem>>) attributes {dimension_semantics = [#tpu.dimension_semantics<core_parallel>, #tpu.dimension_semantics<subcore_parallel>], iteration_bounds = array<i64: 2, 16>, scalar_prefetch = 0 : i64, scratch_operands = 12 : i64, tpu.core_type = #tpu.core_type<sc_vector_subcore>, window_params = [{transform_indices = #map}, {transform_indices = #map}, {transform_indices = #map1}, {transform_indices = #map1}, {transform_indices = #map}]} {
    %mul3A = arith.constant 2 : i32
    %mul3A_0 = arith.muli %arg1, %mul3A : i32
    %add3A = arith.addi %mul3A_0, %arg0 : i32
    %mul3A_1 = arith.constant 512 : i32
    %mul3A_2 = arith.muli %add3A, %mul3A_1 : i32
    %dma_start3A = tpu.memref_slice %arg2[%mul3A_2] : memref<16384xi32, #tpu.memory_space<hbm>> -> memref<512xi32, #tpu.memory_space<hbm>>
    %dma_start3A_3 = tpu.memref_slice %arg2[%mul3A_2] : memref<16384xi32, #tpu.memory_space<hbm>> -> memref<512xi32, #tpu.memory_space<hbm>>
    tpu.enqueue_dma source(%dma_start3A_3 : memref<512xi32, #tpu.memory_space<hbm>>) target(%arg7 : memref<512xi32, #tpu.memory_space<vmem>>) target_semaphore(%arg15 : memref<!tpu.dma_semaphore, #tpu.memory_space<semaphore_mem>>)
    %dma_start3A_4 = tpu.memref_slice %arg3[%mul3A_2] : memref<16384xi32, #tpu.memory_space<hbm>> -> memref<512xi32, #tpu.memory_space<hbm>>
    %dma_start3A_5 = tpu.memref_slice %arg3[%mul3A_2] : memref<16384xi32, #tpu.memory_space<hbm>> -> memref<512xi32, #tpu.memory_space<hbm>>
    tpu.enqueue_dma source(%dma_start3A_5 : memref<512xi32, #tpu.memory_space<hbm>>) target(%arg8 : memref<512xi32, #tpu.memory_space<vmem>>) target_semaphore(%arg17 : memref<!tpu.dma_semaphore, #tpu.memory_space<semaphore_mem>>)
    %dma_wait3A = tpu.memref_slice %arg2[%mul3A_2] : memref<16384xi32, #tpu.memory_space<hbm>> -> memref<512xi32, #tpu.memory_space<hbm>>
    %dma_wait3A_6 = tpu.memref_slice %arg2[%mul3A_2] : memref<16384xi32, #tpu.memory_space<hbm>> -> memref<512xi32, #tpu.memory_space<hbm>>
    tpu.wait_dma2 semaphore(%arg15 : memref<!tpu.dma_semaphore, #tpu.memory_space<semaphore_mem>>) src(%dma_wait3A_6 : memref<512xi32, #tpu.memory_space<hbm>>) dst(%arg7 : memref<512xi32, #tpu.memory_space<vmem>>)
    %dma_wait3A_7 = tpu.memref_slice %arg3[%mul3A_2] : memref<16384xi32, #tpu.memory_space<hbm>> -> memref<512xi32, #tpu.memory_space<hbm>>
    %dma_wait3A_8 = tpu.memref_slice %arg3[%mul3A_2] : memref<16384xi32, #tpu.memory_space<hbm>> -> memref<512xi32, #tpu.memory_space<hbm>>
    tpu.wait_dma2 semaphore(%arg17 : memref<!tpu.dma_semaphore, #tpu.memory_space<semaphore_mem>>) src(%dma_wait3A_8 : memref<512xi32, #tpu.memory_space<hbm>>) dst(%arg8 : memref<512xi32, #tpu.memory_space<vmem>>)
    %iota3A = tpu.iota {dimensions = array<i32: 0>} : vector<16xi32>
    %broadcast_in_dim3A = arith.constant 0 : i32
    %broadcast_in_dim3A_9 = vector.broadcast %broadcast_in_dim3A : i32 to vector<16xi32>
    %broadcast_in_dim3A_10 = arith.constant 1 : i32
    %broadcast_in_dim3A_11 = vector.broadcast %broadcast_in_dim3A_10 : i32 to vector<16xi32>
    %broadcast_in_dim3A_12 = arith.constant 2 : i32
    %broadcast_in_dim3A_13 = vector.broadcast %broadcast_in_dim3A_12 : i32 to vector<16xi32>
    %broadcast_in_dim3A_14 = arith.constant 3 : i32
    %broadcast_in_dim3A_15 = vector.broadcast %broadcast_in_dim3A_14 : i32 to vector<16xi32>
    %broadcast_in_dim3A_16 = arith.constant 4 : i32
    %broadcast_in_dim3A_17 = vector.broadcast %broadcast_in_dim3A_16 : i32 to vector<16xi32>
    %broadcast_in_dim3A_18 = arith.constant 5 : i32
    %broadcast_in_dim3A_19 = vector.broadcast %broadcast_in_dim3A_18 : i32 to vector<16xi32>
    %broadcast_in_dim3A_20 = arith.constant 6 : i32
    %broadcast_in_dim3A_21 = vector.broadcast %broadcast_in_dim3A_20 : i32 to vector<16xi32>
    %broadcast_in_dim3A_22 = arith.constant 7 : i32
    %broadcast_in_dim3A_23 = vector.broadcast %broadcast_in_dim3A_22 : i32 to vector<16xi32>
    %broadcast_in_dim3A_24 = arith.constant 8 : i32
    %broadcast_in_dim3A_25 = vector.broadcast %broadcast_in_dim3A_24 : i32 to vector<16xi32>
    %broadcast_in_dim3A_26 = arith.constant 9 : i32
    %broadcast_in_dim3A_27 = vector.broadcast %broadcast_in_dim3A_26 : i32 to vector<16xi32>
    %broadcast_in_dim3A_28 = arith.constant 10 : i32
    %broadcast_in_dim3A_29 = vector.broadcast %broadcast_in_dim3A_28 : i32 to vector<16xi32>
    %broadcast_in_dim3A_30 = arith.constant 11 : i32
    %broadcast_in_dim3A_31 = vector.broadcast %broadcast_in_dim3A_30 : i32 to vector<16xi32>
    %broadcast_in_dim3A_32 = arith.constant 12 : i32
    %broadcast_in_dim3A_33 = vector.broadcast %broadcast_in_dim3A_32 : i32 to vector<16xi32>
    %broadcast_in_dim3A_34 = arith.constant 13 : i32
    %broadcast_in_dim3A_35 = vector.broadcast %broadcast_in_dim3A_34 : i32 to vector<16xi32>
    %broadcast_in_dim3A_36 = arith.constant 14 : i32
    %broadcast_in_dim3A_37 = vector.broadcast %broadcast_in_dim3A_36 : i32 to vector<16xi32>
    %broadcast_in_dim3A_38 = arith.constant 15 : i32
    %broadcast_in_dim3A_39 = vector.broadcast %broadcast_in_dim3A_38 : i32 to vector<16xi32>
    %dma_start3A_40 = arith.constant 0 : i32
    %dma_start3A_41 = tpu.memref_slice %arg7[%dma_start3A_40] : memref<512xi32, #tpu.memory_space<vmem>> -> memref<64xi32, #tpu.memory_space<vmem>>
    %dma_start3A_42 = arith.constant 0 : i32
    %dma_start3A_43 = arith.constant 0 : i32
    %dma_start3A_44 = tpu.memref_slice %arg4[%dma_start3A_42, %dma_start3A_43] : memref<1000000x128xf32, #tpu.memory_space<hbm>> -> memref<1000000x128xf32, #tpu.memory_space<hbm>>
    tpu.enqueue_indirect_dma source(%dma_start3A_44 : memref<1000000x128xf32, #tpu.memory_space<hbm>>) target(%arg9 : memref<64x128xf32, #tpu.memory_space<vmem>>) offsets(%dma_start3A_41 : memref<64xi32, #tpu.memory_space<vmem>>) semaphore(%arg15 : memref<!tpu.dma_semaphore, #tpu.memory_space<semaphore_mem>>)
    %dma_start3A_45 = arith.constant 0 : i32
    %dma_start3A_46 = tpu.memref_slice %arg8[%dma_start3A_45] : memref<512xi32, #tpu.memory_space<vmem>> -> memref<64xi32, #tpu.memory_space<vmem>>
    %dma_start3A_47 = arith.constant 0 : i32
    %dma_start3A_48 = arith.constant 0 : i32
    %dma_start3A_49 = tpu.memref_slice %arg5[%dma_start3A_47, %dma_start3A_48] : memref<1000000x128xf32, #tpu.memory_space<hbm>> -> memref<1000000x128xf32, #tpu.memory_space<hbm>>
    tpu.enqueue_indirect_dma source(%dma_start3A_49 : memref<1000000x128xf32, #tpu.memory_space<hbm>>) target(%arg11 : memref<64x128xf32, #tpu.memory_space<vmem>>) offsets(%dma_start3A_46 : memref<64xi32, #tpu.memory_space<vmem>>) semaphore(%arg17 : memref<!tpu.dma_semaphore, #tpu.memory_space<semaphore_mem>>)
    %scan3A = arith.constant 0 : i32
    %scan3A_50 = arith.constant 4 : i32
    %scan3A_51 = arith.addi %scan3A, %scan3A_50 : i32
    %scan3A_52 = arith.constant 1 : i32
    scf.for %scan3A_54 = %scan3A to %scan3A_51 step %scan3A_52  : i32 {
      %mul3A_55 = arith.constant 1 : i32
      %mul3A_56 = arith.muli %scan3A_54, %mul3A_55 : i32
      %add3A_57 = arith.constant 0 : i32
      %add3A_58 = arith.addi %add3A_57, %mul3A_56 : i32
      %mul3A_59 = arith.constant 2 : i32
      %mul3A_60 = arith.muli %mul3A_59, %add3A_58 : i32
      %mul3A_61 = arith.constant 2 : i32
      %mul3A_62 = arith.muli %mul3A_61, %add3A_58 : i32
      %add3A_63 = arith.constant 1 : i32
      %add3A_64 = arith.addi %mul3A_62, %add3A_63 : i32
      %mul3A_65 = arith.constant 64 : i32
      %mul3A_66 = arith.muli %add3A_64, %mul3A_65 : i32
      %dma_start3A_67 = tpu.memref_slice %arg7[%mul3A_66] : memref<512xi32, #tpu.memory_space<vmem>> -> memref<64xi32, #tpu.memory_space<vmem>>
      %dma_start3A_68 = arith.constant 0 : i32
      %dma_start3A_69 = arith.constant 0 : i32
      %dma_start3A_70 = tpu.memref_slice %arg4[%dma_start3A_68, %dma_start3A_69] : memref<1000000x128xf32, #tpu.memory_space<hbm>> -> memref<1000000x128xf32, #tpu.memory_space<hbm>>
      tpu.enqueue_indirect_dma source(%dma_start3A_70 : memref<1000000x128xf32, #tpu.memory_space<hbm>>) target(%arg10 : memref<64x128xf32, #tpu.memory_space<vmem>>) offsets(%dma_start3A_67 : memref<64xi32, #tpu.memory_space<vmem>>) semaphore(%arg16 : memref<!tpu.dma_semaphore, #tpu.memory_space<semaphore_mem>>)
      %mul3A_71 = arith.constant 64 : i32
      %mul3A_72 = arith.muli %add3A_64, %mul3A_71 : i32
      %dma_start3A_73 = tpu.memref_slice %arg8[%mul3A_72] : memref<512xi32, #tpu.memory_space<vmem>> -> memref<64xi32, #tpu.memory_space<vmem>>
      %dma_start3A_74 = arith.constant 0 : i32
      %dma_start3A_75 = arith.constant 0 : i32
      %dma_start3A_76 = tpu.memref_slice %arg5[%dma_start3A_74, %dma_start3A_75] : memref<1000000x128xf32, #tpu.memory_space<hbm>> -> memref<1000000x128xf32, #tpu.memory_space<hbm>>
      tpu.enqueue_indirect_dma source(%dma_start3A_76 : memref<1000000x128xf32, #tpu.memory_space<hbm>>) target(%arg12 : memref<64x128xf32, #tpu.memory_space<vmem>>) offsets(%dma_start3A_73 : memref<64xi32, #tpu.memory_space<vmem>>) semaphore(%arg18 : memref<!tpu.dma_semaphore, #tpu.memory_space<semaphore_mem>>)
      %mul3A_77 = arith.constant 64 : i32
      %mul3A_78 = arith.muli %mul3A_60, %mul3A_77 : i32
      %dma_wait3A_79 = tpu.memref_slice %arg7[%mul3A_78] : memref<512xi32, #tpu.memory_space<vmem>> -> memref<64xi32, #tpu.memory_space<vmem>>
      %dma_wait3A_80 = arith.constant 0 : i32
      %dma_wait3A_81 = arith.constant 0 : i32
      %dma_wait3A_82 = tpu.memref_slice %arg4[%dma_wait3A_80, %dma_wait3A_81] : memref<1000000x128xf32, #tpu.memory_space<hbm>> -> memref<1000000x128xf32, #tpu.memory_space<hbm>>
      tpu.wait_indirect_dma semaphore(%arg15 : memref<!tpu.dma_semaphore, #tpu.memory_space<semaphore_mem>>) src(%dma_wait3A_82 : memref<1000000x128xf32, #tpu.memory_space<hbm>>) dst(%arg9 : memref<64x128xf32, #tpu.memory_space<vmem>>)
      %mul3A_83 = arith.constant 64 : i32
      %mul3A_84 = arith.muli %mul3A_60, %mul3A_83 : i32
      %dma_wait3A_85 = tpu.memref_slice %arg8[%mul3A_84] : memref<512xi32, #tpu.memory_space<vmem>> -> memref<64xi32, #tpu.memory_space<vmem>>
      %dma_wait3A_86 = arith.constant 0 : i32
      %dma_wait3A_87 = arith.constant 0 : i32
      %dma_wait3A_88 = tpu.memref_slice %arg5[%dma_wait3A_86, %dma_wait3A_87] : memref<1000000x128xf32, #tpu.memory_space<hbm>> -> memref<1000000x128xf32, #tpu.memory_space<hbm>>
      tpu.wait_indirect_dma semaphore(%arg17 : memref<!tpu.dma_semaphore, #tpu.memory_space<semaphore_mem>>) src(%dma_wait3A_88 : memref<1000000x128xf32, #tpu.memory_space<hbm>>) dst(%arg11 : memref<64x128xf32, #tpu.memory_space<vmem>>)
      %scan3A_89 = arith.constant 0 : i32
      %scan3A_90 = arith.constant 4 : i32
      %scan3A_91 = arith.addi %scan3A_89, %scan3A_90 : i32
      %scan3A_92 = arith.constant 1 : i32
      scf.for %scan3A_115 = %scan3A_89 to %scan3A_91 step %scan3A_92  : i32 {
        %mul3A_116 = arith.constant 1 : i32
        %mul3A_117 = arith.muli %scan3A_115, %mul3A_116 : i32
        %add3A_118 = arith.constant 0 : i32
        %add3A_119 = arith.addi %add3A_118, %mul3A_117 : i32
        %mul3A_120 = arith.constant 16 : i32
        %mul3A_121 = arith.muli %add3A_119, %mul3A_120 : i32
        %add3A_122 = arith.constant 0 : i32
        %add3A_123 = arith.addi %mul3A_121, %add3A_122 : i32
        %get3A = arith.index_cast %add3A_123 : i32 to index
        %get3A_124 = arith.constant 0 : index
        %get3A_125 = tpu.vector_load %arg9[%get3A, %get3A_124] {strides = array<i32>} : memref<64x128xf32, #tpu.memory_space<vmem>>, vector<16xf32>,
        %get3A_126 = arith.index_cast %add3A_123 : i32 to index
        %get3A_127 = arith.constant 16 : index
        %get3A_128 = tpu.vector_load %arg9[%get3A_126, %get3A_127] {strides = array<i32>} : memref<64x128xf32, #tpu.memory_space<vmem>>, vector<16xf32>,
        %get3A_129 = arith.index_cast %add3A_123 : i32 to index
        %get3A_130 = arith.constant 32 : index
        %get3A_131 = tpu.vector_load %arg9[%get3A_129, %get3A_130] {strides = array<i32>} : memref<64x128xf32, #tpu.memory_space<vmem>>, vector<16xf32>,
        %get3A_132 = arith.index_cast %add3A_123 : i32 to index
        %get3A_133 = arith.constant 48 : index
        %get3A_134 = tpu.vector_load %arg9[%get3A_132, %get3A_133] {strides = array<i32>} : memref<64x128xf32, #tpu.memory_space<vmem>>, vector<16xf32>,
        %get3A_135 = arith.index_cast %add3A_123 : i32 to index
        %get3A_136 = arith.constant 64 : index
        %get3A_137 = tpu.vector_load %arg9[%get3A_135, %get3A_136] {strides = array<i32>} : memref<64x128xf32, #tpu.memory_space<vmem>>, vector<16xf32>,
        %get3A_138 = arith.index_cast %add3A_123 : i32 to index
        %get3A_139 = arith.constant 80 : index
        %get3A_140 = tpu.vector_load %arg9[%get3A_138, %get3A_139] {strides = array<i32>} : memref<64x128xf32, #tpu.memory_space<vmem>>, vector<16xf32>,
        %get3A_141 = arith.index_cast %add3A_123 : i32 to index
        %get3A_142 = arith.constant 96 : index
        %get3A_143 = tpu.vector_load %arg9[%get3A_141, %get3A_142] {strides = array<i32>} : memref<64x128xf32, #tpu.memory_space<vmem>>, vector<16xf32>,
        %get3A_144 = arith.index_cast %add3A_123 : i32 to index
        %get3A_145 = arith.constant 112 : index
        %get3A_146 = tpu.vector_load %arg9[%get3A_144, %get3A_145] {strides = array<i32>} : memref<64x128xf32, #tpu.memory_space<vmem>>, vector<16xf32>,
        %get3A_147 = arith.index_cast %add3A_123 : i32 to index
        %get3A_148 = arith.constant 0 : index
        %get3A_149 = tpu.vector_load %arg11[%get3A_147, %get3A_148] {strides = array<i32>} : memref<64x128xf32, #tpu.memory_space<vmem>>, vector<16xf32>,
        %get3A_150 = arith.index_cast %add3A_123 : i32 to index
        %get3A_151 = arith.constant 16 : index
        %get3A_152 = tpu.vector_load %arg11[%get3A_150, %get3A_151] {strides = array<i32>} : memref<64x128xf32, #tpu.memory_space<vmem>>, vector<16xf32>,
        %get3A_153 = arith.index_cast %add3A_123 : i32 to index
        %get3A_154 = arith.constant 32 : index
        %get3A_155 = tpu.vector_load %arg11[%get3A_153, %get3A_154] {strides = array<i32>} : memref<64x128xf32, #tpu.memory_space<vmem>>, vector<16xf32>,
        %get3A_156 = arith.index_cast %add3A_123 : i32 to index
        %get3A_157 = arith.constant 48 : index
        %get3A_158 = tpu.vector_load %arg11[%get3A_156, %get3A_157] {strides = array<i32>} : memref<64x128xf32, #tpu.memory_space<vmem>>, vector<16xf32>,
        %get3A_159 = arith.index_cast %add3A_123 : i32 to index
        %get3A_160 = arith.constant 64 : index
        %get3A_161 = tpu.vector_load %arg11[%get3A_159, %get3A_160] {strides = array<i32>} : memref<64x128xf32, #tpu.memory_space<vmem>>, vector<16xf32>,
        %get3A_162 = arith.index_cast %add3A_123 : i32 to index
        %get3A_163 = arith.constant 80 : index
        %get3A_164 = tpu.vector_load %arg11[%get3A_162, %get3A_163] {strides = array<i32>} : memref<64x128xf32, #tpu.memory_space<vmem>>, vector<16xf32>,
        %get3A_165 = arith.index_cast %add3A_123 : i32 to index
        %get3A_166 = arith.constant 96 : index
        %get3A_167 = tpu.vector_load %arg11[%get3A_165, %get3A_166] {strides = array<i32>} : memref<64x128xf32, #tpu.memory_space<vmem>>, vector<16xf32>,
        %get3A_168 = arith.index_cast %add3A_123 : i32 to index
        %get3A_169 = arith.constant 112 : index
        %get3A_170 = tpu.vector_load %arg11[%get3A_168, %get3A_169] {strides = array<i32>} : memref<64x128xf32, #tpu.memory_space<vmem>>, vector<16xf32>,
        %mul3A_171 = arith.constant 16 : i32
        %mul3A_172 = arith.muli %add3A_119, %mul3A_171 : i32
        %add3A_173 = arith.constant 1 : i32
        %add3A_174 = arith.addi %mul3A_172, %add3A_173 : i32
        %get3A_175 = arith.index_cast %add3A_174 : i32 to index
        %get3A_176 = arith.constant 0 : index
        %get3A_177 = tpu.vector_load %arg9[%get3A_175, %get3A_176] {strides = array<i32>} : memref<64x128xf32, #tpu.memory_space<vmem>>, vector<16xf32>,
        %get3A_178 = arith.index_cast %add3A_174 : i32 to index
        %get3A_179 = arith.constant 16 : index
        %get3A_180 = tpu.vector_load %arg9[%get3A_178, %get3A_179] {strides = array<i32>} : memref<64x128xf32, #tpu.memory_space<vmem>>, vector<16xf32>,
        %get3A_181 = arith.index_cast %add3A_174 : i32 to index
        %get3A_182 = arith.constant 32 : index
        %get3A_183 = tpu.vector_load %arg9[%get3A_181, %get3A_182] {strides = array<i32>} : memref<64x128xf32, #tpu.memory_space<vmem>>, vector<16xf32>,
        %get3A_184 = arith.index_cast %add3A_174 : i32 to index
        %get3A_185 = arith.constant 48 : index
        %get3A_186 = tpu.vector_load %arg9[%get3A_184, %get3A_185] {strides = array<i32>} : memref<64x128xf32, #tpu.memory_space<vmem>>, vector<16xf32>,
        %get3A_187 = arith.index_cast %add3A_174 : i32 to index
        %get3A_188 = arith.constant 64 : index
        %get3A_189 = tpu.vector_load %arg9[%get3A_187, %get3A_188] {strides = array<i32>} : memref<64x128xf32, #tpu.memory_space<vmem>>, vector<16xf32>,
        %get3A_190 = arith.index_cast %add3A_174 : i32 to index
        %get3A_191 = arith.constant 80 : index
        %get3A_192 = tpu.vector_load %arg9[%get3A_190, %get3A_191] {strides = array<i32>} : memref<64x128xf32, #tpu.memory_space<vmem>>, vector<16xf32>,
        %get3A_193 = arith.index_cast %add3A_174 : i32 to index
        %get3A_194 = arith.constant 96 : index
        %get3A_195 = tpu.vector_load %arg9[%get3A_193, %get3A_194] {strides = array<i32>} : memref<64x128xf32, #tpu.memory_space<vmem>>, vector<16xf32>,
        %get3A_196 = arith.index_cast %add3A_174 : i32 to index
        %get3A_197 = arith.constant 112 : index
        %get3A_198 = tpu.vector_load %arg9[%get3A_196, %get3A_197] {strides = array<i32>} : memref<64x128xf32, #tpu.memory_space<vmem>>, vector<16xf32>,
        %get3A_199 = arith.index_cast %add3A_174 : i32 to index
        %get3A_200 = arith.constant 0 : index
        %get3A_201 = tpu.vector_load %arg11[%get3A_199, %get3A_200] {strides = array<i32>} : memref<64x128xf32, #tpu.memory_space<vmem>>, vector<16xf32>,
        %get3A_202 = arith.index_cast %add3A_174 : i32 to index
        %get3A_203 = arith.constant 16 : index
        %get3A_204 = tpu.vector_load %arg11[%get3A_202, %get3A_203] {strides = array<i32>} : memref<64x128xf32, #tpu.memory_space<vmem>>, vector<16xf32>,
        %get3A_205 = arith.index_cast %add3A_174 : i32 to index
        %get3A_206 = arith.constant 32 : index
        %get3A_207 = tpu.vector_load %arg11[%get3A_205, %get3A_206] {strides = array<i32>} : memref<64x128xf32, #tpu.memory_space<vmem>>, vector<16xf32>,
        %get3A_208 = arith.index_cast %add3A_174 : i32 to index
        %get3A_209 = arith.constant 48 : index
        %get3A_210 = tpu.vector_load %arg11[%get3A_208, %get3A_209] {strides = array<i32>} : memref<64x128xf32, #tpu.memory_space<vmem>>, vector<16xf32>,
        %get3A_211 = arith.index_cast %add3A_174 : i32 to index
        %get3A_212 = arith.constant 64 : index
        %get3A_213 = tpu.vector_load %arg11[%get3A_211, %get3A_212] {strides = array<i32>} : memref<64x128xf32, #tpu.memory_space<vmem>>, vector<16xf32>,
        %get3A_214 = arith.index_cast %add3A_174 : i32 to index
        %get3A_215 = arith.constant 80 : index
        %get3A_216 = tpu.vector_load %arg11[%get3A_214, %get3A_215] {strides = array<i32>} : memref<64x128xf32, #tpu.memory_space<vmem>>, vector<16xf32>,
        %get3A_217 = arith.index_cast %add3A_174 : i32 to index
        %get3A_218 = arith.constant 96 : index
        %get3A_219 = tpu.vector_load %arg11[%get3A_217, %get3A_218] {strides = array<i32>} : memref<64x128xf32, #tpu.memory_space<vmem>>, vector<16xf32>,
        %get3A_220 = arith.index_cast %add3A_174 : i32 to index
        %get3A_221 = arith.constant 112 : index
        %get3A_222 = tpu.vector_load %arg11[%get3A_220, %get3A_221] {strides = array<i32>} : memref<64x128xf32, #tpu.memory_space<vmem>>, vector<16xf32>,
        %mul3A_223 = arith.mulf %get3A_125, %get3A_149 : vector<16xf32>
        %mul3A_224 = arith.mulf %get3A_128, %get3A_152 : vector<16xf32>
        %mul3A_225 = arith.mulf %get3A_131, %get3A_155 : vector<16xf32>
        %mul3A_226 = arith.mulf %get3A_134, %get3A_158 : vector<16xf32>
        %mul3A_227 = arith.mulf %get3A_137, %get3A_161 : vector<16xf32>
        %mul3A_228 = arith.mulf %get3A_140, %get3A_164 : vector<16xf32>
        %mul3A_229 = arith.mulf %get3A_143, %get3A_167 : vector<16xf32>
        %mul3A_230 = arith.mulf %get3A_146, %get3A_170 : vector<16xf32>
        %add3A_231 = arith.addf %mul3A_223, %mul3A_224 : vector<16xf32>
        %add3A_232 = arith.addf %mul3A_225, %mul3A_226 : vector<16xf32>
        %add3A_233 = arith.addf %mul3A_227, %mul3A_228 : vector<16xf32>
        %add3A_234 = arith.addf %mul3A_229, %mul3A_230 : vector<16xf32>
        %add3A_235 = arith.addf %add3A_231, %add3A_232 : vector<16xf32>
        %add3A_236 = arith.addf %add3A_233, %add3A_234 : vector<16xf32>
        %add3A_237 = arith.addf %add3A_235, %add3A_236 : vector<16xf32>
        %swap3A = arith.constant 0 : i32
        %swap3A_238 = arith.index_cast %swap3A : i32 to index
        %swap3A_239 = arith.constant 0 : index
        %swap3A_240 = tpu.vector_load %arg13[%swap3A_238, %swap3A_239] {strides = array<i32>} : memref<16x17xf32, #tpu.memory_space<vmem>>, vector<16xf32>,
        tpu.vector_store %arg13[%swap3A_238, %swap3A_239], %add3A_237 {strides = array<i32>} : memref<16x17xf32, #tpu.memory_space<vmem>>, vector<16xf32>,
        %mul3A_241 = arith.constant 16 : i32
        %mul3A_242 = arith.muli %add3A_119, %mul3A_241 : i32
        %add3A_243 = arith.constant 2 : i32
        %add3A_244 = arith.addi %mul3A_242, %add3A_243 : i32
        %get3A_245 = arith.index_cast %add3A_244 : i32 to index
        %get3A_246 = arith.constant 0 : index
        %get3A_247 = tpu.vector_load %arg9[%get3A_245, %get3A_246] {strides = array<i32>} : memref<64x128xf32, #tpu.memory_space<vmem>>, vector<16xf32>,
        %get3A_248 = arith.index_cast %add3A_244 : i32 to index
        %get3A_249 = arith.constant 16 : index
        %get3A_250 = tpu.vector_load %arg9[%get3A_248, %get3A_249] {strides = array<i32>} : memref<64x128xf32, #tpu.memory_space<vmem>>, vector<16xf32>,
        %get3A_251 = arith.index_cast %add3A_244 : i32 to index
        %get3A_252 = arith.constant 32 : index
        %get3A_253 = tpu.vector_load %arg9[%get3A_251, %get3A_252] {strides = array<i32>} : memref<64x128xf32, #tpu.memory_space<vmem>>, vector<16xf32>,
        %get3A_254 = arith.index_cast %add3A_244 : i32 to index
        %get3A_255 = arith.constant 48 : index
        %get3A_256 = tpu.vector_load %arg9[%get3A_254, %get3A_255] {strides = array<i32>} : memref<64x128xf32, #tpu.memory_space<vmem>>, vector<16xf32>,
        %get3A_257 = arith.index_cast %add3A_244 : i32 to index
        %get3A_258 = arith.constant 64 : index
        %get3A_259 = tpu.vector_load %arg9[%get3A_257, %get3A_258] {strides = array<i32>} : memref<64x128xf32, #tpu.memory_space<vmem>>, vector<16xf32>,
        %get3A_260 = arith.index_cast %add3A_244 : i32 to index
        %get3A_261 = arith.constant 80 : index
        %get3A_262 = tpu.vector_load %arg9[%get3A_260, %get3A_261] {strides = array<i32>} : memref<64x128xf32, #tpu.memory_space<vmem>>, vector<16xf32>,
        %get3A_263 = arith.index_cast %add3A_244 : i32 to index
        %get3A_264 = arith.constant 96 : index
        %get3A_265 = tpu.vector_load %arg9[%get3A_263, %get3A_264] {strides = array<i32>} : memref<64x128xf32, #tpu.memory_space<vmem>>, vector<16xf32>,
        %get3A_266 = arith.index_cast %add3A_244 : i32 to index
        %get3A_267 = arith.constant 112 : index
        %get3A_268 = tpu.vector_load %arg9[%get3A_266, %get3A_267] {strides = array<i32>} : memref<64x128xf32, #tpu.memory_space<vmem>>, vector<16xf32>,
        %get3A_269 = arith.index_cast %add3A_244 : i32 to index
        %get3A_270 = arith.constant 0 : index
        %get3A_271 = tpu.vector_load %arg11[%get3A_269, %get3A_270] {strides = array<i32>} : memref<64x128xf32, #tpu.memory_space<vmem>>, vector<16xf32>,
        %get3A_272 = arith.index_cast %add3A_244 : i32 to index
        %get3A_273 = arith.constant 16 : index
        %get3A_274 = tpu.vector_load %arg11[%get3A_272, %get3A_273] {strides = array<i32>} : memref<64x128xf32, #tpu.memory_space<vmem>>, vector<16xf32>,
        %get3A_275 = arith.index_cast %add3A_244 : i32 to index
        %get3A_276 = arith.constant 32 : index
        %get3A_277 = tpu.vector_load %arg11[%get3A_275, %get3A_276] {strides = array<i32>} : memref<64x128xf32, #tpu.memory_space<vmem>>, vector<16xf32>,
        %get3A_278 = arith.index_cast %add3A_244 : i32 to index
        %get3A_279 = arith.constant 48 : index
        %get3A_280 = tpu.vector_load %arg11[%get3A_278, %get3A_279] {strides = array<i32>} : memref<64x128xf32, #tpu.memory_space<vmem>>, vector<16xf32>,
        %get3A_281 = arith.index_cast %add3A_244 : i32 to index
        %get3A_282 = arith.constant 64 : index
        %get3A_283 = tpu.vector_load %arg11[%get3A_281, %get3A_282] {strides = array<i32>} : memref<64x128xf32, #tpu.memory_space<vmem>>, vector<16xf32>,
        %get3A_284 = arith.index_cast %add3A_244 : i32 to index
        %get3A_285 = arith.constant 80 : index
        %get3A_286 = tpu.vector_load %arg11[%get3A_284, %get3A_285] {strides = array<i32>} : memref<64x128xf32, #tpu.memory_space<vmem>>, vector<16xf32>,
        %get3A_287 = arith.index_cast %add3A_244 : i32 to index
        %get3A_288 = arith.constant 96 : index
        %get3A_289 = tpu.vector_load %arg11[%get3A_287, %get3A_288] {strides = array<i32>} : memref<64x128xf32, #tpu.memory_space<vmem>>, vector<16xf32>,
        %get3A_290 = arith.index_cast %add3A_244 : i32 to index
        %get3A_291 = arith.constant 112 : index
        %get3A_292 = tpu.vector_load %arg11[%get3A_290, %get3A_291] {strides = array<i32>} : memref<64x128xf32, #tpu.memory_space<vmem>>, vector<16xf32>,
        %mul3A_293 = arith.mulf %get3A_177, %get3A_201 : vector<16xf32>
        %mul3A_294 = arith.mulf %get3A_180, %get3A_204 : vector<16xf32>
        %mul3A_295 = arith.mulf %get3A_183, %get3A_207 : vector<16xf32>
        %mul3A_296 = arith.mulf %get3A_186, %get3A_210 : vector<16xf32>
        %mul3A_297 = arith.mulf %get3A_189, %get3A_213 : vector<16xf32>
        %mul3A_298 = arith.mulf %get3A_192, %get3A_216 : vector<16xf32>
        %mul3A_299 = arith.mulf %get3A_195, %get3A_219 : vector<16xf32>
        %mul3A_300 = arith.mulf %get3A_198, %get3A_222 : vector<16xf32>
        %add3A_301 = arith.addf %mul3A_293, %mul3A_294 : vector<16xf32>
        %add3A_302 = arith.addf %mul3A_295, %mul3A_296 : vector<16xf32>
        %add3A_303 = arith.addf %mul3A_297, %mul3A_298 : vector<16xf32>
        %add3A_304 = arith.addf %mul3A_299, %mul3A_300 : vector<16xf32>
        %add3A_305 = arith.addf %add3A_301, %add3A_302 : vector<16xf32>
        %add3A_306 = arith.addf %add3A_303, %add3A_304 : vector<16xf32>
        %add3A_307 = arith.addf %add3A_305, %add3A_306 : vector<16xf32>
        %swap3A_308 = arith.constant 1 : i32
        %swap3A_309 = arith.index_cast %swap3A_308 : i32 to index
        %swap3A_310 = arith.constant 0 : index
        %swap3A_311 = tpu.vector_load %arg13[%swap3A_309, %swap3A_310] {strides = array<i32>} : memref<16x17xf32, #tpu.memory_space<vmem>>, vector<16xf32>,
        tpu.vector_store %arg13[%swap3A_309, %swap3A_310], %add3A_307 {strides = array<i32>} : memref<16x17xf32, #tpu.memory_space<vmem>>, vector<16xf32>,
        %mul3A_312 = arith.constant 16 : i32
        %mul3A_313 = arith.muli %add3A_119, %mul3A_312 : i32
        %add3A_314 = arith.constant 3 : i32
        %add3A_315 = arith.addi %mul3A_313, %add3A_314 : i32
        %get3A_316 = arith.index_cast %add3A_315 : i32 to index
        %get3A_317 = arith.constant 0 : index
        %get3A_318 = tpu.vector_load %arg9[%get3A_316, %get3A_317] {strides = array<i32>} : memref<64x128xf32, #tpu.memory_space<vmem>>, vector<16xf32>,
        %get3A_319 = arith.index_cast %add3A_315 : i32 to index
        %get3A_320 = arith.constant 16 : index
        %get3A_321 = tpu.vector_load %arg9[%get3A_319, %get3A_320] {strides = array<i32>} : memref<64x128xf32, #tpu.memory_space<vmem>>, vector<16xf32>,
        %get3A_322 = arith.index_cast %add3A_315 : i32 to index
        %get3A_323 = arith.constant 32 : index
        %get3A_324 = tpu.vector_load %arg9[%get3A_322, %get3A_323] {strides = array<i32>} : memref<64x128xf32, #tpu.memory_space<vmem>>, vector<16xf32>,
        %get3A_325 = arith.index_cast %add3A_315 : i32 to index
        %get3A_326 = arith.constant 48 : index
        %get3A_327 = tpu.vector_load %arg9[%get3A_325, %get3A_326] {strides = array<i32>} : memref<64x128xf32, #tpu.memory_space<vmem>>, vector<16xf32>,
        %get3A_328 = arith.index_cast %add3A_315 : i32 to index
        %get3A_329 = arith.constant 64 : index
        %get3A_330 = tpu.vector_load %arg9[%get3A_328, %get3A_329] {strides = array<i32>} : memref<64x128xf32, #tpu.memory_space<vmem>>, vector<16xf32>,
        %get3A_331 = arith.index_cast %add3A_315 : i32 to index
        %get3A_332 = arith.constant 80 : index
        %get3A_333 = tpu.vector_load %arg9[%get3A_331, %get3A_332] {strides = array<i32>} : memref<64x128xf32, #tpu.memory_space<vmem>>, vector<16xf32>,
        %get3A_334 = arith.index_cast %add3A_315 : i32 to index
        %get3A_335 = arith.constant 96 : index
        %get3A_336 = tpu.vector_load %arg9[%get3A_334, %get3A_335] {strides = array<i32>} : memref<64x128xf32, #tpu.memory_space<vmem>>, vector<16xf32>,
        %get3A_337 = arith.index_cast %add3A_315 : i32 to index
        %get3A_338 = arith.constant 112 : index
        %get3A_339 = tpu.vector_load %arg9[%get3A_337, %get3A_338] {strides = array<i32>} : memref<64x128xf32, #tpu.memory_space<vmem>>, vector<16xf32>,
        %get3A_340 = arith.index_cast %add3A_315 : i32 to index
        %get3A_341 = arith.constant 0 : index
        %get3A_342 = tpu.vector_load %arg11[%get3A_340, %get3A_341] {strides = array<i32>} : memref<64x128xf32, #tpu.memory_space<vmem>>, vector<16xf32>,
        %get3A_343 = arith.index_cast %add3A_315 : i32 to index
        %get3A_344 = arith.constant 16 : index
        %get3A_345 = tpu.vector_load %arg11[%get3A_343, %get3A_344] {strides = array<i32>} : memref<64x128xf32, #tpu.memory_space<vmem>>, vector<16xf32>,
        %get3A_346 = arith.index_cast %add3A_315 : i32 to index
        %get3A_347 = arith.constant 32 : index
        %get3A_348 = tpu.vector_load %arg11[%get3A_346, %get3A_347] {strides = array<i32>} : memref<64x128xf32, #tpu.memory_space<vmem>>, vector<16xf32>,
        %get3A_349 = arith.index_cast %add3A_315 : i32 to index
        %get3A_350 = arith.constant 48 : index
        %get3A_351 = tpu.vector_load %arg11[%get3A_349, %get3A_350] {strides = array<i32>} : memref<64x128xf32, #tpu.memory_space<vmem>>, vector<16xf32>,
        %get3A_352 = arith.index_cast %add3A_315 : i32 to index
        %get3A_353 = arith.constant 64 : index
        %get3A_354 = tpu.vector_load %arg11[%get3A_352, %get3A_353] {strides = array<i32>} : memref<64x128xf32, #tpu.memory_space<vmem>>, vector<16xf32>,
        %get3A_355 = arith.index_cast %add3A_315 : i32 to index
        %get3A_356 = arith.constant 80 : index
        %get3A_357 = tpu.vector_load %arg11[%get3A_355, %get3A_356] {strides = array<i32>} : memref<64x128xf32, #tpu.memory_space<vmem>>, vector<16xf32>,
        %get3A_358 = arith.index_cast %add3A_315 : i32 to index
        %get3A_359 = arith.constant 96 : index
        %get3A_360 = tpu.vector_load %arg11[%get3A_358, %get3A_359] {strides = array<i32>} : memref<64x128xf32, #tpu.memory_space<vmem>>, vector<16xf32>,
        %get3A_361 = arith.index_cast %add3A_315 : i32 to index
        %get3A_362 = arith.constant 112 : index
        %get3A_363 = tpu.vector_load %arg11[%get3A_361, %get3A_362] {strides = array<i32>} : memref<64x128xf32, #tpu.memory_space<vmem>>, vector<16xf32>,
        %mul3A_364 = arith.mulf %get3A_247, %get3A_271 : vector<16xf32>
        %mul3A_365 = arith.mulf %get3A_250, %get3A_274 : vector<16xf32>
        %mul3A_366 = arith.mulf %get3A_253, %get3A_277 : vector<16xf32>
        %mul3A_367 = arith.mulf %get3A_256, %get3A_280 : vector<16xf32>
        %mul3A_368 = arith.mulf %get3A_259, %get3A_283 : vector<16xf32>
        %mul3A_369 = arith.mulf %get3A_262, %get3A_286 : vector<16xf32>
        %mul3A_370 = arith.mulf %get3A_265, %get3A_289 : vector<16xf32>
        %mul3A_371 = arith.mulf %get3A_268, %get3A_292 : vector<16xf32>
        %add3A_372 = arith.addf %mul3A_364, %mul3A_365 : vector<16xf32>
        %add3A_373 = arith.addf %mul3A_366, %mul3A_367 : vector<16xf32>
        %add3A_374 = arith.addf %mul3A_368, %mul3A_369 : vector<16xf32>
        %add3A_375 = arith.addf %mul3A_370, %mul3A_371 : vector<16xf32>
        %add3A_376 = arith.addf %add3A_372, %add3A_373 : vector<16xf32>
        %add3A_377 = arith.addf %add3A_374, %add3A_375 : vector<16xf32>
        %add3A_378 = arith.addf %add3A_376, %add3A_377 : vector<16xf32>
        %swap3A_379 = arith.constant 2 : i32
        %swap3A_380 = arith.index_cast %swap3A_379 : i32 to index
        %swap3A_381 = arith.constant 0 : index
        %swap3A_382 = tpu.vector_load %arg13[%swap3A_380, %swap3A_381] {strides = array<i32>} : memref<16x17xf32, #tpu.memory_space<vmem>>, vector<16xf32>,
        tpu.vector_store %arg13[%swap3A_380, %swap3A_381], %add3A_378 {strides = array<i32>} : memref<16x17xf32, #tpu.memory_space<vmem>>, vector<16xf32>,
        %mul3A_383 = arith.constant 16 : i32
        %mul3A_384 = arith.muli %add3A_119, %mul3A_383 : i32
        %add3A_385 = arith.constant 4 : i32
        %add3A_386 = arith.addi %mul3A_384, %add3A_385 : i32
        %get3A_387 = arith.index_cast %add3A_386 : i32 to index
        %get3A_388 = arith.constant 0 : index
        %get3A_389 = tpu.vector_load %arg9[%get3A_387, %get3A_388] {strides = array<i32>} : memref<64x128xf32, #tpu.memory_space<vmem>>, vector<16xf32>,
        %get3A_390 = arith.index_cast %add3A_386 : i32 to index
        %get3A_391 = arith.constant 16 : index
        %get3A_392 = tpu.vector_load %arg9[%get3A_390, %get3A_391] {strides = array<i32>} : memref<64x128xf32, #tpu.memory_space<vmem>>, vector<16xf32>,
        %get3A_393 = arith.index_cast %add3A_386 : i32 to index
        %get3A_394 = arith.constant 32 : index
        %get3A_395 = tpu.vector_load %arg9[%get3A_393, %get3A_394] {strides = array<i32>} : memref<64x128xf32, #tpu.memory_space<vmem>>, vector<16xf32>,
        %get3A_396 = arith.index_cast %add3A_386 : i32 to index
        %get3A_397 = arith.constant 48 : index
        %get3A_398 = tpu.vector_load %arg9[%get3A_396, %get3A_397] {strides = array<i32>} : memref<64x128xf32, #tpu.memory_space<vmem>>, vector<16xf32>,
        %get3A_399 = arith.index_cast %add3A_386 : i32 to index
        %get3A_400 = arith.constant 64 : index
        %get3A_401 = tpu.vector_load %arg9[%get3A_399, %get3A_400] {strides = array<i32>} : memref<64x128xf32, #tpu.memory_space<vmem>>, vector<16xf32>,
        %get3A_402 = arith.index_cast %add3A_386 : i32 to index
        %get3A_403 = arith.constant 80 : index
        %get3A_404 = tpu.vector_load %arg9[%get3A_402, %get3A_403] {strides = array<i32>} : memref<64x128xf32, #tpu.memory_space<vmem>>, vector<16xf32>,
        %get3A_405 = arith.index_cast %add3A_386 : i32 to index
        %get3A_406 = arith.constant 96 : index
        %get3A_407 = tpu.vector_load %arg9[%get3A_405, %get3A_406] {strides = array<i32>} : memref<64x128xf32, #tpu.memory_space<vmem>>, vector<16xf32>,
        %get3A_408 = arith.index_cast %add3A_386 : i32 to index
        %get3A_409 = arith.constant 112 : index
        %get3A_410 = tpu.vector_load %arg9[%get3A_408, %get3A_409] {strides = array<i32>} : memref<64x128xf32, #tpu.memory_space<vmem>>, vector<16xf32>,
        %get3A_411 = arith.index_cast %add3A_386 : i32 to index
        %get3A_412 = arith.constant 0 : index
        %get3A_413 = tpu.vector_load %arg11[%get3A_411, %get3A_412] {strides = array<i32>} : memref<64x128xf32, #tpu.memory_space<vmem>>, vector<16xf32>,
        %get3A_414 = arith.index_cast %add3A_386 : i32 to index
        %get3A_415 = arith.constant 16 : index
        %get3A_416 = tpu.vector_load %arg11[%get3A_414, %get3A_415] {strides = array<i32>} : memref<64x128xf32, #tpu.memory_space<vmem>>, vector<16xf32>,
        %get3A_417 = arith.index_cast %add3A_386 : i32 to index
        %get3A_418 = arith.constant 32 : index
        %get3A_419 = tpu.vector_load %arg11[%get3A_417, %get3A_418] {strides = array<i32>} : memref<64x128xf32, #tpu.memory_space<vmem>>, vector<16xf32>,
        %get3A_420 = arith.index_cast %add3A_386 : i32 to index
        %get3A_421 = arith.constant 48 : index
        %get3A_422 = tpu.vector_load %arg11[%get3A_420, %get3A_421] {strides = array<i32>} : memref<64x128xf32, #tpu.memory_space<vmem>>, vector<16xf32>,
        %get3A_423 = arith.index_cast %add3A_386 : i32 to index
        %get3A_424 = arith.constant 64 : index
        %get3A_425 = tpu.vector_load %arg11[%get3A_423, %get3A_424] {strides = array<i32>} : memref<64x128xf32, #tpu.memory_space<vmem>>, vector<16xf32>,
        %get3A_426 = arith.index_cast %add3A_386 : i32 to index
        %get3A_427 = arith.constant 80 : index
        %get3A_428 = tpu.vector_load %arg11[%get3A_426, %get3A_427] {strides = array<i32>} : memref<64x128xf32, #tpu.memory_space<vmem>>, vector<16xf32>,
        %get3A_429 = arith.index_cast %add3A_386 : i32 to index
        %get3A_430 = arith.constant 96 : index
        %get3A_431 = tpu.vector_load %arg11[%get3A_429, %get3A_430] {strides = array<i32>} : memref<64x128xf32, #tpu.memory_space<vmem>>, vector<16xf32>,
        %get3A_432 = arith.index_cast %add3A_386 : i32 to index
        %get3A_433 = arith.constant 112 : index
        %get3A_434 = tpu.vector_load %arg11[%get3A_432, %get3A_433] {strides = array<i32>} : memref<64x128xf32, #tpu.memory_space<vmem>>, vector<16xf32>,
        %mul3A_435 = arith.mulf %get3A_318, %get3A_342 : vector<16xf32>
        %mul3A_436 = arith.mulf %get3A_321, %get3A_345 : vector<16xf32>
        %mul3A_437 = arith.mulf %get3A_324, %get3A_348 : vector<16xf32>
        %mul3A_438 = arith.mulf %get3A_327, %get3A_351 : vector<16xf32>
        %mul3A_439 = arith.mulf %get3A_330, %get3A_354 : vector<16xf32>
        %mul3A_440 = arith.mulf %get3A_333, %get3A_357 : vector<16xf32>
        %mul3A_441 = arith.mulf %get3A_336, %get3A_360 : vector<16xf32>
        %mul3A_442 = arith.mulf %get3A_339, %get3A_363 : vector<16xf32>
        %add3A_443 = arith.addf %mul3A_435, %mul3A_436 : vector<16xf32>
        %add3A_444 = arith.addf %mul3A_437, %mul3A_438 : vector<16xf32>
        %add3A_445 = arith.addf %mul3A_439, %mul3A_440 : vector<16xf32>
        %add3A_446 = arith.addf %mul3A_441, %mul3A_442 : vector<16xf32>
        %add3A_447 = arith.addf %add3A_443, %add3A_444 : vector<16xf32>
        %add3A_448 = arith.addf %add3A_445, %add3A_446 : vector<16xf32>
        %add3A_449 = arith.addf %add3A_447, %add3A_448 : vector<16xf32>
        %swap3A_450 = arith.constant 3 : i32
        %swap3A_451 = arith.index_cast %swap3A_450 : i32 to index
        %swap3A_452 = arith.constant 0 : index
        %swap3A_453 = tpu.vector_load %arg13[%swap3A_451, %swap3A_452] {strides = array<i32>} : memref<16x17xf32, #tpu.memory_space<vmem>>, vector<16xf32>,
        tpu.vector_store %arg13[%swap3A_451, %swap3A_452], %add3A_449 {strides = array<i32>} : memref<16x17xf32, #tpu.memory_space<vmem>>, vector<16xf32>,
        %mul3A_454 = arith.constant 16 : i32
        %mul3A_455 = arith.muli %add3A_119, %mul3A_454 : i32
        %add3A_456 = arith.constant 5 : i32
        %add3A_457 = arith.addi %mul3A_455, %add3A_456 : i32
        %get3A_458 = arith.index_cast %add3A_457 : i32 to index
        %get3A_459 = arith.constant 0 : index
        %get3A_460 = tpu.vector_load %arg9[%get3A_458, %get3A_459] {strides = array<i32>} : memref<64x128xf32, #tpu.memory_space<vmem>>, vector<16xf32>,
        %get3A_461 = arith.index_cast %add3A_457 : i32 to index
        %get3A_462 = arith.constant 16 : index
        %get3A_463 = tpu.vector_load %arg9[%get3A_461, %get3A_462] {strides = array<i32>} : memref<64x128xf32, #tpu.memory_space<vmem>>, vector<16xf32>,
        %get3A_464 = arith.index_cast %add3A_457 : i32 to index
        %get3A_465 = arith.constant 32 : index
        %get3A_466 = tpu.vector_load %arg9[%get3A_464, %get3A_465] {strides = array<i32>} : memref<64x128xf32, #tpu.memory_space<vmem>>, vector<16xf32>,
        %get3A_467 = arith.index_cast %add3A_457 : i32 to index
        %get3A_468 = arith.constant 48 : index
        %get3A_469 = tpu.vector_load %arg9[%get3A_467, %get3A_468] {strides = array<i32>} : memref<64x128xf32, #tpu.memory_space<vmem>>, vector<16xf32>,
        %get3A_470 = arith.index_cast %add3A_457 : i32 to index
        %get3A_471 = arith.constant 64 : index
        %get3A_472 = tpu.vector_load %arg9[%get3A_470, %get3A_471] {strides = array<i32>} : memref<64x128xf32, #tpu.memory_space<vmem>>, vector<16xf32>,
        %get3A_473 = arith.index_cast %add3A_457 : i32 to index
        %get3A_474 = arith.constant 80 : index
        %get3A_475 = tpu.vector_load %arg9[%get3A_473, %get3A_474] {strides = array<i32>} : memref<64x128xf32, #tpu.memory_space<vmem>>, vector<16xf32>,
        %get3A_476 = arith.index_cast %add3A_457 : i32 to index
        %get3A_477 = arith.constant 96 : index
        %get3A_478 = tpu.vector_load %arg9[%get3A_476, %get3A_477] {strides = array<i32>} : memref<64x128xf32, #tpu.memory_space<vmem>>, vector<16xf32>,
        %get3A_479 = arith.index_cast %add3A_457 : i32 to index
        %get3A_480 = arith.constant 112 : index
        %get3A_481 = tpu.vector_load %arg9[%get3A_479, %get3A_480] {strides = array<i32>} : memref<64x128xf32, #tpu.memory_space<vmem>>, vector<16xf32>,
        %get3A_482 = arith.index_cast %add3A_457 : i32 to index
        %get3A_483 = arith.constant 0 : index
        %get3A_484 = tpu.vector_load %arg11[%get3A_482, %get3A_483] {strides = array<i32>} : memref<64x128xf32, #tpu.memory_space<vmem>>, vector<16xf32>,
        %get3A_485 = arith.index_cast %add3A_457 : i32 to index
        %get3A_486 = arith.constant 16 : index
        %get3A_487 = tpu.vector_load %arg11[%get3A_485, %get3A_486] {strides = array<i32>} : memref<64x128xf32, #tpu.memory_space<vmem>>, vector<16xf32>,
        %get3A_488 = arith.index_cast %add3A_457 : i32 to index
        %get3A_489 = arith.constant 32 : index
        %get3A_490 = tpu.vector_load %arg11[%get3A_488, %get3A_489] {strides = array<i32>} : memref<64x128xf32, #tpu.memory_space<vmem>>, vector<16xf32>,
        %get3A_491 = arith.index_cast %add3A_457 : i32 to index
        %get3A_492 = arith.constant 48 : index
        %get3A_493 = tpu.vector_load %arg11[%get3A_491, %get3A_492] {strides = array<i32>} : memref<64x128xf32, #tpu.memory_space<vmem>>, vector<16xf32>,
        %get3A_494 = arith.index_cast %add3A_457 : i32 to index
        %get3A_495 = arith.constant 64 : index
        %get3A_496 = tpu.vector_load %arg11[%get3A_494, %get3A_495] {strides = array<i32>} : memref<64x128xf32, #tpu.memory_space<vmem>>, vector<16xf32>,
        %get3A_497 = arith.index_cast %add3A_457 : i32 to index
        %get3A_498 = arith.constant 80 : index
        %get3A_499 = tpu.vector_load %arg11[%get3A_497, %get3A_498] {strides = array<i32>} : memref<64x128xf32, #tpu.memory_space<vmem>>, vector<16xf32>,
        %get3A_500 = arith.index_cast %add3A_457 : i32 to index
        %get3A_501 = arith.constant 96 : index
        %get3A_502 = tpu.vector_load %arg11[%get3A_500, %get3A_501] {strides = array<i32>} : memref<64x128xf32, #tpu.memory_space<vmem>>, vector<16xf32>,
        %get3A_503 = arith.index_cast %add3A_457 : i32 to index
        %get3A_504 = arith.constant 112 : index
        %get3A_505 = tpu.vector_load %arg11[%get3A_503, %get3A_504] {strides = array<i32>} : memref<64x128xf32, #tpu.memory_space<vmem>>, vector<16xf32>,
        %mul3A_506 = arith.mulf %get3A_389, %get3A_413 : vector<16xf32>
        %mul3A_507 = arith.mulf %get3A_392, %get3A_416 : vector<16xf32>
        %mul3A_508 = arith.mulf %get3A_395, %get3A_419 : vector<16xf32>
        %mul3A_509 = arith.mulf %get3A_398, %get3A_422 : vector<16xf32>
        %mul3A_510 = arith.mulf %get3A_401, %get3A_425 : vector<16xf32>
        %mul3A_511 = arith.mulf %get3A_404, %get3A_428 : vector<16xf32>
        %mul3A_512 = arith.mulf %get3A_407, %get3A_431 : vector<16xf32>
        %mul3A_513 = arith.mulf %get3A_410, %get3A_434 : vector<16xf32>
        %add3A_514 = arith.addf %mul3A_506, %mul3A_507 : vector<16xf32>
        %add3A_515 = arith.addf %mul3A_508, %mul3A_509 : vector<16xf32>
        %add3A_516 = arith.addf %mul3A_510, %mul3A_511 : vector<16xf32>
        %add3A_517 = arith.addf %mul3A_512, %mul3A_513 : vector<16xf32>
        %add3A_518 = arith.addf %add3A_514, %add3A_515 : vector<16xf32>
        %add3A_519 = arith.addf %add3A_516, %add3A_517 : vector<16xf32>
        %add3A_520 = arith.addf %add3A_518, %add3A_519 : vector<16xf32>
        %swap3A_521 = arith.constant 4 : i32
        %swap3A_522 = arith.index_cast %swap3A_521 : i32 to index
        %swap3A_523 = arith.constant 0 : index
        %swap3A_524 = tpu.vector_load %arg13[%swap3A_522, %swap3A_523] {strides = array<i32>} : memref<16x17xf32, #tpu.memory_space<vmem>>, vector<16xf32>,
        tpu.vector_store %arg13[%swap3A_522, %swap3A_523], %add3A_520 {strides = array<i32>} : memref<16x17xf32, #tpu.memory_space<vmem>>, vector<16xf32>,
        %mul3A_525 = arith.constant 16 : i32
        %mul3A_526 = arith.muli %add3A_119, %mul3A_525 : i32
        %add3A_527 = arith.constant 6 : i32
        %add3A_528 = arith.addi %mul3A_526, %add3A_527 : i32
        %get3A_529 = arith.index_cast %add3A_528 : i32 to index
        %get3A_530 = arith.constant 0 : index
        %get3A_531 = tpu.vector_load %arg9[%get3A_529, %get3A_530] {strides = array<i32>} : memref<64x128xf32, #tpu.memory_space<vmem>>, vector<16xf32>,
        %get3A_532 = arith.index_cast %add3A_528 : i32 to index
        %get3A_533 = arith.constant 16 : index
        %get3A_534 = tpu.vector_load %arg9[%get3A_532, %get3A_533] {strides = array<i32>} : memref<64x128xf32, #tpu.memory_space<vmem>>, vector<16xf32>,
        %get3A_535 = arith.index_cast %add3A_528 : i32 to index
        %get3A_536 = arith.constant 32 : index
        %get3A_537 = tpu.vector_load %arg9[%get3A_535, %get3A_536] {strides = array<i32>} : memref<64x128xf32, #tpu.memory_space<vmem>>, vector<16xf32>,
        %get3A_538 = arith.index_cast %add3A_528 : i32 to index
        %get3A_539 = arith.constant 48 : index
        %get3A_540 = tpu.vector_load %arg9[%get3A_538, %get3A_539] {strides = array<i32>} : memref<64x128xf32, #tpu.memory_space<vmem>>, vector<16xf32>,
        %get3A_541 = arith.index_cast %add3A_528 : i32 to index
        %get3A_542 = arith.constant 64 : index
        %get3A_543 = tpu.vector_load %arg9[%get3A_541, %get3A_542] {strides = array<i32>} : memref<64x128xf32, #tpu.memory_space<vmem>>, vector<16xf32>,
        %get3A_544 = arith.index_cast %add3A_528 : i32 to index
        %get3A_545 = arith.constant 80 : index
        %get3A_546 = tpu.vector_load %arg9[%get3A_544, %get3A_545] {strides = array<i32>} : memref<64x128xf32, #tpu.memory_space<vmem>>, vector<16xf32>,
        %get3A_547 = arith.index_cast %add3A_528 : i32 to index
        %get3A_548 = arith.constant 96 : index
        %get3A_549 = tpu.vector_load %arg9[%get3A_547, %get3A_548] {strides = array<i32>} : memref<64x128xf32, #tpu.memory_space<vmem>>, vector<16xf32>,
        %get3A_550 = arith.index_cast %add3A_528 : i32 to index
        %get3A_551 = arith.constant 112 : index
        %get3A_552 = tpu.vector_load %arg9[%get3A_550, %get3A_551] {strides = array<i32>} : memref<64x128xf32, #tpu.memory_space<vmem>>, vector<16xf32>,
        %get3A_553 = arith.index_cast %add3A_528 : i32 to index
        %get3A_554 = arith.constant 0 : index
        %get3A_555 = tpu.vector_load %arg11[%get3A_553, %get3A_554] {strides = array<i32>} : memref<64x128xf32, #tpu.memory_space<vmem>>, vector<16xf32>,
        %get3A_556 = arith.index_cast %add3A_528 : i32 to index
        %get3A_557 = arith.constant 16 : index
        %get3A_558 = tpu.vector_load %arg11[%get3A_556, %get3A_557] {strides = array<i32>} : memref<64x128xf32, #tpu.memory_space<vmem>>, vector<16xf32>,
        %get3A_559 = arith.index_cast %add3A_528 : i32 to index
        %get3A_560 = arith.constant 32 : index
        %get3A_561 = tpu.vector_load %arg11[%get3A_559, %get3A_560] {strides = array<i32>} : memref<64x128xf32, #tpu.memory_space<vmem>>, vector<16xf32>,
        %get3A_562 = arith.index_cast %add3A_528 : i32 to index
        %get3A_563 = arith.constant 48 : index
        %get3A_564 = tpu.vector_load %arg11[%get3A_562, %get3A_563] {strides = array<i32>} : memref<64x128xf32, #tpu.memory_space<vmem>>, vector<16xf32>,
        %get3A_565 = arith.index_cast %add3A_528 : i32 to index
        %get3A_566 = arith.constant 64 : index
        %get3A_567 = tpu.vector_load %arg11[%get3A_565, %get3A_566] {strides = array<i32>} : memref<64x128xf32, #tpu.memory_space<vmem>>, vector<16xf32>,
        %get3A_568 = arith.index_cast %add3A_528 : i32 to index
        %get3A_569 = arith.constant 80 : index
        %get3A_570 = tpu.vector_load %arg11[%get3A_568, %get3A_569] {strides = array<i32>} : memref<64x128xf32, #tpu.memory_space<vmem>>, vector<16xf32>,
        %get3A_571 = arith.index_cast %add3A_528 : i32 to index
        %get3A_572 = arith.constant 96 : index
        %get3A_573 = tpu.vector_load %arg11[%get3A_571, %get3A_572] {strides = array<i32>} : memref<64x128xf32, #tpu.memory_space<vmem>>, vector<16xf32>,
        %get3A_574 = arith.index_cast %add3A_528 : i32 to index
        %get3A_575 = arith.constant 112 : index
        %get3A_576 = tpu.vector_load %arg11[%get3A_574, %get3A_575] {strides = array<i32>} : memref<64x128xf32, #tpu.memory_space<vmem>>, vector<16xf32>,
        %mul3A_577 = arith.mulf %get3A_460, %get3A_484 : vector<16xf32>
        %mul3A_578 = arith.mulf %get3A_463, %get3A_487 : vector<16xf32>
        %mul3A_579 = arith.mulf %get3A_466, %get3A_490 : vector<16xf32>
        %mul3A_580 = arith.mulf %get3A_469, %get3A_493 : vector<16xf32>
        %mul3A_581 = arith.mulf %get3A_472, %get3A_496 : vector<16xf32>
        %mul3A_582 = arith.mulf %get3A_475, %get3A_499 : vector<16xf32>
        %mul3A_583 = arith.mulf %get3A_478, %get3A_502 : vector<16xf32>
        %mul3A_584 = arith.mulf %get3A_481, %get3A_505 : vector<16xf32>
        %add3A_585 = arith.addf %mul3A_577, %mul3A_578 : vector<16xf32>
        %add3A_586 = arith.addf %mul3A_579, %mul3A_580 : vector<16xf32>
        %add3A_587 = arith.addf %mul3A_581, %mul3A_582 : vector<16xf32>
        %add3A_588 = arith.addf %mul3A_583, %mul3A_584 : vector<16xf32>
        %add3A_589 = arith.addf %add3A_585, %add3A_586 : vector<16xf32>
        %add3A_590 = arith.addf %add3A_587, %add3A_588 : vector<16xf32>
        %add3A_591 = arith.addf %add3A_589, %add3A_590 : vector<16xf32>
        %swap3A_592 = arith.constant 5 : i32
        %swap3A_593 = arith.index_cast %swap3A_592 : i32 to index
        %swap3A_594 = arith.constant 0 : index
        %swap3A_595 = tpu.vector_load %arg13[%swap3A_593, %swap3A_594] {strides = array<i32>} : memref<16x17xf32, #tpu.memory_space<vmem>>, vector<16xf32>,
        tpu.vector_store %arg13[%swap3A_593, %swap3A_594], %add3A_591 {strides = array<i32>} : memref<16x17xf32, #tpu.memory_space<vmem>>, vector<16xf32>,
        %mul3A_596 = arith.constant 16 : i32
        %mul3A_597 = arith.muli %add3A_119, %mul3A_596 : i32
        %add3A_598 = arith.constant 7 : i32
        %add3A_599 = arith.addi %mul3A_597, %add3A_598 : i32
        %get3A_600 = arith.index_cast %add3A_599 : i32 to index
        %get3A_601 = arith.constant 0 : index
        %get3A_602 = tpu.vector_load %arg9[%get3A_600, %get3A_601] {strides = array<i32>} : memref<64x128xf32, #tpu.memory_space<vmem>>, vector<16xf32>,
        %get3A_603 = arith.index_cast %add3A_599 : i32 to index
        %get3A_604 = arith.constant 16 : index
        %get3A_605 = tpu.vector_load %arg9[%get3A_603, %get3A_604] {strides = array<i32>} : memref<64x128xf32, #tpu.memory_space<vmem>>, vector<16xf32>,
        %get3A_606 = arith.index_cast %add3A_599 : i32 to index
        %get3A_607 = arith.constant 32 : index
        %get3A_608 = tpu.vector_load %arg9[%get3A_606, %get3A_607] {strides = array<i32>} : memref<64x128xf32, #tpu.memory_space<vmem>>, vector<16xf32>,
        %get3A_609 = arith.index_cast %add3A_599 : i32 to index
        %get3A_610 = arith.constant 48 : index
        %get3A_611 = tpu.vector_load %arg9[%get3A_609, %get3A_610] {strides = array<i32>} : memref<64x128xf32, #tpu.memory_space<vmem>>, vector<16xf32>,
        %get3A_612 = arith.index_cast %add3A_599 : i32 to index
        %get3A_613 = arith.constant 64 : index
        %get3A_614 = tpu.vector_load %arg9[%get3A_612, %get3A_613] {strides = array<i32>} : memref<64x128xf32, #tpu.memory_space<vmem>>, vector<16xf32>,
        %get3A_615 = arith.index_cast %add3A_599 : i32 to index
        %get3A_616 = arith.constant 80 : index
        %get3A_617 = tpu.vector_load %arg9[%get3A_615, %get3A_616] {strides = array<i32>} : memref<64x128xf32, #tpu.memory_space<vmem>>, vector<16xf32>,
        %get3A_618 = arith.index_cast %add3A_599 : i32 to index
        %get3A_619 = arith.constant 96 : index
        %get3A_620 = tpu.vector_load %arg9[%get3A_618, %get3A_619] {strides = array<i32>} : memref<64x128xf32, #tpu.memory_space<vmem>>, vector<16xf32>,
        %get3A_621 = arith.index_cast %add3A_599 : i32 to index
        %get3A_622 = arith.constant 112 : index
        %get3A_623 = tpu.vector_load %arg9[%get3A_621, %get3A_622] {strides = array<i32>} : memref<64x128xf32, #tpu.memory_space<vmem>>, vector<16xf32>,
        %get3A_624 = arith.index_cast %add3A_599 : i32 to index
        %get3A_625 = arith.constant 0 : index
        %get3A_626 = tpu.vector_load %arg11[%get3A_624, %get3A_625] {strides = array<i32>} : memref<64x128xf32, #tpu.memory_space<vmem>>, vector<16xf32>,
        %get3A_627 = arith.index_cast %add3A_599 : i32 to index
        %get3A_628 = arith.constant 16 : index
        %get3A_629 = tpu.vector_load %arg11[%get3A_627, %get3A_628] {strides = array<i32>} : memref<64x128xf32, #tpu.memory_space<vmem>>, vector<16xf32>,
        %get3A_630 = arith.index_cast %add3A_599 : i32 to index
        %get3A_631 = arith.constant 32 : index
        %get3A_632 = tpu.vector_load %arg11[%get3A_630, %get3A_631] {strides = array<i32>} : memref<64x128xf32, #tpu.memory_space<vmem>>, vector<16xf32>,
        %get3A_633 = arith.index_cast %add3A_599 : i32 to index
        %get3A_634 = arith.constant 48 : index
        %get3A_635 = tpu.vector_load %arg11[%get3A_633, %get3A_634] {strides = array<i32>} : memref<64x128xf32, #tpu.memory_space<vmem>>, vector<16xf32>,
        %get3A_636 = arith.index_cast %add3A_599 : i32 to index
        %get3A_637 = arith.constant 64 : index
        %get3A_638 = tpu.vector_load %arg11[%get3A_636, %get3A_637] {strides = array<i32>} : memref<64x128xf32, #tpu.memory_space<vmem>>, vector<16xf32>,
        %get3A_639 = arith.index_cast %add3A_599 : i32 to index
        %get3A_640 = arith.constant 80 : index
        %get3A_641 = tpu.vector_load %arg11[%get3A_639, %get3A_640] {strides = array<i32>} : memref<64x128xf32, #tpu.memory_space<vmem>>, vector<16xf32>,
        %get3A_642 = arith.index_cast %add3A_599 : i32 to index
        %get3A_643 = arith.constant 96 : index
        %get3A_644 = tpu.vector_load %arg11[%get3A_642, %get3A_643] {strides = array<i32>} : memref<64x128xf32, #tpu.memory_space<vmem>>, vector<16xf32>,
        %get3A_645 = arith.index_cast %add3A_599 : i32 to index
        %get3A_646 = arith.constant 112 : index
        %get3A_647 = tpu.vector_load %arg11[%get3A_645, %get3A_646] {strides = array<i32>} : memref<64x128xf32, #tpu.memory_space<vmem>>, vector<16xf32>,
        %mul3A_648 = arith.mulf %get3A_531, %get3A_555 : vector<16xf32>
        %mul3A_649 = arith.mulf %get3A_534, %get3A_558 : vector<16xf32>
        %mul3A_650 = arith.mulf %get3A_537, %get3A_561 : vector<16xf32>
        %mul3A_651 = arith.mulf %get3A_540, %get3A_564 : vector<16xf32>
        %mul3A_652 = arith.mulf %get3A_543, %get3A_567 : vector<16xf32>
        %mul3A_653 = arith.mulf %get3A_546, %get3A_570 : vector<16xf32>
        %mul3A_654 = arith.mulf %get3A_549, %get3A_573 : vector<16xf32>
        %mul3A_655 = arith.mulf %get3A_552, %get3A_576 : vector<16xf32>
        %add3A_656 = arith.addf %mul3A_648, %mul3A_649 : vector<16xf32>
        %add3A_657 = arith.addf %mul3A_650, %mul3A_651 : vector<16xf32>
        %add3A_658 = arith.addf %mul3A_652, %mul3A_653 : vector<16xf32>
        %add3A_659 = arith.addf %mul3A_654, %mul3A_655 : vector<16xf32>
        %add3A_660 = arith.addf %add3A_656, %add3A_657 : vector<16xf32>
        %add3A_661 = arith.addf %add3A_658, %add3A_659 : vector<16xf32>
        %add3A_662 = arith.addf %add3A_660, %add3A_661 : vector<16xf32>
        %swap3A_663 = arith.constant 6 : i32
        %swap3A_664 = arith.index_cast %swap3A_663 : i32 to index
        %swap3A_665 = arith.constant 0 : index
        %swap3A_666 = tpu.vector_load %arg13[%swap3A_664, %swap3A_665] {strides = array<i32>} : memref<16x17xf32, #tpu.memory_space<vmem>>, vector<16xf32>,
        tpu.vector_store %arg13[%swap3A_664, %swap3A_665], %add3A_662 {strides = array<i32>} : memref<16x17xf32, #tpu.memory_space<vmem>>, vector<16xf32>,
        %mul3A_667 = arith.constant 16 : i32
        %mul3A_668 = arith.muli %add3A_119, %mul3A_667 : i32
        %add3A_669 = arith.constant 8 : i32
        %add3A_670 = arith.addi %mul3A_668, %add3A_669 : i32
        %get3A_671 = arith.index_cast %add3A_670 : i32 to index
        %get3A_672 = arith.constant 0 : index
        %get3A_673 = tpu.vector_load %arg9[%get3A_671, %get3A_672] {strides = array<i32>} : memref<64x128xf32, #tpu.memory_space<vmem>>, vector<16xf32>,
        %get3A_674 = arith.index_cast %add3A_670 : i32 to index
        %get3A_675 = arith.constant 16 : index
        %get3A_676 = tpu.vector_load %arg9[%get3A_674, %get3A_675] {strides = array<i32>} : memref<64x128xf32, #tpu.memory_space<vmem>>, vector<16xf32>,
        %get3A_677 = arith.index_cast %add3A_670 : i32 to index
        %get3A_678 = arith.constant 32 : index
        %get3A_679 = tpu.vector_load %arg9[%get3A_677, %get3A_678] {strides = array<i32>} : memref<64x128xf32, #tpu.memory_space<vmem>>, vector<16xf32>,
        %get3A_680 = arith.index_cast %add3A_670 : i32 to index
        %get3A_681 = arith.constant 48 : index
        %get3A_682 = tpu.vector_load %arg9[%get3A_680, %get3A_681] {strides = array<i32>} : memref<64x128xf32, #tpu.memory_space<vmem>>, vector<16xf32>,
        %get3A_683 = arith.index_cast %add3A_670 : i32 to index
        %get3A_684 = arith.constant 64 : index
        %get3A_685 = tpu.vector_load %arg9[%get3A_683, %get3A_684] {strides = array<i32>} : memref<64x128xf32, #tpu.memory_space<vmem>>, vector<16xf32>,
        %get3A_686 = arith.index_cast %add3A_670 : i32 to index
        %get3A_687 = arith.constant 80 : index
        %get3A_688 = tpu.vector_load %arg9[%get3A_686, %get3A_687] {strides = array<i32>} : memref<64x128xf32, #tpu.memory_space<vmem>>, vector<16xf32>,
        %get3A_689 = arith.index_cast %add3A_670 : i32 to index
        %get3A_690 = arith.constant 96 : index
        %get3A_691 = tpu.vector_load %arg9[%get3A_689, %get3A_690] {strides = array<i32>} : memref<64x128xf32, #tpu.memory_space<vmem>>, vector<16xf32>,
        %get3A_692 = arith.index_cast %add3A_670 : i32 to index
        %get3A_693 = arith.constant 112 : index
        %get3A_694 = tpu.vector_load %arg9[%get3A_692, %get3A_693] {strides = array<i32>} : memref<64x128xf32, #tpu.memory_space<vmem>>, vector<16xf32>,
        %get3A_695 = arith.index_cast %add3A_670 : i32 to index
        %get3A_696 = arith.constant 0 : index
        %get3A_697 = tpu.vector_load %arg11[%get3A_695, %get3A_696] {strides = array<i32>} : memref<64x128xf32, #tpu.memory_space<vmem>>, vector<16xf32>,
        %get3A_698 = arith.index_cast %add3A_670 : i32 to index
        %get3A_699 = arith.constant 16 : index
        %get3A_700 = tpu.vector_load %arg11[%get3A_698, %get3A_699] {strides = array<i32>} : memref<64x128xf32, #tpu.memory_space<vmem>>, vector<16xf32>,
        %get3A_701 = arith.index_cast %add3A_670 : i32 to index
        %get3A_702 = arith.constant 32 : index
        %get3A_703 = tpu.vector_load %arg11[%get3A_701, %get3A_702] {strides = array<i32>} : memref<64x128xf32, #tpu.memory_space<vmem>>, vector<16xf32>,
        %get3A_704 = arith.index_cast %add3A_670 : i32 to index
        %get3A_705 = arith.constant 48 : index
        %get3A_706 = tpu.vector_load %arg11[%get3A_704, %get3A_705] {strides = array<i32>} : memref<64x128xf32, #tpu.memory_space<vmem>>, vector<16xf32>,
        %get3A_707 = arith.index_cast %add3A_670 : i32 to index
        %get3A_708 = arith.constant 64 : index
        %get3A_709 = tpu.vector_load %arg11[%get3A_707, %get3A_708] {strides = array<i32>} : memref<64x128xf32, #tpu.memory_space<vmem>>, vector<16xf32>,
        %get3A_710 = arith.index_cast %add3A_670 : i32 to index
        %get3A_711 = arith.constant 80 : index
        %get3A_712 = tpu.vector_load %arg11[%get3A_710, %get3A_711] {strides = array<i32>} : memref<64x128xf32, #tpu.memory_space<vmem>>, vector<16xf32>,
        %get3A_713 = arith.index_cast %add3A_670 : i32 to index
        %get3A_714 = arith.constant 96 : index
        %get3A_715 = tpu.vector_load %arg11[%get3A_713, %get3A_714] {strides = array<i32>} : memref<64x128xf32, #tpu.memory_space<vmem>>, vector<16xf32>,
        %get3A_716 = arith.index_cast %add3A_670 : i32 to index
        %get3A_717 = arith.constant 112 : index
        %get3A_718 = tpu.vector_load %arg11[%get3A_716, %get3A_717] {strides = array<i32>} : memref<64x128xf32, #tpu.memory_space<vmem>>, vector<16xf32>,
        %mul3A_719 = arith.mulf %get3A_602, %get3A_626 : vector<16xf32>
        %mul3A_720 = arith.mulf %get3A_605, %get3A_629 : vector<16xf32>
        %mul3A_721 = arith.mulf %get3A_608, %get3A_632 : vector<16xf32>
        %mul3A_722 = arith.mulf %get3A_611, %get3A_635 : vector<16xf32>
        %mul3A_723 = arith.mulf %get3A_614, %get3A_638 : vector<16xf32>
        %mul3A_724 = arith.mulf %get3A_617, %get3A_641 : vector<16xf32>
        %mul3A_725 = arith.mulf %get3A_620, %get3A_644 : vector<16xf32>
        %mul3A_726 = arith.mulf %get3A_623, %get3A_647 : vector<16xf32>
        %add3A_727 = arith.addf %mul3A_719, %mul3A_720 : vector<16xf32>
        %add3A_728 = arith.addf %mul3A_721, %mul3A_722 : vector<16xf32>
        %add3A_729 = arith.addf %mul3A_723, %mul3A_724 : vector<16xf32>
        %add3A_730 = arith.addf %mul3A_725, %mul3A_726 : vector<16xf32>
        %add3A_731 = arith.addf %add3A_727, %add3A_728 : vector<16xf32>
        %add3A_732 = arith.addf %add3A_729, %add3A_730 : vector<16xf32>
        %add3A_733 = arith.addf %add3A_731, %add3A_732 : vector<16xf32>
        %swap3A_734 = arith.constant 7 : i32
        %swap3A_735 = arith.index_cast %swap3A_734 : i32 to index
        %swap3A_736 = arith.constant 0 : index
        %swap3A_737 = tpu.vector_load %arg13[%swap3A_735, %swap3A_736] {strides = array<i32>} : memref<16x17xf32, #tpu.memory_space<vmem>>, vector<16xf32>,
        tpu.vector_store %arg13[%swap3A_735, %swap3A_736], %add3A_733 {strides = array<i32>} : memref<16x17xf32, #tpu.memory_space<vmem>>, vector<16xf32>,
        %mul3A_738 = arith.constant 16 : i32
        %mul3A_739 = arith.muli %add3A_119, %mul3A_738 : i32
        %add3A_740 = arith.constant 9 : i32
        %add3A_741 = arith.addi %mul3A_739, %add3A_740 : i32
        %get3A_742 = arith.index_cast %add3A_741 : i32 to index
        %get3A_743 = arith.constant 0 : index
        %get3A_744 = tpu.vector_load %arg9[%get3A_742, %get3A_743] {strides = array<i32>} : memref<64x128xf32, #tpu.memory_space<vmem>>, vector<16xf32>,
        %get3A_745 = arith.index_cast %add3A_741 : i32 to index
        %get3A_746 = arith.constant 16 : index
        %get3A_747 = tpu.vector_load %arg9[%get3A_745, %get3A_746] {strides = array<i32>} : memref<64x128xf32, #tpu.memory_space<vmem>>, vector<16xf32>,
        %get3A_748 = arith.index_cast %add3A_741 : i32 to index
        %get3A_749 = arith.constant 32 : index
        %get3A_750 = tpu.vector_load %arg9[%get3A_748, %get3A_749] {strides = array<i32>} : memref<64x128xf32, #tpu.memory_space<vmem>>, vector<16xf32>,
        %get3A_751 = arith.index_cast %add3A_741 : i32 to index
        %get3A_752 = arith.constant 48 : index
        %get3A_753 = tpu.vector_load %arg9[%get3A_751, %get3A_752] {strides = array<i32>} : memref<64x128xf32, #tpu.memory_space<vmem>>, vector<16xf32>,
        %get3A_754 = arith.index_cast %add3A_741 : i32 to index
        %get3A_755 = arith.constant 64 : index
        %get3A_756 = tpu.vector_load %arg9[%get3A_754, %get3A_755] {strides = array<i32>} : memref<64x128xf32, #tpu.memory_space<vmem>>, vector<16xf32>,
        %get3A_757 = arith.index_cast %add3A_741 : i32 to index
        %get3A_758 = arith.constant 80 : index
        %get3A_759 = tpu.vector_load %arg9[%get3A_757, %get3A_758] {strides = array<i32>} : memref<64x128xf32, #tpu.memory_space<vmem>>, vector<16xf32>,
        %get3A_760 = arith.index_cast %add3A_741 : i32 to index
        %get3A_761 = arith.constant 96 : index
        %get3A_762 = tpu.vector_load %arg9[%get3A_760, %get3A_761] {strides = array<i32>} : memref<64x128xf32, #tpu.memory_space<vmem>>, vector<16xf32>,
        %get3A_763 = arith.index_cast %add3A_741 : i32 to index
        %get3A_764 = arith.constant 112 : index
        %get3A_765 = tpu.vector_load %arg9[%get3A_763, %get3A_764] {strides = array<i32>} : memref<64x128xf32, #tpu.memory_space<vmem>>, vector<16xf32>,
        %get3A_766 = arith.index_cast %add3A_741 : i32 to index
        %get3A_767 = arith.constant 0 : index
        %get3A_768 = tpu.vector_load %arg11[%get3A_766, %get3A_767] {strides = array<i32>} : memref<64x128xf32, #tpu.memory_space<vmem>>, vector<16xf32>,
        %get3A_769 = arith.index_cast %add3A_741 : i32 to index
        %get3A_770 = arith.constant 16 : index
        %get3A_771 = tpu.vector_load %arg11[%get3A_769, %get3A_770] {strides = array<i32>} : memref<64x128xf32, #tpu.memory_space<vmem>>, vector<16xf32>,
        %get3A_772 = arith.index_cast %add3A_741 : i32 to index
        %get3A_773 = arith.constant 32 : index
        %get3A_774 = tpu.vector_load %arg11[%get3A_772, %get3A_773] {strides = array<i32>} : memref<64x128xf32, #tpu.memory_space<vmem>>, vector<16xf32>,
        %get3A_775 = arith.index_cast %add3A_741 : i32 to index
        %get3A_776 = arith.constant 48 : index
        %get3A_777 = tpu.vector_load %arg11[%get3A_775, %get3A_776] {strides = array<i32>} : memref<64x128xf32, #tpu.memory_space<vmem>>, vector<16xf32>,
        %get3A_778 = arith.index_cast %add3A_741 : i32 to index
        %get3A_779 = arith.constant 64 : index
        %get3A_780 = tpu.vector_load %arg11[%get3A_778, %get3A_779] {strides = array<i32>} : memref<64x128xf32, #tpu.memory_space<vmem>>, vector<16xf32>,
        %get3A_781 = arith.index_cast %add3A_741 : i32 to index
        %get3A_782 = arith.constant 80 : index
        %get3A_783 = tpu.vector_load %arg11[%get3A_781, %get3A_782] {strides = array<i32>} : memref<64x128xf32, #tpu.memory_space<vmem>>, vector<16xf32>,
        %get3A_784 = arith.index_cast %add3A_741 : i32 to index
        %get3A_785 = arith.constant 96 : index
        %get3A_786 = tpu.vector_load %arg11[%get3A_784, %get3A_785] {strides = array<i32>} : memref<64x128xf32, #tpu.memory_space<vmem>>, vector<16xf32>,
        %get3A_787 = arith.index_cast %add3A_741 : i32 to index
        %get3A_788 = arith.constant 112 : index
        %get3A_789 = tpu.vector_load %arg11[%get3A_787, %get3A_788] {strides = array<i32>} : memref<64x128xf32, #tpu.memory_space<vmem>>, vector<16xf32>,
        %mul3A_790 = arith.mulf %get3A_673, %get3A_697 : vector<16xf32>
        %mul3A_791 = arith.mulf %get3A_676, %get3A_700 : vector<16xf32>
        %mul3A_792 = arith.mulf %get3A_679, %get3A_703 : vector<16xf32>
        %mul3A_793 = arith.mulf %get3A_682, %get3A_706 : vector<16xf32>
        %mul3A_794 = arith.mulf %get3A_685, %get3A_709 : vector<16xf32>
        %mul3A_795 = arith.mulf %get3A_688, %get3A_712 : vector<16xf32>
        %mul3A_796 = arith.mulf %get3A_691, %get3A_715 : vector<16xf32>
        %mul3A_797 = arith.mulf %get3A_694, %get3A_718 : vector<16xf32>
        %add3A_798 = arith.addf %mul3A_790, %mul3A_791 : vector<16xf32>
        %add3A_799 = arith.addf %mul3A_792, %mul3A_793 : vector<16xf32>
        %add3A_800 = arith.addf %mul3A_794, %mul3A_795 : vector<16xf32>
        %add3A_801 = arith.addf %mul3A_796, %mul3A_797 : vector<16xf32>
        %add3A_802 = arith.addf %add3A_798, %add3A_799 : vector<16xf32>
        %add3A_803 = arith.addf %add3A_800, %add3A_801 : vector<16xf32>
        %add3A_804 = arith.addf %add3A_802, %add3A_803 : vector<16xf32>
        %swap3A_805 = arith.constant 8 : i32
        %swap3A_806 = arith.index_cast %swap3A_805 : i32 to index
        %swap3A_807 = arith.constant 0 : index
        %swap3A_808 = tpu.vector_load %arg13[%swap3A_806, %swap3A_807] {strides = array<i32>} : memref<16x17xf32, #tpu.memory_space<vmem>>, vector<16xf32>,
        tpu.vector_store %arg13[%swap3A_806, %swap3A_807], %add3A_804 {strides = array<i32>} : memref<16x17xf32, #tpu.memory_space<vmem>>, vector<16xf32>,
        %mul3A_809 = arith.constant 16 : i32
        %mul3A_810 = arith.muli %add3A_119, %mul3A_809 : i32
        %add3A_811 = arith.constant 10 : i32
        %add3A_812 = arith.addi %mul3A_810, %add3A_811 : i32
        %get3A_813 = arith.index_cast %add3A_812 : i32 to index
        %get3A_814 = arith.constant 0 : index
        %get3A_815 = tpu.vector_load %arg9[%get3A_813, %get3A_814] {strides = array<i32>} : memref<64x128xf32, #tpu.memory_space<vmem>>, vector<16xf32>,
        %get3A_816 = arith.index_cast %add3A_812 : i32 to index
        %get3A_817 = arith.constant 16 : index
        %get3A_818 = tpu.vector_load %arg9[%get3A_816, %get3A_817] {strides = array<i32>} : memref<64x128xf32, #tpu.memory_space<vmem>>, vector<16xf32>,
        %get3A_819 = arith.index_cast %add3A_812 : i32 to index
        %get3A_820 = arith.constant 32 : index
        %get3A_821 = tpu.vector_load %arg9[%get3A_819, %get3A_820] {strides = array<i32>} : memref<64x128xf32, #tpu.memory_space<vmem>>, vector<16xf32>,
        %get3A_822 = arith.index_cast %add3A_812 : i32 to index
        %get3A_823 = arith.constant 48 : index
        %get3A_824 = tpu.vector_load %arg9[%get3A_822, %get3A_823] {strides = array<i32>} : memref<64x128xf32, #tpu.memory_space<vmem>>, vector<16xf32>,
        %get3A_825 = arith.index_cast %add3A_812 : i32 to index
        %get3A_826 = arith.constant 64 : index
        %get3A_827 = tpu.vector_load %arg9[%get3A_825, %get3A_826] {strides = array<i32>} : memref<64x128xf32, #tpu.memory_space<vmem>>, vector<16xf32>,
        %get3A_828 = arith.index_cast %add3A_812 : i32 to index
        %get3A_829 = arith.constant 80 : index
        %get3A_830 = tpu.vector_load %arg9[%get3A_828, %get3A_829] {strides = array<i32>} : memref<64x128xf32, #tpu.memory_space<vmem>>, vector<16xf32>,
        %get3A_831 = arith.index_cast %add3A_812 : i32 to index
        %get3A_832 = arith.constant 96 : index
        %get3A_833 = tpu.vector_load %arg9[%get3A_831, %get3A_832] {strides = array<i32>} : memref<64x128xf32, #tpu.memory_space<vmem>>, vector<16xf32>,
        %get3A_834 = arith.index_cast %add3A_812 : i32 to index
        %get3A_835 = arith.constant 112 : index
        %get3A_836 = tpu.vector_load %arg9[%get3A_834, %get3A_835] {strides = array<i32>} : memref<64x128xf32, #tpu.memory_space<vmem>>, vector<16xf32>,
        %get3A_837 = arith.index_cast %add3A_812 : i32 to index
        %get3A_838 = arith.constant 0 : index
        %get3A_839 = tpu.vector_load %arg11[%get3A_837, %get3A_838] {strides = array<i32>} : memref<64x128xf32, #tpu.memory_space<vmem>>, vector<16xf32>,
        %get3A_840 = arith.index_cast %add3A_812 : i32 to index
        %get3A_841 = arith.constant 16 : index
        %get3A_842 = tpu.vector_load %arg11[%get3A_840, %get3A_841] {strides = array<i32>} : memref<64x128xf32, #tpu.memory_space<vmem>>, vector<16xf32>,
        %get3A_843 = arith.index_cast %add3A_812 : i32 to index
        %get3A_844 = arith.constant 32 : index
        %get3A_845 = tpu.vector_load %arg11[%get3A_843, %get3A_844] {strides = array<i32>} : memref<64x128xf32, #tpu.memory_space<vmem>>, vector<16xf32>,
        %get3A_846 = arith.index_cast %add3A_812 : i32 to index
        %get3A_847 = arith.constant 48 : index
        %get3A_848 = tpu.vector_load %arg11[%get3A_846, %get3A_847] {strides = array<i32>} : memref<64x128xf32, #tpu.memory_space<vmem>>, vector<16xf32>,
        %get3A_849 = arith.index_cast %add3A_812 : i32 to index
        %get3A_850 = arith.constant 64 : index
        %get3A_851 = tpu.vector_load %arg11[%get3A_849, %get3A_850] {strides = array<i32>} : memref<64x128xf32, #tpu.memory_space<vmem>>, vector<16xf32>,
        %get3A_852 = arith.index_cast %add3A_812 : i32 to index
        %get3A_853 = arith.constant 80 : index
        %get3A_854 = tpu.vector_load %arg11[%get3A_852, %get3A_853] {strides = array<i32>} : memref<64x128xf32, #tpu.memory_space<vmem>>, vector<16xf32>,
        %get3A_855 = arith.index_cast %add3A_812 : i32 to index
        %get3A_856 = arith.constant 96 : index
        %get3A_857 = tpu.vector_load %arg11[%get3A_855, %get3A_856] {strides = array<i32>} : memref<64x128xf32, #tpu.memory_space<vmem>>, vector<16xf32>,
        %get3A_858 = arith.index_cast %add3A_812 : i32 to index
        %get3A_859 = arith.constant 112 : index
        %get3A_860 = tpu.vector_load %arg11[%get3A_858, %get3A_859] {strides = array<i32>} : memref<64x128xf32, #tpu.memory_space<vmem>>, vector<16xf32>,
        %mul3A_861 = arith.mulf %get3A_744, %get3A_768 : vector<16xf32>
        %mul3A_862 = arith.mulf %get3A_747, %get3A_771 : vector<16xf32>
        %mul3A_863 = arith.mulf %get3A_750, %get3A_774 : vector<16xf32>
        %mul3A_864 = arith.mulf %get3A_753, %get3A_777 : vector<16xf32>
        %mul3A_865 = arith.mulf %get3A_756, %get3A_780 : vector<16xf32>
        %mul3A_866 = arith.mulf %get3A_759, %get3A_783 : vector<16xf32>
        %mul3A_867 = arith.mulf %get3A_762, %get3A_786 : vector<16xf32>
        %mul3A_868 = arith.mulf %get3A_765, %get3A_789 : vector<16xf32>
        %add3A_869 = arith.addf %mul3A_861, %mul3A_862 : vector<16xf32>
        %add3A_870 = arith.addf %mul3A_863, %mul3A_864 : vector<16xf32>
        %add3A_871 = arith.addf %mul3A_865, %mul3A_866 : vector<16xf32>
        %add3A_872 = arith.addf %mul3A_867, %mul3A_868 : vector<16xf32>
        %add3A_873 = arith.addf %add3A_869, %add3A_870 : vector<16xf32>
        %add3A_874 = arith.addf %add3A_871, %add3A_872 : vector<16xf32>
        %add3A_875 = arith.addf %add3A_873, %add3A_874 : vector<16xf32>
        %swap3A_876 = arith.constant 9 : i32
        %swap3A_877 = arith.index_cast %swap3A_876 : i32 to index
        %swap3A_878 = arith.constant 0 : index
        %swap3A_879 = tpu.vector_load %arg13[%swap3A_877, %swap3A_878] {strides = array<i32>} : memref<16x17xf32, #tpu.memory_space<vmem>>, vector<16xf32>,
        tpu.vector_store %arg13[%swap3A_877, %swap3A_878], %add3A_875 {strides = array<i32>} : memref<16x17xf32, #tpu.memory_space<vmem>>, vector<16xf32>,
        %mul3A_880 = arith.constant 16 : i32
        %mul3A_881 = arith.muli %add3A_119, %mul3A_880 : i32
        %add3A_882 = arith.constant 11 : i32
        %add3A_883 = arith.addi %mul3A_881, %add3A_882 : i32
        %get3A_884 = arith.index_cast %add3A_883 : i32 to index
        %get3A_885 = arith.constant 0 : index
        %get3A_886 = tpu.vector_load %arg9[%get3A_884, %get3A_885] {strides = array<i32>} : memref<64x128xf32, #tpu.memory_space<vmem>>, vector<16xf32>,
        %get3A_887 = arith.index_cast %add3A_883 : i32 to index
        %get3A_888 = arith.constant 16 : index
        %get3A_889 = tpu.vector_load %arg9[%get3A_887, %get3A_888] {strides = array<i32>} : memref<64x128xf32, #tpu.memory_space<vmem>>, vector<16xf32>,
        %get3A_890 = arith.index_cast %add3A_883 : i32 to index
        %get3A_891 = arith.constant 32 : index
        %get3A_892 = tpu.vector_load %arg9[%get3A_890, %get3A_891] {strides = array<i32>} : memref<64x128xf32, #tpu.memory_space<vmem>>, vector<16xf32>,
        %get3A_893 = arith.index_cast %add3A_883 : i32 to index
        %get3A_894 = arith.constant 48 : index
        %get3A_895 = tpu.vector_load %arg9[%get3A_893, %get3A_894] {strides = array<i32>} : memref<64x128xf32, #tpu.memory_space<vmem>>, vector<16xf32>,
        %get3A_896 = arith.index_cast %add3A_883 : i32 to index
        %get3A_897 = arith.constant 64 : index
        %get3A_898 = tpu.vector_load %arg9[%get3A_896, %get3A_897] {strides = array<i32>} : memref<64x128xf32, #tpu.memory_space<vmem>>, vector<16xf32>,
        %get3A_899 = arith.index_cast %add3A_883 : i32 to index
        %get3A_900 = arith.constant 80 : index
        %get3A_901 = tpu.vector_load %arg9[%get3A_899, %get3A_900] {strides = array<i32>} : memref<64x128xf32, #tpu.memory_space<vmem>>, vector<16xf32>,
        %get3A_902 = arith.index_cast %add3A_883 : i32 to index
        %get3A_903 = arith.constant 96 : index
        %get3A_904 = tpu.vector_load %arg9[%get3A_902, %get3A_903] {strides = array<i32>} : memref<64x128xf32, #tpu.memory_space<vmem>>, vector<16xf32>,
        %get3A_905 = arith.index_cast %add3A_883 : i32 to index
        %get3A_906 = arith.constant 112 : index
        %get3A_907 = tpu.vector_load %arg9[%get3A_905, %get3A_906] {strides = array<i32>} : memref<64x128xf32, #tpu.memory_space<vmem>>, vector<16xf32>,
        %get3A_908 = arith.index_cast %add3A_883 : i32 to index
        %get3A_909 = arith.constant 0 : index
        %get3A_910 = tpu.vector_load %arg11[%get3A_908, %get3A_909] {strides = array<i32>} : memref<64x128xf32, #tpu.memory_space<vmem>>, vector<16xf32>,
        %get3A_911 = arith.index_cast %add3A_883 : i32 to index
        %get3A_912 = arith.constant 16 : index
        %get3A_913 = tpu.vector_load %arg11[%get3A_911, %get3A_912] {strides = array<i32>} : memref<64x128xf32, #tpu.memory_space<vmem>>, vector<16xf32>,
        %get3A_914 = arith.index_cast %add3A_883 : i32 to index
        %get3A_915 = arith.constant 32 : index
        %get3A_916 = tpu.vector_load %arg11[%get3A_914, %get3A_915] {strides = array<i32>} : memref<64x128xf32, #tpu.memory_space<vmem>>, vector<16xf32>,
        %get3A_917 = arith.index_cast %add3A_883 : i32 to index
        %get3A_918 = arith.constant 48 : index
        %get3A_919 = tpu.vector_load %arg11[%get3A_917, %get3A_918] {strides = array<i32>} : memref<64x128xf32, #tpu.memory_space<vmem>>, vector<16xf32>,
        %get3A_920 = arith.index_cast %add3A_883 : i32 to index
        %get3A_921 = arith.constant 64 : index
        %get3A_922 = tpu.vector_load %arg11[%get3A_920, %get3A_921] {strides = array<i32>} : memref<64x128xf32, #tpu.memory_space<vmem>>, vector<16xf32>,
        %get3A_923 = arith.index_cast %add3A_883 : i32 to index
        %get3A_924 = arith.constant 80 : index
        %get3A_925 = tpu.vector_load %arg11[%get3A_923, %get3A_924] {strides = array<i32>} : memref<64x128xf32, #tpu.memory_space<vmem>>, vector<16xf32>,
        %get3A_926 = arith.index_cast %add3A_883 : i32 to index
        %get3A_927 = arith.constant 96 : index
        %get3A_928 = tpu.vector_load %arg11[%get3A_926, %get3A_927] {strides = array<i32>} : memref<64x128xf32, #tpu.memory_space<vmem>>, vector<16xf32>,
        %get3A_929 = arith.index_cast %add3A_883 : i32 to index
        %get3A_930 = arith.constant 112 : index
        %get3A_931 = tpu.vector_load %arg11[%get3A_929, %get3A_930] {strides = array<i32>} : memref<64x128xf32, #tpu.memory_space<vmem>>, vector<16xf32>,
        %mul3A_932 = arith.mulf %get3A_815, %get3A_839 : vector<16xf32>
        %mul3A_933 = arith.mulf %get3A_818, %get3A_842 : vector<16xf32>
        %mul3A_934 = arith.mulf %get3A_821, %get3A_845 : vector<16xf32>
        %mul3A_935 = arith.mulf %get3A_824, %get3A_848 : vector<16xf32>
        %mul3A_936 = arith.mulf %get3A_827, %get3A_851 : vector<16xf32>
        %mul3A_937 = arith.mulf %get3A_830, %get3A_854 : vector<16xf32>
        %mul3A_938 = arith.mulf %get3A_833, %get3A_857 : vector<16xf32>
        %mul3A_939 = arith.mulf %get3A_836, %get3A_860 : vector<16xf32>
        %add3A_940 = arith.addf %mul3A_932, %mul3A_933 : vector<16xf32>
        %add3A_941 = arith.addf %mul3A_934, %mul3A_935 : vector<16xf32>
        %add3A_942 = arith.addf %mul3A_936, %mul3A_937 : vector<16xf32>
        %add3A_943 = arith.addf %mul3A_938, %mul3A_939 : vector<16xf32>
        %add3A_944 = arith.addf %add3A_940, %add3A_941 : vector<16xf32>
        %add3A_945 = arith.addf %add3A_942, %add3A_943 : vector<16xf32>
        %add3A_946 = arith.addf %add3A_944, %add3A_945 : vector<16xf32>
        %swap3A_947 = arith.constant 10 : i32
        %swap3A_948 = arith.index_cast %swap3A_947 : i32 to index
        %swap3A_949 = arith.constant 0 : index
        %swap3A_950 = tpu.vector_load %arg13[%swap3A_948, %swap3A_949] {strides = array<i32>} : memref<16x17xf32, #tpu.memory_space<vmem>>, vector<16xf32>,
        tpu.vector_store %arg13[%swap3A_948, %swap3A_949], %add3A_946 {strides = array<i32>} : memref<16x17xf32, #tpu.memory_space<vmem>>, vector<16xf32>,
        %mul3A_951 = arith.constant 16 : i32
        %mul3A_952 = arith.muli %add3A_119, %mul3A_951 : i32
        %add3A_953 = arith.constant 12 : i32
        %add3A_954 = arith.addi %mul3A_952, %add3A_953 : i32
        %get3A_955 = arith.index_cast %add3A_954 : i32 to index
        %get3A_956 = arith.constant 0 : index
        %get3A_957 = tpu.vector_load %arg9[%get3A_955, %get3A_956] {strides = array<i32>} : memref<64x128xf32, #tpu.memory_space<vmem>>, vector<16xf32>,
        %get3A_958 = arith.index_cast %add3A_954 : i32 to index
        %get3A_959 = arith.constant 16 : index
        %get3A_960 = tpu.vector_load %arg9[%get3A_958, %get3A_959] {strides = array<i32>} : memref<64x128xf32, #tpu.memory_space<vmem>>, vector<16xf32>,
        %get3A_961 = arith.index_cast %add3A_954 : i32 to index
        %get3A_962 = arith.constant 32 : index
        %get3A_963 = tpu.vector_load %arg9[%get3A_961, %get3A_962] {strides = array<i32>} : memref<64x128xf32, #tpu.memory_space<vmem>>, vector<16xf32>,
        %get3A_964 = arith.index_cast %add3A_954 : i32 to index
        %get3A_965 = arith.constant 48 : index
        %get3A_966 = tpu.vector_load %arg9[%get3A_964, %get3A_965] {strides = array<i32>} : memref<64x128xf32, #tpu.memory_space<vmem>>, vector<16xf32>,
        %get3A_967 = arith.index_cast %add3A_954 : i32 to index
        %get3A_968 = arith.constant 64 : index
        %get3A_969 = tpu.vector_load %arg9[%get3A_967, %get3A_968] {strides = array<i32>} : memref<64x128xf32, #tpu.memory_space<vmem>>, vector<16xf32>,
        %get3A_970 = arith.index_cast %add3A_954 : i32 to index
        %get3A_971 = arith.constant 80 : index
        %get3A_972 = tpu.vector_load %arg9[%get3A_970, %get3A_971] {strides = array<i32>} : memref<64x128xf32, #tpu.memory_space<vmem>>, vector<16xf32>,
        %get3A_973 = arith.index_cast %add3A_954 : i32 to index
        %get3A_974 = arith.constant 96 : index
        %get3A_975 = tpu.vector_load %arg9[%get3A_973, %get3A_974] {strides = array<i32>} : memref<64x128xf32, #tpu.memory_space<vmem>>, vector<16xf32>,
        %get3A_976 = arith.index_cast %add3A_954 : i32 to index
        %get3A_977 = arith.constant 112 : index
        %get3A_978 = tpu.vector_load %arg9[%get3A_976, %get3A_977] {strides = array<i32>} : memref<64x128xf32, #tpu.memory_space<vmem>>, vector<16xf32>,
        %get3A_979 = arith.index_cast %add3A_954 : i32 to index
        %get3A_980 = arith.constant 0 : index
        %get3A_981 = tpu.vector_load %arg11[%get3A_979, %get3A_980] {strides = array<i32>} : memref<64x128xf32, #tpu.memory_space<vmem>>, vector<16xf32>,
        %get3A_982 = arith.index_cast %add3A_954 : i32 to index
        %get3A_983 = arith.constant 16 : index
        %get3A_984 = tpu.vector_load %arg11[%get3A_982, %get3A_983] {strides = array<i32>} : memref<64x128xf32, #tpu.memory_space<vmem>>, vector<16xf32>,
        %get3A_985 = arith.index_cast %add3A_954 : i32 to index
        %get3A_986 = arith.constant 32 : index
        %get3A_987 = tpu.vector_load %arg11[%get3A_985, %get3A_986] {strides = array<i32>} : memref<64x128xf32, #tpu.memory_space<vmem>>, vector<16xf32>,
        %get3A_988 = arith.index_cast %add3A_954 : i32 to index
        %get3A_989 = arith.constant 48 : index
        %get3A_990 = tpu.vector_load %arg11[%get3A_988, %get3A_989] {strides = array<i32>} : memref<64x128xf32, #tpu.memory_space<vmem>>, vector<16xf32>,
        %get3A_991 = arith.index_cast %add3A_954 : i32 to index
        %get3A_992 = arith.constant 64 : index
        %get3A_993 = tpu.vector_load %arg11[%get3A_991, %get3A_992] {strides = array<i32>} : memref<64x128xf32, #tpu.memory_space<vmem>>, vector<16xf32>,
        %get3A_994 = arith.index_cast %add3A_954 : i32 to index
        %get3A_995 = arith.constant 80 : index
        %get3A_996 = tpu.vector_load %arg11[%get3A_994, %get3A_995] {strides = array<i32>} : memref<64x128xf32, #tpu.memory_space<vmem>>, vector<16xf32>,
        %get3A_997 = arith.index_cast %add3A_954 : i32 to index
        %get3A_998 = arith.constant 96 : index
        %get3A_999 = tpu.vector_load %arg11[%get3A_997, %get3A_998] {strides = array<i32>} : memref<64x128xf32, #tpu.memory_space<vmem>>, vector<16xf32>,
        %get3A_1000 = arith.index_cast %add3A_954 : i32 to index
        %get3A_1001 = arith.constant 112 : index
        %get3A_1002 = tpu.vector_load %arg11[%get3A_1000, %get3A_1001] {strides = array<i32>} : memref<64x128xf32, #tpu.memory_space<vmem>>, vector<16xf32>,
        %mul3A_1003 = arith.mulf %get3A_886, %get3A_910 : vector<16xf32>
        %mul3A_1004 = arith.mulf %get3A_889, %get3A_913 : vector<16xf32>
        %mul3A_1005 = arith.mulf %get3A_892, %get3A_916 : vector<16xf32>
        %mul3A_1006 = arith.mulf %get3A_895, %get3A_919 : vector<16xf32>
        %mul3A_1007 = arith.mulf %get3A_898, %get3A_922 : vector<16xf32>
        %mul3A_1008 = arith.mulf %get3A_901, %get3A_925 : vector<16xf32>
        %mul3A_1009 = arith.mulf %get3A_904, %get3A_928 : vector<16xf32>
        %mul3A_1010 = arith.mulf %get3A_907, %get3A_931 : vector<16xf32>
        %add3A_1011 = arith.addf %mul3A_1003, %mul3A_1004 : vector<16xf32>
        %add3A_1012 = arith.addf %mul3A_1005, %mul3A_1006 : vector<16xf32>
        %add3A_1013 = arith.addf %mul3A_1007, %mul3A_1008 : vector<16xf32>
        %add3A_1014 = arith.addf %mul3A_1009, %mul3A_1010 : vector<16xf32>
        %add3A_1015 = arith.addf %add3A_1011, %add3A_1012 : vector<16xf32>
        %add3A_1016 = arith.addf %add3A_1013, %add3A_1014 : vector<16xf32>
        %add3A_1017 = arith.addf %add3A_1015, %add3A_1016 : vector<16xf32>
        %swap3A_1018 = arith.constant 11 : i32
        %swap3A_1019 = arith.index_cast %swap3A_1018 : i32 to index
        %swap3A_1020 = arith.constant 0 : index
        %swap3A_1021 = tpu.vector_load %arg13[%swap3A_1019, %swap3A_1020] {strides = array<i32>} : memref<16x17xf32, #tpu.memory_space<vmem>>, vector<16xf32>,
        tpu.vector_store %arg13[%swap3A_1019, %swap3A_1020], %add3A_1017 {strides = array<i32>} : memref<16x17xf32, #tpu.memory_space<vmem>>, vector<16xf32>,
        %mul3A_1022 = arith.constant 16 : i32
        %mul3A_1023 = arith.muli %add3A_119, %mul3A_1022 : i32
        %add3A_1024 = arith.constant 13 : i32
        %add3A_1025 = arith.addi %mul3A_1023, %add3A_1024 : i32
        %get3A_1026 = arith.index_cast %add3A_1025 : i32 to index
        %get3A_1027 = arith.constant 0 : index
        %get3A_1028 = tpu.vector_load %arg9[%get3A_1026, %get3A_1027] {strides = array<i32>} : memref<64x128xf32, #tpu.memory_space<vmem>>, vector<16xf32>,
        %get3A_1029 = arith.index_cast %add3A_1025 : i32 to index
        %get3A_1030 = arith.constant 16 : index
        %get3A_1031 = tpu.vector_load %arg9[%get3A_1029, %get3A_1030] {strides = array<i32>} : memref<64x128xf32, #tpu.memory_space<vmem>>, vector<16xf32>,
        %get3A_1032 = arith.index_cast %add3A_1025 : i32 to index
        %get3A_1033 = arith.constant 32 : index
        %get3A_1034 = tpu.vector_load %arg9[%get3A_1032, %get3A_1033] {strides = array<i32>} : memref<64x128xf32, #tpu.memory_space<vmem>>, vector<16xf32>,
        %get3A_1035 = arith.index_cast %add3A_1025 : i32 to index
        %get3A_1036 = arith.constant 48 : index
        %get3A_1037 = tpu.vector_load %arg9[%get3A_1035, %get3A_1036] {strides = array<i32>} : memref<64x128xf32, #tpu.memory_space<vmem>>, vector<16xf32>,
        %get3A_1038 = arith.index_cast %add3A_1025 : i32 to index
        %get3A_1039 = arith.constant 64 : index
        %get3A_1040 = tpu.vector_load %arg9[%get3A_1038, %get3A_1039] {strides = array<i32>} : memref<64x128xf32, #tpu.memory_space<vmem>>, vector<16xf32>,
        %get3A_1041 = arith.index_cast %add3A_1025 : i32 to index
        %get3A_1042 = arith.constant 80 : index
        %get3A_1043 = tpu.vector_load %arg9[%get3A_1041, %get3A_1042] {strides = array<i32>} : memref<64x128xf32, #tpu.memory_space<vmem>>, vector<16xf32>,
        %get3A_1044 = arith.index_cast %add3A_1025 : i32 to index
        %get3A_1045 = arith.constant 96 : index
        %get3A_1046 = tpu.vector_load %arg9[%get3A_1044, %get3A_1045] {strides = array<i32>} : memref<64x128xf32, #tpu.memory_space<vmem>>, vector<16xf32>,
        %get3A_1047 = arith.index_cast %add3A_1025 : i32 to index
        %get3A_1048 = arith.constant 112 : index
        %get3A_1049 = tpu.vector_load %arg9[%get3A_1047, %get3A_1048] {strides = array<i32>} : memref<64x128xf32, #tpu.memory_space<vmem>>, vector<16xf32>,
        %get3A_1050 = arith.index_cast %add3A_1025 : i32 to index
        %get3A_1051 = arith.constant 0 : index
        %get3A_1052 = tpu.vector_load %arg11[%get3A_1050, %get3A_1051] {strides = array<i32>} : memref<64x128xf32, #tpu.memory_space<vmem>>, vector<16xf32>,
        %get3A_1053 = arith.index_cast %add3A_1025 : i32 to index
        %get3A_1054 = arith.constant 16 : index
        %get3A_1055 = tpu.vector_load %arg11[%get3A_1053, %get3A_1054] {strides = array<i32>} : memref<64x128xf32, #tpu.memory_space<vmem>>, vector<16xf32>,
        %get3A_1056 = arith.index_cast %add3A_1025 : i32 to index
        %get3A_1057 = arith.constant 32 : index
        %get3A_1058 = tpu.vector_load %arg11[%get3A_1056, %get3A_1057] {strides = array<i32>} : memref<64x128xf32, #tpu.memory_space<vmem>>, vector<16xf32>,
        %get3A_1059 = arith.index_cast %add3A_1025 : i32 to index
        %get3A_1060 = arith.constant 48 : index
        %get3A_1061 = tpu.vector_load %arg11[%get3A_1059, %get3A_1060] {strides = array<i32>} : memref<64x128xf32, #tpu.memory_space<vmem>>, vector<16xf32>,
        %get3A_1062 = arith.index_cast %add3A_1025 : i32 to index
        %get3A_1063 = arith.constant 64 : index
        %get3A_1064 = tpu.vector_load %arg11[%get3A_1062, %get3A_1063] {strides = array<i32>} : memref<64x128xf32, #tpu.memory_space<vmem>>, vector<16xf32>,
        %get3A_1065 = arith.index_cast %add3A_1025 : i32 to index
        %get3A_1066 = arith.constant 80 : index
        %get3A_1067 = tpu.vector_load %arg11[%get3A_1065, %get3A_1066] {strides = array<i32>} : memref<64x128xf32, #tpu.memory_space<vmem>>, vector<16xf32>,
        %get3A_1068 = arith.index_cast %add3A_1025 : i32 to index
        %get3A_1069 = arith.constant 96 : index
        %get3A_1070 = tpu.vector_load %arg11[%get3A_1068, %get3A_1069] {strides = array<i32>} : memref<64x128xf32, #tpu.memory_space<vmem>>, vector<16xf32>,
        %get3A_1071 = arith.index_cast %add3A_1025 : i32 to index
        %get3A_1072 = arith.constant 112 : index
        %get3A_1073 = tpu.vector_load %arg11[%get3A_1071, %get3A_1072] {strides = array<i32>} : memref<64x128xf32, #tpu.memory_space<vmem>>, vector<16xf32>,
        %mul3A_1074 = arith.mulf %get3A_957, %get3A_981 : vector<16xf32>
        %mul3A_1075 = arith.mulf %get3A_960, %get3A_984 : vector<16xf32>
        %mul3A_1076 = arith.mulf %get3A_963, %get3A_987 : vector<16xf32>
        %mul3A_1077 = arith.mulf %get3A_966, %get3A_990 : vector<16xf32>
        %mul3A_1078 = arith.mulf %get3A_969, %get3A_993 : vector<16xf32>
        %mul3A_1079 = arith.mulf %get3A_972, %get3A_996 : vector<16xf32>
        %mul3A_1080 = arith.mulf %get3A_975, %get3A_999 : vector<16xf32>
        %mul3A_1081 = arith.mulf %get3A_978, %get3A_1002 : vector<16xf32>
        %add3A_1082 = arith.addf %mul3A_1074, %mul3A_1075 : vector<16xf32>
        %add3A_1083 = arith.addf %mul3A_1076, %mul3A_1077 : vector<16xf32>
        %add3A_1084 = arith.addf %mul3A_1078, %mul3A_1079 : vector<16xf32>
        %add3A_1085 = arith.addf %mul3A_1080, %mul3A_1081 : vector<16xf32>
        %add3A_1086 = arith.addf %add3A_1082, %add3A_1083 : vector<16xf32>
        %add3A_1087 = arith.addf %add3A_1084, %add3A_1085 : vector<16xf32>
        %add3A_1088 = arith.addf %add3A_1086, %add3A_1087 : vector<16xf32>
        %swap3A_1089 = arith.constant 12 : i32
        %swap3A_1090 = arith.index_cast %swap3A_1089 : i32 to index
        %swap3A_1091 = arith.constant 0 : index
        %swap3A_1092 = tpu.vector_load %arg13[%swap3A_1090, %swap3A_1091] {strides = array<i32>} : memref<16x17xf32, #tpu.memory_space<vmem>>, vector<16xf32>,
        tpu.vector_store %arg13[%swap3A_1090, %swap3A_1091], %add3A_1088 {strides = array<i32>} : memref<16x17xf32, #tpu.memory_space<vmem>>, vector<16xf32>,
        %mul3A_1093 = arith.constant 16 : i32
        %mul3A_1094 = arith.muli %add3A_119, %mul3A_1093 : i32
        %add3A_1095 = arith.constant 14 : i32
        %add3A_1096 = arith.addi %mul3A_1094, %add3A_1095 : i32
        %get3A_1097 = arith.index_cast %add3A_1096 : i32 to index
        %get3A_1098 = arith.constant 0 : index
        %get3A_1099 = tpu.vector_load %arg9[%get3A_1097, %get3A_1098] {strides = array<i32>} : memref<64x128xf32, #tpu.memory_space<vmem>>, vector<16xf32>,
        %get3A_1100 = arith.index_cast %add3A_1096 : i32 to index
        %get3A_1101 = arith.constant 16 : index
        %get3A_1102 = tpu.vector_load %arg9[%get3A_1100, %get3A_1101] {strides = array<i32>} : memref<64x128xf32, #tpu.memory_space<vmem>>, vector<16xf32>,
        %get3A_1103 = arith.index_cast %add3A_1096 : i32 to index
        %get3A_1104 = arith.constant 32 : index
        %get3A_1105 = tpu.vector_load %arg9[%get3A_1103, %get3A_1104] {strides = array<i32>} : memref<64x128xf32, #tpu.memory_space<vmem>>, vector<16xf32>,
        %get3A_1106 = arith.index_cast %add3A_1096 : i32 to index
        %get3A_1107 = arith.constant 48 : index
        %get3A_1108 = tpu.vector_load %arg9[%get3A_1106, %get3A_1107] {strides = array<i32>} : memref<64x128xf32, #tpu.memory_space<vmem>>, vector<16xf32>,
        %get3A_1109 = arith.index_cast %add3A_1096 : i32 to index
        %get3A_1110 = arith.constant 64 : index
        %get3A_1111 = tpu.vector_load %arg9[%get3A_1109, %get3A_1110] {strides = array<i32>} : memref<64x128xf32, #tpu.memory_space<vmem>>, vector<16xf32>,
        %get3A_1112 = arith.index_cast %add3A_1096 : i32 to index
        %get3A_1113 = arith.constant 80 : index
        %get3A_1114 = tpu.vector_load %arg9[%get3A_1112, %get3A_1113] {strides = array<i32>} : memref<64x128xf32, #tpu.memory_space<vmem>>, vector<16xf32>,
        %get3A_1115 = arith.index_cast %add3A_1096 : i32 to index
        %get3A_1116 = arith.constant 96 : index
        %get3A_1117 = tpu.vector_load %arg9[%get3A_1115, %get3A_1116] {strides = array<i32>} : memref<64x128xf32, #tpu.memory_space<vmem>>, vector<16xf32>,
        %get3A_1118 = arith.index_cast %add3A_1096 : i32 to index
        %get3A_1119 = arith.constant 112 : index
        %get3A_1120 = tpu.vector_load %arg9[%get3A_1118, %get3A_1119] {strides = array<i32>} : memref<64x128xf32, #tpu.memory_space<vmem>>, vector<16xf32>,
        %get3A_1121 = arith.index_cast %add3A_1096 : i32 to index
        %get3A_1122 = arith.constant 0 : index
        %get3A_1123 = tpu.vector_load %arg11[%get3A_1121, %get3A_1122] {strides = array<i32>} : memref<64x128xf32, #tpu.memory_space<vmem>>, vector<16xf32>,
        %get3A_1124 = arith.index_cast %add3A_1096 : i32 to index
        %get3A_1125 = arith.constant 16 : index
        %get3A_1126 = tpu.vector_load %arg11[%get3A_1124, %get3A_1125] {strides = array<i32>} : memref<64x128xf32, #tpu.memory_space<vmem>>, vector<16xf32>,
        %get3A_1127 = arith.index_cast %add3A_1096 : i32 to index
        %get3A_1128 = arith.constant 32 : index
        %get3A_1129 = tpu.vector_load %arg11[%get3A_1127, %get3A_1128] {strides = array<i32>} : memref<64x128xf32, #tpu.memory_space<vmem>>, vector<16xf32>,
        %get3A_1130 = arith.index_cast %add3A_1096 : i32 to index
        %get3A_1131 = arith.constant 48 : index
        %get3A_1132 = tpu.vector_load %arg11[%get3A_1130, %get3A_1131] {strides = array<i32>} : memref<64x128xf32, #tpu.memory_space<vmem>>, vector<16xf32>,
        %get3A_1133 = arith.index_cast %add3A_1096 : i32 to index
        %get3A_1134 = arith.constant 64 : index
        %get3A_1135 = tpu.vector_load %arg11[%get3A_1133, %get3A_1134] {strides = array<i32>} : memref<64x128xf32, #tpu.memory_space<vmem>>, vector<16xf32>,
        %get3A_1136 = arith.index_cast %add3A_1096 : i32 to index
        %get3A_1137 = arith.constant 80 : index
        %get3A_1138 = tpu.vector_load %arg11[%get3A_1136, %get3A_1137] {strides = array<i32>} : memref<64x128xf32, #tpu.memory_space<vmem>>, vector<16xf32>,
        %get3A_1139 = arith.index_cast %add3A_1096 : i32 to index
        %get3A_1140 = arith.constant 96 : index
        %get3A_1141 = tpu.vector_load %arg11[%get3A_1139, %get3A_1140] {strides = array<i32>} : memref<64x128xf32, #tpu.memory_space<vmem>>, vector<16xf32>,
        %get3A_1142 = arith.index_cast %add3A_1096 : i32 to index
        %get3A_1143 = arith.constant 112 : index
        %get3A_1144 = tpu.vector_load %arg11[%get3A_1142, %get3A_1143] {strides = array<i32>} : memref<64x128xf32, #tpu.memory_space<vmem>>, vector<16xf32>,
        %mul3A_1145 = arith.mulf %get3A_1028, %get3A_1052 : vector<16xf32>
        %mul3A_1146 = arith.mulf %get3A_1031, %get3A_1055 : vector<16xf32>
        %mul3A_1147 = arith.mulf %get3A_1034, %get3A_1058 : vector<16xf32>
        %mul3A_1148 = arith.mulf %get3A_1037, %get3A_1061 : vector<16xf32>
        %mul3A_1149 = arith.mulf %get3A_1040, %get3A_1064 : vector<16xf32>
        %mul3A_1150 = arith.mulf %get3A_1043, %get3A_1067 : vector<16xf32>
        %mul3A_1151 = arith.mulf %get3A_1046, %get3A_1070 : vector<16xf32>
        %mul3A_1152 = arith.mulf %get3A_1049, %get3A_1073 : vector<16xf32>
        %add3A_1153 = arith.addf %mul3A_1145, %mul3A_1146 : vector<16xf32>
        %add3A_1154 = arith.addf %mul3A_1147, %mul3A_1148 : vector<16xf32>
        %add3A_1155 = arith.addf %mul3A_1149, %mul3A_1150 : vector<16xf32>
        %add3A_1156 = arith.addf %mul3A_1151, %mul3A_1152 : vector<16xf32>
        %add3A_1157 = arith.addf %add3A_1153, %add3A_1154 : vector<16xf32>
        %add3A_1158 = arith.addf %add3A_1155, %add3A_1156 : vector<16xf32>
        %add3A_1159 = arith.addf %add3A_1157, %add3A_1158 : vector<16xf32>
        %swap3A_1160 = arith.constant 13 : i32
        %swap3A_1161 = arith.index_cast %swap3A_1160 : i32 to index
        %swap3A_1162 = arith.constant 0 : index
        %swap3A_1163 = tpu.vector_load %arg13[%swap3A_1161, %swap3A_1162] {strides = array<i32>} : memref<16x17xf32, #tpu.memory_space<vmem>>, vector<16xf32>,
        tpu.vector_store %arg13[%swap3A_1161, %swap3A_1162], %add3A_1159 {strides = array<i32>} : memref<16x17xf32, #tpu.memory_space<vmem>>, vector<16xf32>,
        %mul3A_1164 = arith.constant 16 : i32
        %mul3A_1165 = arith.muli %add3A_119, %mul3A_1164 : i32
        %add3A_1166 = arith.constant 15 : i32
        %add3A_1167 = arith.addi %mul3A_1165, %add3A_1166 : i32
        %get3A_1168 = arith.index_cast %add3A_1167 : i32 to index
        %get3A_1169 = arith.constant 0 : index
        %get3A_1170 = tpu.vector_load %arg9[%get3A_1168, %get3A_1169] {strides = array<i32>} : memref<64x128xf32, #tpu.memory_space<vmem>>, vector<16xf32>,
        %get3A_1171 = arith.index_cast %add3A_1167 : i32 to index
        %get3A_1172 = arith.constant 16 : index
        %get3A_1173 = tpu.vector_load %arg9[%get3A_1171, %get3A_1172] {strides = array<i32>} : memref<64x128xf32, #tpu.memory_space<vmem>>, vector<16xf32>,
        %get3A_1174 = arith.index_cast %add3A_1167 : i32 to index
        %get3A_1175 = arith.constant 32 : index
        %get3A_1176 = tpu.vector_load %arg9[%get3A_1174, %get3A_1175] {strides = array<i32>} : memref<64x128xf32, #tpu.memory_space<vmem>>, vector<16xf32>,
        %get3A_1177 = arith.index_cast %add3A_1167 : i32 to index
        %get3A_1178 = arith.constant 48 : index
        %get3A_1179 = tpu.vector_load %arg9[%get3A_1177, %get3A_1178] {strides = array<i32>} : memref<64x128xf32, #tpu.memory_space<vmem>>, vector<16xf32>,
        %get3A_1180 = arith.index_cast %add3A_1167 : i32 to index
        %get3A_1181 = arith.constant 64 : index
        %get3A_1182 = tpu.vector_load %arg9[%get3A_1180, %get3A_1181] {strides = array<i32>} : memref<64x128xf32, #tpu.memory_space<vmem>>, vector<16xf32>,
        %get3A_1183 = arith.index_cast %add3A_1167 : i32 to index
        %get3A_1184 = arith.constant 80 : index
        %get3A_1185 = tpu.vector_load %arg9[%get3A_1183, %get3A_1184] {strides = array<i32>} : memref<64x128xf32, #tpu.memory_space<vmem>>, vector<16xf32>,
        %get3A_1186 = arith.index_cast %add3A_1167 : i32 to index
        %get3A_1187 = arith.constant 96 : index
        %get3A_1188 = tpu.vector_load %arg9[%get3A_1186, %get3A_1187] {strides = array<i32>} : memref<64x128xf32, #tpu.memory_space<vmem>>, vector<16xf32>,
        %get3A_1189 = arith.index_cast %add3A_1167 : i32 to index
        %get3A_1190 = arith.constant 112 : index
        %get3A_1191 = tpu.vector_load %arg9[%get3A_1189, %get3A_1190] {strides = array<i32>} : memref<64x128xf32, #tpu.memory_space<vmem>>, vector<16xf32>,
        %get3A_1192 = arith.index_cast %add3A_1167 : i32 to index
        %get3A_1193 = arith.constant 0 : index
        %get3A_1194 = tpu.vector_load %arg11[%get3A_1192, %get3A_1193] {strides = array<i32>} : memref<64x128xf32, #tpu.memory_space<vmem>>, vector<16xf32>,
        %get3A_1195 = arith.index_cast %add3A_1167 : i32 to index
        %get3A_1196 = arith.constant 16 : index
        %get3A_1197 = tpu.vector_load %arg11[%get3A_1195, %get3A_1196] {strides = array<i32>} : memref<64x128xf32, #tpu.memory_space<vmem>>, vector<16xf32>,
        %get3A_1198 = arith.index_cast %add3A_1167 : i32 to index
        %get3A_1199 = arith.constant 32 : index
        %get3A_1200 = tpu.vector_load %arg11[%get3A_1198, %get3A_1199] {strides = array<i32>} : memref<64x128xf32, #tpu.memory_space<vmem>>, vector<16xf32>,
        %get3A_1201 = arith.index_cast %add3A_1167 : i32 to index
        %get3A_1202 = arith.constant 48 : index
        %get3A_1203 = tpu.vector_load %arg11[%get3A_1201, %get3A_1202] {strides = array<i32>} : memref<64x128xf32, #tpu.memory_space<vmem>>, vector<16xf32>,
        %get3A_1204 = arith.index_cast %add3A_1167 : i32 to index
        %get3A_1205 = arith.constant 64 : index
        %get3A_1206 = tpu.vector_load %arg11[%get3A_1204, %get3A_1205] {strides = array<i32>} : memref<64x128xf32, #tpu.memory_space<vmem>>, vector<16xf32>,
        %get3A_1207 = arith.index_cast %add3A_1167 : i32 to index
        %get3A_1208 = arith.constant 80 : index
        %get3A_1209 = tpu.vector_load %arg11[%get3A_1207, %get3A_1208] {strides = array<i32>} : memref<64x128xf32, #tpu.memory_space<vmem>>, vector<16xf32>,
        %get3A_1210 = arith.index_cast %add3A_1167 : i32 to index
        %get3A_1211 = arith.constant 96 : index
        %get3A_1212 = tpu.vector_load %arg11[%get3A_1210, %get3A_1211] {strides = array<i32>} : memref<64x128xf32, #tpu.memory_space<vmem>>, vector<16xf32>,
        %get3A_1213 = arith.index_cast %add3A_1167 : i32 to index
        %get3A_1214 = arith.constant 112 : index
        %get3A_1215 = tpu.vector_load %arg11[%get3A_1213, %get3A_1214] {strides = array<i32>} : memref<64x128xf32, #tpu.memory_space<vmem>>, vector<16xf32>,
        %mul3A_1216 = arith.mulf %get3A_1099, %get3A_1123 : vector<16xf32>
        %mul3A_1217 = arith.mulf %get3A_1102, %get3A_1126 : vector<16xf32>
        %mul3A_1218 = arith.mulf %get3A_1105, %get3A_1129 : vector<16xf32>
        %mul3A_1219 = arith.mulf %get3A_1108, %get3A_1132 : vector<16xf32>
        %mul3A_1220 = arith.mulf %get3A_1111, %get3A_1135 : vector<16xf32>
        %mul3A_1221 = arith.mulf %get3A_1114, %get3A_1138 : vector<16xf32>
        %mul3A_1222 = arith.mulf %get3A_1117, %get3A_1141 : vector<16xf32>
        %mul3A_1223 = arith.mulf %get3A_1120, %get3A_1144 : vector<16xf32>
        %add3A_1224 = arith.addf %mul3A_1216, %mul3A_1217 : vector<16xf32>
        %add3A_1225 = arith.addf %mul3A_1218, %mul3A_1219 : vector<16xf32>
        %add3A_1226 = arith.addf %mul3A_1220, %mul3A_1221 : vector<16xf32>
        %add3A_1227 = arith.addf %mul3A_1222, %mul3A_1223 : vector<16xf32>
        %add3A_1228 = arith.addf %add3A_1224, %add3A_1225 : vector<16xf32>
        %add3A_1229 = arith.addf %add3A_1226, %add3A_1227 : vector<16xf32>
        %add3A_1230 = arith.addf %add3A_1228, %add3A_1229 : vector<16xf32>
        %swap3A_1231 = arith.constant 14 : i32
        %swap3A_1232 = arith.index_cast %swap3A_1231 : i32 to index
        %swap3A_1233 = arith.constant 0 : index
        %swap3A_1234 = tpu.vector_load %arg13[%swap3A_1232, %swap3A_1233] {strides = array<i32>} : memref<16x17xf32, #tpu.memory_space<vmem>>, vector<16xf32>,
        tpu.vector_store %arg13[%swap3A_1232, %swap3A_1233], %add3A_1230 {strides = array<i32>} : memref<16x17xf32, #tpu.memory_space<vmem>>, vector<16xf32>,
        %mul3A_1235 = arith.mulf %get3A_1170, %get3A_1194 : vector<16xf32>
        %mul3A_1236 = arith.mulf %get3A_1173, %get3A_1197 : vector<16xf32>
        %mul3A_1237 = arith.mulf %get3A_1176, %get3A_1200 : vector<16xf32>
        %mul3A_1238 = arith.mulf %get3A_1179, %get3A_1203 : vector<16xf32>
        %mul3A_1239 = arith.mulf %get3A_1182, %get3A_1206 : vector<16xf32>
        %mul3A_1240 = arith.mulf %get3A_1185, %get3A_1209 : vector<16xf32>
        %mul3A_1241 = arith.mulf %get3A_1188, %get3A_1212 : vector<16xf32>
        %mul3A_1242 = arith.mulf %get3A_1191, %get3A_1215 : vector<16xf32>
        %add3A_1243 = arith.addf %mul3A_1235, %mul3A_1236 : vector<16xf32>
        %add3A_1244 = arith.addf %mul3A_1237, %mul3A_1238 : vector<16xf32>
        %add3A_1245 = arith.addf %mul3A_1239, %mul3A_1240 : vector<16xf32>
        %add3A_1246 = arith.addf %mul3A_1241, %mul3A_1242 : vector<16xf32>
        %add3A_1247 = arith.addf %add3A_1243, %add3A_1244 : vector<16xf32>
        %add3A_1248 = arith.addf %add3A_1245, %add3A_1246 : vector<16xf32>
        %add3A_1249 = arith.addf %add3A_1247, %add3A_1248 : vector<16xf32>
        %swap3A_1250 = arith.constant 15 : i32
        %swap3A_1251 = arith.index_cast %swap3A_1250 : i32 to index
        %swap3A_1252 = arith.constant 0 : index
        %swap3A_1253 = tpu.vector_load %arg13[%swap3A_1251, %swap3A_1252] {strides = array<i32>} : memref<16x17xf32, #tpu.memory_space<vmem>>, vector<16xf32>,
        tpu.vector_store %arg13[%swap3A_1251, %swap3A_1252], %add3A_1249 {strides = array<i32>} : memref<16x17xf32, #tpu.memory_space<vmem>>, vector<16xf32>,
        %gather3A = tpu.vector_load_idx %arg13[%iota3A, %broadcast_in_dim3A_9] : memref<16x17xf32, #tpu.memory_space<vmem>>[vector<16xi32>, vector<16xi32>], vector<16xf32>,
        %gather3A_1254 = tpu.vector_load_idx %arg13[%iota3A, %broadcast_in_dim3A_11] : memref<16x17xf32, #tpu.memory_space<vmem>>[vector<16xi32>, vector<16xi32>], vector<16xf32>,
        %gather3A_1255 = tpu.vector_load_idx %arg13[%iota3A, %broadcast_in_dim3A_13] : memref<16x17xf32, #tpu.memory_space<vmem>>[vector<16xi32>, vector<16xi32>], vector<16xf32>,
        %gather3A_1256 = tpu.vector_load_idx %arg13[%iota3A, %broadcast_in_dim3A_15] : memref<16x17xf32, #tpu.memory_space<vmem>>[vector<16xi32>, vector<16xi32>], vector<16xf32>,
        %gather3A_1257 = tpu.vector_load_idx %arg13[%iota3A, %broadcast_in_dim3A_17] : memref<16x17xf32, #tpu.memory_space<vmem>>[vector<16xi32>, vector<16xi32>], vector<16xf32>,
        %gather3A_1258 = tpu.vector_load_idx %arg13[%iota3A, %broadcast_in_dim3A_19] : memref<16x17xf32, #tpu.memory_space<vmem>>[vector<16xi32>, vector<16xi32>], vector<16xf32>,
        %gather3A_1259 = tpu.vector_load_idx %arg13[%iota3A, %broadcast_in_dim3A_21] : memref<16x17xf32, #tpu.memory_space<vmem>>[vector<16xi32>, vector<16xi32>], vector<16xf32>,
        %gather3A_1260 = tpu.vector_load_idx %arg13[%iota3A, %broadcast_in_dim3A_23] : memref<16x17xf32, #tpu.memory_space<vmem>>[vector<16xi32>, vector<16xi32>], vector<16xf32>,
        %gather3A_1261 = tpu.vector_load_idx %arg13[%iota3A, %broadcast_in_dim3A_25] : memref<16x17xf32, #tpu.memory_space<vmem>>[vector<16xi32>, vector<16xi32>], vector<16xf32>,
        %gather3A_1262 = tpu.vector_load_idx %arg13[%iota3A, %broadcast_in_dim3A_27] : memref<16x17xf32, #tpu.memory_space<vmem>>[vector<16xi32>, vector<16xi32>], vector<16xf32>,
        %gather3A_1263 = tpu.vector_load_idx %arg13[%iota3A, %broadcast_in_dim3A_29] : memref<16x17xf32, #tpu.memory_space<vmem>>[vector<16xi32>, vector<16xi32>], vector<16xf32>,
        %gather3A_1264 = tpu.vector_load_idx %arg13[%iota3A, %broadcast_in_dim3A_31] : memref<16x17xf32, #tpu.memory_space<vmem>>[vector<16xi32>, vector<16xi32>], vector<16xf32>,
        %gather3A_1265 = tpu.vector_load_idx %arg13[%iota3A, %broadcast_in_dim3A_33] : memref<16x17xf32, #tpu.memory_space<vmem>>[vector<16xi32>, vector<16xi32>], vector<16xf32>,
        %gather3A_1266 = tpu.vector_load_idx %arg13[%iota3A, %broadcast_in_dim3A_35] : memref<16x17xf32, #tpu.memory_space<vmem>>[vector<16xi32>, vector<16xi32>], vector<16xf32>,
        %gather3A_1267 = tpu.vector_load_idx %arg13[%iota3A, %broadcast_in_dim3A_37] : memref<16x17xf32, #tpu.memory_space<vmem>>[vector<16xi32>, vector<16xi32>], vector<16xf32>,
        %gather3A_1268 = tpu.vector_load_idx %arg13[%iota3A, %broadcast_in_dim3A_39] : memref<16x17xf32, #tpu.memory_space<vmem>>[vector<16xi32>, vector<16xi32>], vector<16xf32>,
        %add3A_1269 = arith.addf %gather3A, %gather3A_1254 : vector<16xf32>
        %add3A_1270 = arith.addf %gather3A_1255, %gather3A_1256 : vector<16xf32>
        %add3A_1271 = arith.addf %gather3A_1257, %gather3A_1258 : vector<16xf32>
        %add3A_1272 = arith.addf %gather3A_1259, %gather3A_1260 : vector<16xf32>
        %add3A_1273 = arith.addf %gather3A_1261, %gather3A_1262 : vector<16xf32>
        %add3A_1274 = arith.addf %gather3A_1263, %gather3A_1264 : vector<16xf32>
        %add3A_1275 = arith.addf %gather3A_1265, %gather3A_1266 : vector<16xf32>
        %add3A_1276 = arith.addf %gather3A_1267, %gather3A_1268 : vector<16xf32>
        %add3A_1277 = arith.addf %add3A_1269, %add3A_1270 : vector<16xf32>
        %add3A_1278 = arith.addf %add3A_1271, %add3A_1272 : vector<16xf32>
        %add3A_1279 = arith.addf %add3A_1273, %add3A_1274 : vector<16xf32>
        %add3A_1280 = arith.addf %add3A_1275, %add3A_1276 : vector<16xf32>
        %add3A_1281 = arith.addf %add3A_1277, %add3A_1278 : vector<16xf32>
        %add3A_1282 = arith.addf %add3A_1279, %add3A_1280 : vector<16xf32>
        %add3A_1283 = arith.addf %add3A_1281, %add3A_1282 : vector<16xf32>
        %mul3A_1284 = arith.constant 64 : i32
        %mul3A_1285 = arith.muli %mul3A_60, %mul3A_1284 : i32
        %mul3A_1286 = arith.constant 16 : i32
        %mul3A_1287 = arith.muli %add3A_119, %mul3A_1286 : i32
        %add3A_1288 = arith.addi %mul3A_1285, %mul3A_1287 : i32
        %swap3A_1289 = arith.index_cast %add3A_1288 : i32 to index
        %swap3A_1290 = tpu.vector_load %arg14[%swap3A_1289] {strides = array<i32>} : memref<512xf32, #tpu.memory_space<vmem>>, vector<16xf32>,
        tpu.vector_store %arg14[%swap3A_1289], %add3A_1283 {strides = array<i32>} : memref<512xf32, #tpu.memory_space<vmem>>, vector<16xf32>,
      }
      %scan3A_93 = arith.constant 4 : i32
      %add3A_94 = arith.constant 1 : i32
      %add3A_95 = arith.addi %add3A_58, %add3A_94 : i32
      %lt3A = arith.constant 4 : i32
      %lt3A_96 = arith.cmpi slt, %add3A_95, %lt3A : i32
      %convert_element_type3A = arith.extui %lt3A_96 : i1 to i32
      %cond3A = arith.constant 0 : i32
      %cond3A_97 = arith.cmpi ne, %convert_element_type3A, %cond3A : i32
      scf.if %cond3A_97 {
        %add3A_115 = arith.constant 2 : i32
        %add3A_116 = arith.addi %mul3A_60, %add3A_115 : i32
        %mul3A_117 = arith.constant 64 : i32
        %mul3A_118 = arith.muli %add3A_116, %mul3A_117 : i32
        %dma_start3A_119 = tpu.memref_slice %arg7[%mul3A_118] : memref<512xi32, #tpu.memory_space<vmem>> -> memref<64xi32, #tpu.memory_space<vmem>>
        %dma_start3A_120 = arith.constant 0 : i32
        %dma_start3A_121 = arith.constant 0 : i32
        %dma_start3A_122 = tpu.memref_slice %arg4[%dma_start3A_120, %dma_start3A_121] : memref<1000000x128xf32, #tpu.memory_space<hbm>> -> memref<1000000x128xf32, #tpu.memory_space<hbm>>
        tpu.enqueue_indirect_dma source(%dma_start3A_122 : memref<1000000x128xf32, #tpu.memory_space<hbm>>) target(%arg9 : memref<64x128xf32, #tpu.memory_space<vmem>>) offsets(%dma_start3A_119 : memref<64xi32, #tpu.memory_space<vmem>>) semaphore(%arg15 : memref<!tpu.dma_semaphore, #tpu.memory_space<semaphore_mem>>)
        %mul3A_123 = arith.constant 64 : i32
        %mul3A_124 = arith.muli %add3A_116, %mul3A_123 : i32
        %dma_start3A_125 = tpu.memref_slice %arg8[%mul3A_124] : memref<512xi32, #tpu.memory_space<vmem>> -> memref<64xi32, #tpu.memory_space<vmem>>
        %dma_start3A_126 = arith.constant 0 : i32
        %dma_start3A_127 = arith.constant 0 : i32
        %dma_start3A_128 = tpu.memref_slice %arg5[%dma_start3A_126, %dma_start3A_127] : memref<1000000x128xf32, #tpu.memory_space<hbm>> -> memref<1000000x128xf32, #tpu.memory_space<hbm>>
        tpu.enqueue_indirect_dma source(%dma_start3A_128 : memref<1000000x128xf32, #tpu.memory_space<hbm>>) target(%arg11 : memref<64x128xf32, #tpu.memory_space<vmem>>) offsets(%dma_start3A_125 : memref<64xi32, #tpu.memory_space<vmem>>) semaphore(%arg17 : memref<!tpu.dma_semaphore, #tpu.memory_space<semaphore_mem>>)
      } else {
      }
      %mul3A_98 = arith.constant 64 : i32
      %mul3A_99 = arith.muli %add3A_64, %mul3A_98 : i32
      %dma_wait3A_100 = tpu.memref_slice %arg7[%mul3A_99] : memref<512xi32, #tpu.memory_space<vmem>> -> memref<64xi32, #tpu.memory_space<vmem>>
      %dma_wait3A_101 = arith.constant 0 : i32
      %dma_wait3A_102 = arith.constant 0 : i32
      %dma_wait3A_103 = tpu.memref_slice %arg4[%dma_wait3A_101, %dma_wait3A_102] : memref<1000000x128xf32, #tpu.memory_space<hbm>> -> memref<1000000x128xf32, #tpu.memory_space<hbm>>
      tpu.wait_indirect_dma semaphore(%arg16 : memref<!tpu.dma_semaphore, #tpu.memory_space<semaphore_mem>>) src(%dma_wait3A_103 : memref<1000000x128xf32, #tpu.memory_space<hbm>>) dst(%arg10 : memref<64x128xf32, #tpu.memory_space<vmem>>)
      %mul3A_104 = arith.constant 64 : i32
      %mul3A_105 = arith.muli %add3A_64, %mul3A_104 : i32
      %dma_wait3A_106 = tpu.memref_slice %arg8[%mul3A_105] : memref<512xi32, #tpu.memory_space<vmem>> -> memref<64xi32, #tpu.memory_space<vmem>>
      %dma_wait3A_107 = arith.constant 0 : i32
      %dma_wait3A_108 = arith.constant 0 : i32
      %dma_wait3A_109 = tpu.memref_slice %arg5[%dma_wait3A_107, %dma_wait3A_108] : memref<1000000x128xf32, #tpu.memory_space<hbm>> -> memref<1000000x128xf32, #tpu.memory_space<hbm>>
      tpu.wait_indirect_dma semaphore(%arg18 : memref<!tpu.dma_semaphore, #tpu.memory_space<semaphore_mem>>) src(%dma_wait3A_109 : memref<1000000x128xf32, #tpu.memory_space<hbm>>) dst(%arg12 : memref<64x128xf32, #tpu.memory_space<vmem>>)
      %scan3A_110 = arith.constant 0 : i32
      %scan3A_111 = arith.constant 4 : i32
      %scan3A_112 = arith.addi %scan3A_110, %scan3A_111 : i32
      %scan3A_113 = arith.constant 1 : i32
      scf.for %scan3A_115 = %scan3A_110 to %scan3A_112 step %scan3A_113  : i32 {
        %mul3A_116 = arith.constant 1 : i32
        %mul3A_117 = arith.muli %scan3A_115, %mul3A_116 : i32
        %add3A_118 = arith.constant 0 : i32
        %add3A_119 = arith.addi %add3A_118, %mul3A_117 : i32
        %mul3A_120 = arith.constant 16 : i32
        %mul3A_121 = arith.muli %add3A_119, %mul3A_120 : i32
        %add3A_122 = arith.constant 0 : i32
        %add3A_123 = arith.addi %mul3A_121, %add3A_122 : i32
        %get3A = arith.index_cast %add3A_123 : i32 to index
        %get3A_124 = arith.constant 0 : index
        %get3A_125 = tpu.vector_load %arg10[%get3A, %get3A_124] {strides = array<i32>} : memref<64x128xf32, #tpu.memory_space<vmem>>, vector<16xf32>,
        %get3A_126 = arith.index_cast %add3A_123 : i32 to index
        %get3A_127 = arith.constant 16 : index
        %get3A_128 = tpu.vector_load %arg10[%get3A_126, %get3A_127] {strides = array<i32>} : memref<64x128xf32, #tpu.memory_space<vmem>>, vector<16xf32>,
        %get3A_129 = arith.index_cast %add3A_123 : i32 to index
        %get3A_130 = arith.constant 32 : index
        %get3A_131 = tpu.vector_load %arg10[%get3A_129, %get3A_130] {strides = array<i32>} : memref<64x128xf32, #tpu.memory_space<vmem>>, vector<16xf32>,
        %get3A_132 = arith.index_cast %add3A_123 : i32 to index
        %get3A_133 = arith.constant 48 : index
        %get3A_134 = tpu.vector_load %arg10[%get3A_132, %get3A_133] {strides = array<i32>} : memref<64x128xf32, #tpu.memory_space<vmem>>, vector<16xf32>,
        %get3A_135 = arith.index_cast %add3A_123 : i32 to index
        %get3A_136 = arith.constant 64 : index
        %get3A_137 = tpu.vector_load %arg10[%get3A_135, %get3A_136] {strides = array<i32>} : memref<64x128xf32, #tpu.memory_space<vmem>>, vector<16xf32>,
        %get3A_138 = arith.index_cast %add3A_123 : i32 to index
        %get3A_139 = arith.constant 80 : index
        %get3A_140 = tpu.vector_load %arg10[%get3A_138, %get3A_139] {strides = array<i32>} : memref<64x128xf32, #tpu.memory_space<vmem>>, vector<16xf32>,
        %get3A_141 = arith.index_cast %add3A_123 : i32 to index
        %get3A_142 = arith.constant 96 : index
        %get3A_143 = tpu.vector_load %arg10[%get3A_141, %get3A_142] {strides = array<i32>} : memref<64x128xf32, #tpu.memory_space<vmem>>, vector<16xf32>,
        %get3A_144 = arith.index_cast %add3A_123 : i32 to index
        %get3A_145 = arith.constant 112 : index
        %get3A_146 = tpu.vector_load %arg10[%get3A_144, %get3A_145] {strides = array<i32>} : memref<64x128xf32, #tpu.memory_space<vmem>>, vector<16xf32>,
        %get3A_147 = arith.index_cast %add3A_123 : i32 to index
        %get3A_148 = arith.constant 0 : index
        %get3A_149 = tpu.vector_load %arg12[%get3A_147, %get3A_148] {strides = array<i32>} : memref<64x128xf32, #tpu.memory_space<vmem>>, vector<16xf32>,
        %get3A_150 = arith.index_cast %add3A_123 : i32 to index
        %get3A_151 = arith.constant 16 : index
        %get3A_152 = tpu.vector_load %arg12[%get3A_150, %get3A_151] {strides = array<i32>} : memref<64x128xf32, #tpu.memory_space<vmem>>, vector<16xf32>,
        %get3A_153 = arith.index_cast %add3A_123 : i32 to index
        %get3A_154 = arith.constant 32 : index
        %get3A_155 = tpu.vector_load %arg12[%get3A_153, %get3A_154] {strides = array<i32>} : memref<64x128xf32, #tpu.memory_space<vmem>>, vector<16xf32>,
        %get3A_156 = arith.index_cast %add3A_123 : i32 to index
        %get3A_157 = arith.constant 48 : index
        %get3A_158 = tpu.vector_load %arg12[%get3A_156, %get3A_157] {strides = array<i32>} : memref<64x128xf32, #tpu.memory_space<vmem>>, vector<16xf32>,
        %get3A_159 = arith.index_cast %add3A_123 : i32 to index
        %get3A_160 = arith.constant 64 : index
        %get3A_161 = tpu.vector_load %arg12[%get3A_159, %get3A_160] {strides = array<i32>} : memref<64x128xf32, #tpu.memory_space<vmem>>, vector<16xf32>,
        %get3A_162 = arith.index_cast %add3A_123 : i32 to index
        %get3A_163 = arith.constant 80 : index
        %get3A_164 = tpu.vector_load %arg12[%get3A_162, %get3A_163] {strides = array<i32>} : memref<64x128xf32, #tpu.memory_space<vmem>>, vector<16xf32>,
        %get3A_165 = arith.index_cast %add3A_123 : i32 to index
        %get3A_166 = arith.constant 96 : index
        %get3A_167 = tpu.vector_load %arg12[%get3A_165, %get3A_166] {strides = array<i32>} : memref<64x128xf32, #tpu.memory_space<vmem>>, vector<16xf32>,
        %get3A_168 = arith.index_cast %add3A_123 : i32 to index
        %get3A_169 = arith.constant 112 : index
        %get3A_170 = tpu.vector_load %arg12[%get3A_168, %get3A_169] {strides = array<i32>} : memref<64x128xf32, #tpu.memory_space<vmem>>, vector<16xf32>,
        %mul3A_171 = arith.constant 16 : i32
        %mul3A_172 = arith.muli %add3A_119, %mul3A_171 : i32
        %add3A_173 = arith.constant 1 : i32
        %add3A_174 = arith.addi %mul3A_172, %add3A_173 : i32
        %get3A_175 = arith.index_cast %add3A_174 : i32 to index
        %get3A_176 = arith.constant 0 : index
        %get3A_177 = tpu.vector_load %arg10[%get3A_175, %get3A_176] {strides = array<i32>} : memref<64x128xf32, #tpu.memory_space<vmem>>, vector<16xf32>,
        %get3A_178 = arith.index_cast %add3A_174 : i32 to index
        %get3A_179 = arith.constant 16 : index
        %get3A_180 = tpu.vector_load %arg10[%get3A_178, %get3A_179] {strides = array<i32>} : memref<64x128xf32, #tpu.memory_space<vmem>>, vector<16xf32>,
        %get3A_181 = arith.index_cast %add3A_174 : i32 to index
        %get3A_182 = arith.constant 32 : index
        %get3A_183 = tpu.vector_load %arg10[%get3A_181, %get3A_182] {strides = array<i32>} : memref<64x128xf32, #tpu.memory_space<vmem>>, vector<16xf32>,
        %get3A_184 = arith.index_cast %add3A_174 : i32 to index
        %get3A_185 = arith.constant 48 : index
        %get3A_186 = tpu.vector_load %arg10[%get3A_184, %get3A_185] {strides = array<i32>} : memref<64x128xf32, #tpu.memory_space<vmem>>, vector<16xf32>,
        %get3A_187 = arith.index_cast %add3A_174 : i32 to index
        %get3A_188 = arith.constant 64 : index
        %get3A_189 = tpu.vector_load %arg10[%get3A_187, %get3A_188] {strides = array<i32>} : memref<64x128xf32, #tpu.memory_space<vmem>>, vector<16xf32>,
        %get3A_190 = arith.index_cast %add3A_174 : i32 to index
        %get3A_191 = arith.constant 80 : index
        %get3A_192 = tpu.vector_load %arg10[%get3A_190, %get3A_191] {strides = array<i32>} : memref<64x128xf32, #tpu.memory_space<vmem>>, vector<16xf32>,
        %get3A_193 = arith.index_cast %add3A_174 : i32 to index
        %get3A_194 = arith.constant 96 : index
        %get3A_195 = tpu.vector_load %arg10[%get3A_193, %get3A_194] {strides = array<i32>} : memref<64x128xf32, #tpu.memory_space<vmem>>, vector<16xf32>,
        %get3A_196 = arith.index_cast %add3A_174 : i32 to index
        %get3A_197 = arith.constant 112 : index
        %get3A_198 = tpu.vector_load %arg10[%get3A_196, %get3A_197] {strides = array<i32>} : memref<64x128xf32, #tpu.memory_space<vmem>>, vector<16xf32>,
        %get3A_199 = arith.index_cast %add3A_174 : i32 to index
        %get3A_200 = arith.constant 0 : index
        %get3A_201 = tpu.vector_load %arg12[%get3A_199, %get3A_200] {strides = array<i32>} : memref<64x128xf32, #tpu.memory_space<vmem>>, vector<16xf32>,
        %get3A_202 = arith.index_cast %add3A_174 : i32 to index
        %get3A_203 = arith.constant 16 : index
        %get3A_204 = tpu.vector_load %arg12[%get3A_202, %get3A_203] {strides = array<i32>} : memref<64x128xf32, #tpu.memory_space<vmem>>, vector<16xf32>,
        %get3A_205 = arith.index_cast %add3A_174 : i32 to index
        %get3A_206 = arith.constant 32 : index
        %get3A_207 = tpu.vector_load %arg12[%get3A_205, %get3A_206] {strides = array<i32>} : memref<64x128xf32, #tpu.memory_space<vmem>>, vector<16xf32>,
        %get3A_208 = arith.index_cast %add3A_174 : i32 to index
        %get3A_209 = arith.constant 48 : index
        %get3A_210 = tpu.vector_load %arg12[%get3A_208, %get3A_209] {strides = array<i32>} : memref<64x128xf32, #tpu.memory_space<vmem>>, vector<16xf32>,
        %get3A_211 = arith.index_cast %add3A_174 : i32 to index
        %get3A_212 = arith.constant 64 : index
        %get3A_213 = tpu.vector_load %arg12[%get3A_211, %get3A_212] {strides = array<i32>} : memref<64x128xf32, #tpu.memory_space<vmem>>, vector<16xf32>,
        %get3A_214 = arith.index_cast %add3A_174 : i32 to index
        %get3A_215 = arith.constant 80 : index
        %get3A_216 = tpu.vector_load %arg12[%get3A_214, %get3A_215] {strides = array<i32>} : memref<64x128xf32, #tpu.memory_space<vmem>>, vector<16xf32>,
        %get3A_217 = arith.index_cast %add3A_174 : i32 to index
        %get3A_218 = arith.constant 96 : index
        %get3A_219 = tpu.vector_load %arg12[%get3A_217, %get3A_218] {strides = array<i32>} : memref<64x128xf32, #tpu.memory_space<vmem>>, vector<16xf32>,
        %get3A_220 = arith.index_cast %add3A_174 : i32 to index
        %get3A_221 = arith.constant 112 : index
        %get3A_222 = tpu.vector_load %arg12[%get3A_220, %get3A_221] {strides = array<i32>} : memref<64x128xf32, #tpu.memory_space<vmem>>, vector<16xf32>,
        %mul3A_223 = arith.mulf %get3A_125, %get3A_149 : vector<16xf32>
        %mul3A_224 = arith.mulf %get3A_128, %get3A_152 : vector<16xf32>
        %mul3A_225 = arith.mulf %get3A_131, %get3A_155 : vector<16xf32>
        %mul3A_226 = arith.mulf %get3A_134, %get3A_158 : vector<16xf32>
        %mul3A_227 = arith.mulf %get3A_137, %get3A_161 : vector<16xf32>
        %mul3A_228 = arith.mulf %get3A_140, %get3A_164 : vector<16xf32>
        %mul3A_229 = arith.mulf %get3A_143, %get3A_167 : vector<16xf32>
        %mul3A_230 = arith.mulf %get3A_146, %get3A_170 : vector<16xf32>
        %add3A_231 = arith.addf %mul3A_223, %mul3A_224 : vector<16xf32>
        %add3A_232 = arith.addf %mul3A_225, %mul3A_226 : vector<16xf32>
        %add3A_233 = arith.addf %mul3A_227, %mul3A_228 : vector<16xf32>
        %add3A_234 = arith.addf %mul3A_229, %mul3A_230 : vector<16xf32>
        %add3A_235 = arith.addf %add3A_231, %add3A_232 : vector<16xf32>
        %add3A_236 = arith.addf %add3A_233, %add3A_234 : vector<16xf32>
        %add3A_237 = arith.addf %add3A_235, %add3A_236 : vector<16xf32>
        %swap3A = arith.constant 0 : i32
        %swap3A_238 = arith.index_cast %swap3A : i32 to index
        %swap3A_239 = arith.constant 0 : index
        %swap3A_240 = tpu.vector_load %arg13[%swap3A_238, %swap3A_239] {strides = array<i32>} : memref<16x17xf32, #tpu.memory_space<vmem>>, vector<16xf32>,
        tpu.vector_store %arg13[%swap3A_238, %swap3A_239], %add3A_237 {strides = array<i32>} : memref<16x17xf32, #tpu.memory_space<vmem>>, vector<16xf32>,
        %mul3A_241 = arith.constant 16 : i32
        %mul3A_242 = arith.muli %add3A_119, %mul3A_241 : i32
        %add3A_243 = arith.constant 2 : i32
        %add3A_244 = arith.addi %mul3A_242, %add3A_243 : i32
        %get3A_245 = arith.index_cast %add3A_244 : i32 to index
        %get3A_246 = arith.constant 0 : index
        %get3A_247 = tpu.vector_load %arg10[%get3A_245, %get3A_246] {strides = array<i32>} : memref<64x128xf32, #tpu.memory_space<vmem>>, vector<16xf32>,
        %get3A_248 = arith.index_cast %add3A_244 : i32 to index
        %get3A_249 = arith.constant 16 : index
        %get3A_250 = tpu.vector_load %arg10[%get3A_248, %get3A_249] {strides = array<i32>} : memref<64x128xf32, #tpu.memory_space<vmem>>, vector<16xf32>,
        %get3A_251 = arith.index_cast %add3A_244 : i32 to index
        %get3A_252 = arith.constant 32 : index
        %get3A_253 = tpu.vector_load %arg10[%get3A_251, %get3A_252] {strides = array<i32>} : memref<64x128xf32, #tpu.memory_space<vmem>>, vector<16xf32>,
        %get3A_254 = arith.index_cast %add3A_244 : i32 to index
        %get3A_255 = arith.constant 48 : index
        %get3A_256 = tpu.vector_load %arg10[%get3A_254, %get3A_255] {strides = array<i32>} : memref<64x128xf32, #tpu.memory_space<vmem>>, vector<16xf32>,
        %get3A_257 = arith.index_cast %add3A_244 : i32 to index
        %get3A_258 = arith.constant 64 : index
        %get3A_259 = tpu.vector_load %arg10[%get3A_257, %get3A_258] {strides = array<i32>} : memref<64x128xf32, #tpu.memory_space<vmem>>, vector<16xf32>,
        %get3A_260 = arith.index_cast %add3A_244 : i32 to index
        %get3A_261 = arith.constant 80 : index
        %get3A_262 = tpu.vector_load %arg10[%get3A_260, %get3A_261] {strides = array<i32>} : memref<64x128xf32, #tpu.memory_space<vmem>>, vector<16xf32>,
        %get3A_263 = arith.index_cast %add3A_244 : i32 to index
        %get3A_264 = arith.constant 96 : index
        %get3A_265 = tpu.vector_load %arg10[%get3A_263, %get3A_264] {strides = array<i32>} : memref<64x128xf32, #tpu.memory_space<vmem>>, vector<16xf32>,
        %get3A_266 = arith.index_cast %add3A_244 : i32 to index
        %get3A_267 = arith.constant 112 : index
        %get3A_268 = tpu.vector_load %arg10[%get3A_266, %get3A_267] {strides = array<i32>} : memref<64x128xf32, #tpu.memory_space<vmem>>, vector<16xf32>,
        %get3A_269 = arith.index_cast %add3A_244 : i32 to index
        %get3A_270 = arith.constant 0 : index
        %get3A_271 = tpu.vector_load %arg12[%get3A_269, %get3A_270] {strides = array<i32>} : memref<64x128xf32, #tpu.memory_space<vmem>>, vector<16xf32>,
        %get3A_272 = arith.index_cast %add3A_244 : i32 to index
        %get3A_273 = arith.constant 16 : index
        %get3A_274 = tpu.vector_load %arg12[%get3A_272, %get3A_273] {strides = array<i32>} : memref<64x128xf32, #tpu.memory_space<vmem>>, vector<16xf32>,
        %get3A_275 = arith.index_cast %add3A_244 : i32 to index
        %get3A_276 = arith.constant 32 : index
        %get3A_277 = tpu.vector_load %arg12[%get3A_275, %get3A_276] {strides = array<i32>} : memref<64x128xf32, #tpu.memory_space<vmem>>, vector<16xf32>,
        %get3A_278 = arith.index_cast %add3A_244 : i32 to index
        %get3A_279 = arith.constant 48 : index
        %get3A_280 = tpu.vector_load %arg12[%get3A_278, %get3A_279] {strides = array<i32>} : memref<64x128xf32, #tpu.memory_space<vmem>>, vector<16xf32>,
        %get3A_281 = arith.index_cast %add3A_244 : i32 to index
        %get3A_282 = arith.constant 64 : index
        %get3A_283 = tpu.vector_load %arg12[%get3A_281, %get3A_282] {strides = array<i32>} : memref<64x128xf32, #tpu.memory_space<vmem>>, vector<16xf32>,
        %get3A_284 = arith.index_cast %add3A_244 : i32 to index
        %get3A_285 = arith.constant 80 : index
        %get3A_286 = tpu.vector_load %arg12[%get3A_284, %get3A_285] {strides = array<i32>} : memref<64x128xf32, #tpu.memory_space<vmem>>, vector<16xf32>,
        %get3A_287 = arith.index_cast %add3A_244 : i32 to index
        %get3A_288 = arith.constant 96 : index
        %get3A_289 = tpu.vector_load %arg12[%get3A_287, %get3A_288] {strides = array<i32>} : memref<64x128xf32, #tpu.memory_space<vmem>>, vector<16xf32>,
        %get3A_290 = arith.index_cast %add3A_244 : i32 to index
        %get3A_291 = arith.constant 112 : index
        %get3A_292 = tpu.vector_load %arg12[%get3A_290, %get3A_291] {strides = array<i32>} : memref<64x128xf32, #tpu.memory_space<vmem>>, vector<16xf32>,
        %mul3A_293 = arith.mulf %get3A_177, %get3A_201 : vector<16xf32>
        %mul3A_294 = arith.mulf %get3A_180, %get3A_204 : vector<16xf32>
        %mul3A_295 = arith.mulf %get3A_183, %get3A_207 : vector<16xf32>
        %mul3A_296 = arith.mulf %get3A_186, %get3A_210 : vector<16xf32>
        %mul3A_297 = arith.mulf %get3A_189, %get3A_213 : vector<16xf32>
        %mul3A_298 = arith.mulf %get3A_192, %get3A_216 : vector<16xf32>
        %mul3A_299 = arith.mulf %get3A_195, %get3A_219 : vector<16xf32>
        %mul3A_300 = arith.mulf %get3A_198, %get3A_222 : vector<16xf32>
        %add3A_301 = arith.addf %mul3A_293, %mul3A_294 : vector<16xf32>
        %add3A_302 = arith.addf %mul3A_295, %mul3A_296 : vector<16xf32>
        %add3A_303 = arith.addf %mul3A_297, %mul3A_298 : vector<16xf32>
        %add3A_304 = arith.addf %mul3A_299, %mul3A_300 : vector<16xf32>
        %add3A_305 = arith.addf %add3A_301, %add3A_302 : vector<16xf32>
        %add3A_306 = arith.addf %add3A_303, %add3A_304 : vector<16xf32>
        %add3A_307 = arith.addf %add3A_305, %add3A_306 : vector<16xf32>
        %swap3A_308 = arith.constant 1 : i32
        %swap3A_309 = arith.index_cast %swap3A_308 : i32 to index
        %swap3A_310 = arith.constant 0 : index
        %swap3A_311 = tpu.vector_load %arg13[%swap3A_309, %swap3A_310] {strides = array<i32>} : memref<16x17xf32, #tpu.memory_space<vmem>>, vector<16xf32>,
        tpu.vector_store %arg13[%swap3A_309, %swap3A_310], %add3A_307 {strides = array<i32>} : memref<16x17xf32, #tpu.memory_space<vmem>>, vector<16xf32>,
        %mul3A_312 = arith.constant 16 : i32
        %mul3A_313 = arith.muli %add3A_119, %mul3A_312 : i32
        %add3A_314 = arith.constant 3 : i32
        %add3A_315 = arith.addi %mul3A_313, %add3A_314 : i32
        %get3A_316 = arith.index_cast %add3A_315 : i32 to index
        %get3A_317 = arith.constant 0 : index
        %get3A_318 = tpu.vector_load %arg10[%get3A_316, %get3A_317] {strides = array<i32>} : memref<64x128xf32, #tpu.memory_space<vmem>>, vector<16xf32>,
        %get3A_319 = arith.index_cast %add3A_315 : i32 to index
        %get3A_320 = arith.constant 16 : index
        %get3A_321 = tpu.vector_load %arg10[%get3A_319, %get3A_320] {strides = array<i32>} : memref<64x128xf32, #tpu.memory_space<vmem>>, vector<16xf32>,
        %get3A_322 = arith.index_cast %add3A_315 : i32 to index
        %get3A_323 = arith.constant 32 : index
        %get3A_324 = tpu.vector_load %arg10[%get3A_322, %get3A_323] {strides = array<i32>} : memref<64x128xf32, #tpu.memory_space<vmem>>, vector<16xf32>,
        %get3A_325 = arith.index_cast %add3A_315 : i32 to index
        %get3A_326 = arith.constant 48 : index
        %get3A_327 = tpu.vector_load %arg10[%get3A_325, %get3A_326] {strides = array<i32>} : memref<64x128xf32, #tpu.memory_space<vmem>>, vector<16xf32>,
        %get3A_328 = arith.index_cast %add3A_315 : i32 to index
        %get3A_329 = arith.constant 64 : index
        %get3A_330 = tpu.vector_load %arg10[%get3A_328, %get3A_329] {strides = array<i32>} : memref<64x128xf32, #tpu.memory_space<vmem>>, vector<16xf32>,
        %get3A_331 = arith.index_cast %add3A_315 : i32 to index
        %get3A_332 = arith.constant 80 : index
        %get3A_333 = tpu.vector_load %arg10[%get3A_331, %get3A_332] {strides = array<i32>} : memref<64x128xf32, #tpu.memory_space<vmem>>, vector<16xf32>,
        %get3A_334 = arith.index_cast %add3A_315 : i32 to index
        %get3A_335 = arith.constant 96 : index
        %get3A_336 = tpu.vector_load %arg10[%get3A_334, %get3A_335] {strides = array<i32>} : memref<64x128xf32, #tpu.memory_space<vmem>>, vector<16xf32>,
        %get3A_337 = arith.index_cast %add3A_315 : i32 to index
        %get3A_338 = arith.constant 112 : index
        %get3A_339 = tpu.vector_load %arg10[%get3A_337, %get3A_338] {strides = array<i32>} : memref<64x128xf32, #tpu.memory_space<vmem>>, vector<16xf32>,
        %get3A_340 = arith.index_cast %add3A_315 : i32 to index
        %get3A_341 = arith.constant 0 : index
        %get3A_342 = tpu.vector_load %arg12[%get3A_340, %get3A_341] {strides = array<i32>} : memref<64x128xf32, #tpu.memory_space<vmem>>, vector<16xf32>,
        %get3A_343 = arith.index_cast %add3A_315 : i32 to index
        %get3A_344 = arith.constant 16 : index
        %get3A_345 = tpu.vector_load %arg12[%get3A_343, %get3A_344] {strides = array<i32>} : memref<64x128xf32, #tpu.memory_space<vmem>>, vector<16xf32>,
        %get3A_346 = arith.index_cast %add3A_315 : i32 to index
        %get3A_347 = arith.constant 32 : index
        %get3A_348 = tpu.vector_load %arg12[%get3A_346, %get3A_347] {strides = array<i32>} : memref<64x128xf32, #tpu.memory_space<vmem>>, vector<16xf32>,
        %get3A_349 = arith.index_cast %add3A_315 : i32 to index
        %get3A_350 = arith.constant 48 : index
        %get3A_351 = tpu.vector_load %arg12[%get3A_349, %get3A_350] {strides = array<i32>} : memref<64x128xf32, #tpu.memory_space<vmem>>, vector<16xf32>,
        %get3A_352 = arith.index_cast %add3A_315 : i32 to index
        %get3A_353 = arith.constant 64 : index
        %get3A_354 = tpu.vector_load %arg12[%get3A_352, %get3A_353] {strides = array<i32>} : memref<64x128xf32, #tpu.memory_space<vmem>>, vector<16xf32>,
        %get3A_355 = arith.index_cast %add3A_315 : i32 to index
        %get3A_356 = arith.constant 80 : index
        %get3A_357 = tpu.vector_load %arg12[%get3A_355, %get3A_356] {strides = array<i32>} : memref<64x128xf32, #tpu.memory_space<vmem>>, vector<16xf32>,
        %get3A_358 = arith.index_cast %add3A_315 : i32 to index
        %get3A_359 = arith.constant 96 : index
        %get3A_360 = tpu.vector_load %arg12[%get3A_358, %get3A_359] {strides = array<i32>} : memref<64x128xf32, #tpu.memory_space<vmem>>, vector<16xf32>,
        %get3A_361 = arith.index_cast %add3A_315 : i32 to index
        %get3A_362 = arith.constant 112 : index
        %get3A_363 = tpu.vector_load %arg12[%get3A_361, %get3A_362] {strides = array<i32>} : memref<64x128xf32, #tpu.memory_space<vmem>>, vector<16xf32>,
        %mul3A_364 = arith.mulf %get3A_247, %get3A_271 : vector<16xf32>
        %mul3A_365 = arith.mulf %get3A_250, %get3A_274 : vector<16xf32>
        %mul3A_366 = arith.mulf %get3A_253, %get3A_277 : vector<16xf32>
        %mul3A_367 = arith.mulf %get3A_256, %get3A_280 : vector<16xf32>
        %mul3A_368 = arith.mulf %get3A_259, %get3A_283 : vector<16xf32>
        %mul3A_369 = arith.mulf %get3A_262, %get3A_286 : vector<16xf32>
        %mul3A_370 = arith.mulf %get3A_265, %get3A_289 : vector<16xf32>
        %mul3A_371 = arith.mulf %get3A_268, %get3A_292 : vector<16xf32>
        %add3A_372 = arith.addf %mul3A_364, %mul3A_365 : vector<16xf32>
        %add3A_373 = arith.addf %mul3A_366, %mul3A_367 : vector<16xf32>
        %add3A_374 = arith.addf %mul3A_368, %mul3A_369 : vector<16xf32>
        %add3A_375 = arith.addf %mul3A_370, %mul3A_371 : vector<16xf32>
        %add3A_376 = arith.addf %add3A_372, %add3A_373 : vector<16xf32>
        %add3A_377 = arith.addf %add3A_374, %add3A_375 : vector<16xf32>
        %add3A_378 = arith.addf %add3A_376, %add3A_377 : vector<16xf32>
        %swap3A_379 = arith.constant 2 : i32
        %swap3A_380 = arith.index_cast %swap3A_379 : i32 to index
        %swap3A_381 = arith.constant 0 : index
        %swap3A_382 = tpu.vector_load %arg13[%swap3A_380, %swap3A_381] {strides = array<i32>} : memref<16x17xf32, #tpu.memory_space<vmem>>, vector<16xf32>,
        tpu.vector_store %arg13[%swap3A_380, %swap3A_381], %add3A_378 {strides = array<i32>} : memref<16x17xf32, #tpu.memory_space<vmem>>, vector<16xf32>,
        %mul3A_383 = arith.constant 16 : i32
        %mul3A_384 = arith.muli %add3A_119, %mul3A_383 : i32
        %add3A_385 = arith.constant 4 : i32
        %add3A_386 = arith.addi %mul3A_384, %add3A_385 : i32
        %get3A_387 = arith.index_cast %add3A_386 : i32 to index
        %get3A_388 = arith.constant 0 : index
        %get3A_389 = tpu.vector_load %arg10[%get3A_387, %get3A_388] {strides = array<i32>} : memref<64x128xf32, #tpu.memory_space<vmem>>, vector<16xf32>,
        %get3A_390 = arith.index_cast %add3A_386 : i32 to index
        %get3A_391 = arith.constant 16 : index
        %get3A_392 = tpu.vector_load %arg10[%get3A_390, %get3A_391] {strides = array<i32>} : memref<64x128xf32, #tpu.memory_space<vmem>>, vector<16xf32>,
        %get3A_393 = arith.index_cast %add3A_386 : i32 to index
        %get3A_394 = arith.constant 32 : index
        %get3A_395 = tpu.vector_load %arg10[%get3A_393, %get3A_394] {strides = array<i32>} : memref<64x128xf32, #tpu.memory_space<vmem>>, vector<16xf32>,
        %get3A_396 = arith.index_cast %add3A_386 : i32 to index
        %get3A_397 = arith.constant 48 : index
        %get3A_398 = tpu.vector_load %arg10[%get3A_396, %get3A_397] {strides = array<i32>} : memref<64x128xf32, #tpu.memory_space<vmem>>, vector<16xf32>,
        %get3A_399 = arith.index_cast %add3A_386 : i32 to index
        %get3A_400 = arith.constant 64 : index
        %get3A_401 = tpu.vector_load %arg10[%get3A_399, %get3A_400] {strides = array<i32>} : memref<64x128xf32, #tpu.memory_space<vmem>>, vector<16xf32>,
        %get3A_402 = arith.index_cast %add3A_386 : i32 to index
        %get3A_403 = arith.constant 80 : index
        %get3A_404 = tpu.vector_load %arg10[%get3A_402, %get3A_403] {strides = array<i32>} : memref<64x128xf32, #tpu.memory_space<vmem>>, vector<16xf32>,
        %get3A_405 = arith.index_cast %add3A_386 : i32 to index
        %get3A_406 = arith.constant 96 : index
        %get3A_407 = tpu.vector_load %arg10[%get3A_405, %get3A_406] {strides = array<i32>} : memref<64x128xf32, #tpu.memory_space<vmem>>, vector<16xf32>,
        %get3A_408 = arith.index_cast %add3A_386 : i32 to index
        %get3A_409 = arith.constant 112 : index
        %get3A_410 = tpu.vector_load %arg10[%get3A_408, %get3A_409] {strides = array<i32>} : memref<64x128xf32, #tpu.memory_space<vmem>>, vector<16xf32>,
        %get3A_411 = arith.index_cast %add3A_386 : i32 to index
        %get3A_412 = arith.constant 0 : index
        %get3A_413 = tpu.vector_load %arg12[%get3A_411, %get3A_412] {strides = array<i32>} : memref<64x128xf32, #tpu.memory_space<vmem>>, vector<16xf32>,
        %get3A_414 = arith.index_cast %add3A_386 : i32 to index
        %get3A_415 = arith.constant 16 : index
        %get3A_416 = tpu.vector_load %arg12[%get3A_414, %get3A_415] {strides = array<i32>} : memref<64x128xf32, #tpu.memory_space<vmem>>, vector<16xf32>,
        %get3A_417 = arith.index_cast %add3A_386 : i32 to index
        %get3A_418 = arith.constant 32 : index
        %get3A_419 = tpu.vector_load %arg12[%get3A_417, %get3A_418] {strides = array<i32>} : memref<64x128xf32, #tpu.memory_space<vmem>>, vector<16xf32>,
        %get3A_420 = arith.index_cast %add3A_386 : i32 to index
        %get3A_421 = arith.constant 48 : index
        %get3A_422 = tpu.vector_load %arg12[%get3A_420, %get3A_421] {strides = array<i32>} : memref<64x128xf32, #tpu.memory_space<vmem>>, vector<16xf32>,
        %get3A_423 = arith.index_cast %add3A_386 : i32 to index
        %get3A_424 = arith.constant 64 : index
        %get3A_425 = tpu.vector_load %arg12[%get3A_423, %get3A_424] {strides = array<i32>} : memref<64x128xf32, #tpu.memory_space<vmem>>, vector<16xf32>,
        %get3A_426 = arith.index_cast %add3A_386 : i32 to index
        %get3A_427 = arith.constant 80 : index
        %get3A_428 = tpu.vector_load %arg12[%get3A_426, %get3A_427] {strides = array<i32>} : memref<64x128xf32, #tpu.memory_space<vmem>>, vector<16xf32>,
        %get3A_429 = arith.index_cast %add3A_386 : i32 to index
        %get3A_430 = arith.constant 96 : index
        %get3A_431 = tpu.vector_load %arg12[%get3A_429, %get3A_430] {strides = array<i32>} : memref<64x128xf32, #tpu.memory_space<vmem>>, vector<16xf32>,
        %get3A_432 = arith.index_cast %add3A_386 : i32 to index
        %get3A_433 = arith.constant 112 : index
        %get3A_434 = tpu.vector_load %arg12[%get3A_432, %get3A_433] {strides = array<i32>} : memref<64x128xf32, #tpu.memory_space<vmem>>, vector<16xf32>,
        %mul3A_435 = arith.mulf %get3A_318, %get3A_342 : vector<16xf32>
        %mul3A_436 = arith.mulf %get3A_321, %get3A_345 : vector<16xf32>
        %mul3A_437 = arith.mulf %get3A_324, %get3A_348 : vector<16xf32>
        %mul3A_438 = arith.mulf %get3A_327, %get3A_351 : vector<16xf32>
        %mul3A_439 = arith.mulf %get3A_330, %get3A_354 : vector<16xf32>
        %mul3A_440 = arith.mulf %get3A_333, %get3A_357 : vector<16xf32>
        %mul3A_441 = arith.mulf %get3A_336, %get3A_360 : vector<16xf32>
        %mul3A_442 = arith.mulf %get3A_339, %get3A_363 : vector<16xf32>
        %add3A_443 = arith.addf %mul3A_435, %mul3A_436 : vector<16xf32>
        %add3A_444 = arith.addf %mul3A_437, %mul3A_438 : vector<16xf32>
        %add3A_445 = arith.addf %mul3A_439, %mul3A_440 : vector<16xf32>
        %add3A_446 = arith.addf %mul3A_441, %mul3A_442 : vector<16xf32>
        %add3A_447 = arith.addf %add3A_443, %add3A_444 : vector<16xf32>
        %add3A_448 = arith.addf %add3A_445, %add3A_446 : vector<16xf32>
        %add3A_449 = arith.addf %add3A_447, %add3A_448 : vector<16xf32>
        %swap3A_450 = arith.constant 3 : i32
        %swap3A_451 = arith.index_cast %swap3A_450 : i32 to index
        %swap3A_452 = arith.constant 0 : index
        %swap3A_453 = tpu.vector_load %arg13[%swap3A_451, %swap3A_452] {strides = array<i32>} : memref<16x17xf32, #tpu.memory_space<vmem>>, vector<16xf32>,
        tpu.vector_store %arg13[%swap3A_451, %swap3A_452], %add3A_449 {strides = array<i32>} : memref<16x17xf32, #tpu.memory_space<vmem>>, vector<16xf32>,
        %mul3A_454 = arith.constant 16 : i32
        %mul3A_455 = arith.muli %add3A_119, %mul3A_454 : i32
        %add3A_456 = arith.constant 5 : i32
        %add3A_457 = arith.addi %mul3A_455, %add3A_456 : i32
        %get3A_458 = arith.index_cast %add3A_457 : i32 to index
        %get3A_459 = arith.constant 0 : index
        %get3A_460 = tpu.vector_load %arg10[%get3A_458, %get3A_459] {strides = array<i32>} : memref<64x128xf32, #tpu.memory_space<vmem>>, vector<16xf32>,
        %get3A_461 = arith.index_cast %add3A_457 : i32 to index
        %get3A_462 = arith.constant 16 : index
        %get3A_463 = tpu.vector_load %arg10[%get3A_461, %get3A_462] {strides = array<i32>} : memref<64x128xf32, #tpu.memory_space<vmem>>, vector<16xf32>,
        %get3A_464 = arith.index_cast %add3A_457 : i32 to index
        %get3A_465 = arith.constant 32 : index
        %get3A_466 = tpu.vector_load %arg10[%get3A_464, %get3A_465] {strides = array<i32>} : memref<64x128xf32, #tpu.memory_space<vmem>>, vector<16xf32>,
        %get3A_467 = arith.index_cast %add3A_457 : i32 to index
        %get3A_468 = arith.constant 48 : index
        %get3A_469 = tpu.vector_load %arg10[%get3A_467, %get3A_468] {strides = array<i32>} : memref<64x128xf32, #tpu.memory_space<vmem>>, vector<16xf32>,
        %get3A_470 = arith.index_cast %add3A_457 : i32 to index
        %get3A_471 = arith.constant 64 : index
        %get3A_472 = tpu.vector_load %arg10[%get3A_470, %get3A_471] {strides = array<i32>} : memref<64x128xf32, #tpu.memory_space<vmem>>, vector<16xf32>,
        %get3A_473 = arith.index_cast %add3A_457 : i32 to index
        %get3A_474 = arith.constant 80 : index
        %get3A_475 = tpu.vector_load %arg10[%get3A_473, %get3A_474] {strides = array<i32>} : memref<64x128xf32, #tpu.memory_space<vmem>>, vector<16xf32>,
        %get3A_476 = arith.index_cast %add3A_457 : i32 to index
        %get3A_477 = arith.constant 96 : index
        %get3A_478 = tpu.vector_load %arg10[%get3A_476, %get3A_477] {strides = array<i32>} : memref<64x128xf32, #tpu.memory_space<vmem>>, vector<16xf32>,
        %get3A_479 = arith.index_cast %add3A_457 : i32 to index
        %get3A_480 = arith.constant 112 : index
        %get3A_481 = tpu.vector_load %arg10[%get3A_479, %get3A_480] {strides = array<i32>} : memref<64x128xf32, #tpu.memory_space<vmem>>, vector<16xf32>,
        %get3A_482 = arith.index_cast %add3A_457 : i32 to index
        %get3A_483 = arith.constant 0 : index
        %get3A_484 = tpu.vector_load %arg12[%get3A_482, %get3A_483] {strides = array<i32>} : memref<64x128xf32, #tpu.memory_space<vmem>>, vector<16xf32>,
        %get3A_485 = arith.index_cast %add3A_457 : i32 to index
        %get3A_486 = arith.constant 16 : index
        %get3A_487 = tpu.vector_load %arg12[%get3A_485, %get3A_486] {strides = array<i32>} : memref<64x128xf32, #tpu.memory_space<vmem>>, vector<16xf32>,
        %get3A_488 = arith.index_cast %add3A_457 : i32 to index
        %get3A_489 = arith.constant 32 : index
        %get3A_490 = tpu.vector_load %arg12[%get3A_488, %get3A_489] {strides = array<i32>} : memref<64x128xf32, #tpu.memory_space<vmem>>, vector<16xf32>,
        %get3A_491 = arith.index_cast %add3A_457 : i32 to index
        %get3A_492 = arith.constant 48 : index
        %get3A_493 = tpu.vector_load %arg12[%get3A_491, %get3A_492] {strides = array<i32>} : memref<64x128xf32, #tpu.memory_space<vmem>>, vector<16xf32>,
        %get3A_494 = arith.index_cast %add3A_457 : i32 to index
        %get3A_495 = arith.constant 64 : index
        %get3A_496 = tpu.vector_load %arg12[%get3A_494, %get3A_495] {strides = array<i32>} : memref<64x128xf32, #tpu.memory_space<vmem>>, vector<16xf32>,
        %get3A_497 = arith.index_cast %add3A_457 : i32 to index
        %get3A_498 = arith.constant 80 : index
        %get3A_499 = tpu.vector_load %arg12[%get3A_497, %get3A_498] {strides = array<i32>} : memref<64x128xf32, #tpu.memory_space<vmem>>, vector<16xf32>,
        %get3A_500 = arith.index_cast %add3A_457 : i32 to index
        %get3A_501 = arith.constant 96 : index
        %get3A_502 = tpu.vector_load %arg12[%get3A_500, %get3A_501] {strides = array<i32>} : memref<64x128xf32, #tpu.memory_space<vmem>>, vector<16xf32>,
        %get3A_503 = arith.index_cast %add3A_457 : i32 to index
        %get3A_504 = arith.constant 112 : index
        %get3A_505 = tpu.vector_load %arg12[%get3A_503, %get3A_504] {strides = array<i32>} : memref<64x128xf32, #tpu.memory_space<vmem>>, vector<16xf32>,
        %mul3A_506 = arith.mulf %get3A_389, %get3A_413 : vector<16xf32>
        %mul3A_507 = arith.mulf %get3A_392, %get3A_416 : vector<16xf32>
        %mul3A_508 = arith.mulf %get3A_395, %get3A_419 : vector<16xf32>
        %mul3A_509 = arith.mulf %get3A_398, %get3A_422 : vector<16xf32>
        %mul3A_510 = arith.mulf %get3A_401, %get3A_425 : vector<16xf32>
        %mul3A_511 = arith.mulf %get3A_404, %get3A_428 : vector<16xf32>
        %mul3A_512 = arith.mulf %get3A_407, %get3A_431 : vector<16xf32>
        %mul3A_513 = arith.mulf %get3A_410, %get3A_434 : vector<16xf32>
        %add3A_514 = arith.addf %mul3A_506, %mul3A_507 : vector<16xf32>
        %add3A_515 = arith.addf %mul3A_508, %mul3A_509 : vector<16xf32>
        %add3A_516 = arith.addf %mul3A_510, %mul3A_511 : vector<16xf32>
        %add3A_517 = arith.addf %mul3A_512, %mul3A_513 : vector<16xf32>
        %add3A_518 = arith.addf %add3A_514, %add3A_515 : vector<16xf32>
        %add3A_519 = arith.addf %add3A_516, %add3A_517 : vector<16xf32>
        %add3A_520 = arith.addf %add3A_518, %add3A_519 : vector<16xf32>
        %swap3A_521 = arith.constant 4 : i32
        %swap3A_522 = arith.index_cast %swap3A_521 : i32 to index
        %swap3A_523 = arith.constant 0 : index
        %swap3A_524 = tpu.vector_load %arg13[%swap3A_522, %swap3A_523] {strides = array<i32>} : memref<16x17xf32, #tpu.memory_space<vmem>>, vector<16xf32>,
        tpu.vector_store %arg13[%swap3A_522, %swap3A_523], %add3A_520 {strides = array<i32>} : memref<16x17xf32, #tpu.memory_space<vmem>>, vector<16xf32>,
        %mul3A_525 = arith.constant 16 : i32
        %mul3A_526 = arith.muli %add3A_119, %mul3A_525 : i32
        %add3A_527 = arith.constant 6 : i32
        %add3A_528 = arith.addi %mul3A_526, %add3A_527 : i32
        %get3A_529 = arith.index_cast %add3A_528 : i32 to index
        %get3A_530 = arith.constant 0 : index
        %get3A_531 = tpu.vector_load %arg10[%get3A_529, %get3A_530] {strides = array<i32>} : memref<64x128xf32, #tpu.memory_space<vmem>>, vector<16xf32>,
        %get3A_532 = arith.index_cast %add3A_528 : i32 to index
        %get3A_533 = arith.constant 16 : index
        %get3A_534 = tpu.vector_load %arg10[%get3A_532, %get3A_533] {strides = array<i32>} : memref<64x128xf32, #tpu.memory_space<vmem>>, vector<16xf32>,
        %get3A_535 = arith.index_cast %add3A_528 : i32 to index
        %get3A_536 = arith.constant 32 : index
        %get3A_537 = tpu.vector_load %arg10[%get3A_535, %get3A_536] {strides = array<i32>} : memref<64x128xf32, #tpu.memory_space<vmem>>, vector<16xf32>,
        %get3A_538 = arith.index_cast %add3A_528 : i32 to index
        %get3A_539 = arith.constant 48 : index
        %get3A_540 = tpu.vector_load %arg10[%get3A_538, %get3A_539] {strides = array<i32>} : memref<64x128xf32, #tpu.memory_space<vmem>>, vector<16xf32>,
        %get3A_541 = arith.index_cast %add3A_528 : i32 to index
        %get3A_542 = arith.constant 64 : index
        %get3A_543 = tpu.vector_load %arg10[%get3A_541, %get3A_542] {strides = array<i32>} : memref<64x128xf32, #tpu.memory_space<vmem>>, vector<16xf32>,
        %get3A_544 = arith.index_cast %add3A_528 : i32 to index
        %get3A_545 = arith.constant 80 : index
        %get3A_546 = tpu.vector_load %arg10[%get3A_544, %get3A_545] {strides = array<i32>} : memref<64x128xf32, #tpu.memory_space<vmem>>, vector<16xf32>,
        %get3A_547 = arith.index_cast %add3A_528 : i32 to index
        %get3A_548 = arith.constant 96 : index
        %get3A_549 = tpu.vector_load %arg10[%get3A_547, %get3A_548] {strides = array<i32>} : memref<64x128xf32, #tpu.memory_space<vmem>>, vector<16xf32>,
        %get3A_550 = arith.index_cast %add3A_528 : i32 to index
        %get3A_551 = arith.constant 112 : index
        %get3A_552 = tpu.vector_load %arg10[%get3A_550, %get3A_551] {strides = array<i32>} : memref<64x128xf32, #tpu.memory_space<vmem>>, vector<16xf32>,
        %get3A_553 = arith.index_cast %add3A_528 : i32 to index
        %get3A_554 = arith.constant 0 : index
        %get3A_555 = tpu.vector_load %arg12[%get3A_553, %get3A_554] {strides = array<i32>} : memref<64x128xf32, #tpu.memory_space<vmem>>, vector<16xf32>,
        %get3A_556 = arith.index_cast %add3A_528 : i32 to index
        %get3A_557 = arith.constant 16 : index
        %get3A_558 = tpu.vector_load %arg12[%get3A_556, %get3A_557] {strides = array<i32>} : memref<64x128xf32, #tpu.memory_space<vmem>>, vector<16xf32>,
        %get3A_559 = arith.index_cast %add3A_528 : i32 to index
        %get3A_560 = arith.constant 32 : index
        %get3A_561 = tpu.vector_load %arg12[%get3A_559, %get3A_560] {strides = array<i32>} : memref<64x128xf32, #tpu.memory_space<vmem>>, vector<16xf32>,
        %get3A_562 = arith.index_cast %add3A_528 : i32 to index
        %get3A_563 = arith.constant 48 : index
        %get3A_564 = tpu.vector_load %arg12[%get3A_562, %get3A_563] {strides = array<i32>} : memref<64x128xf32, #tpu.memory_space<vmem>>, vector<16xf32>,
        %get3A_565 = arith.index_cast %add3A_528 : i32 to index
        %get3A_566 = arith.constant 64 : index
        %get3A_567 = tpu.vector_load %arg12[%get3A_565, %get3A_566] {strides = array<i32>} : memref<64x128xf32, #tpu.memory_space<vmem>>, vector<16xf32>,
        %get3A_568 = arith.index_cast %add3A_528 : i32 to index
        %get3A_569 = arith.constant 80 : index
        %get3A_570 = tpu.vector_load %arg12[%get3A_568, %get3A_569] {strides = array<i32>} : memref<64x128xf32, #tpu.memory_space<vmem>>, vector<16xf32>,
        %get3A_571 = arith.index_cast %add3A_528 : i32 to index
        %get3A_572 = arith.constant 96 : index
        %get3A_573 = tpu.vector_load %arg12[%get3A_571, %get3A_572] {strides = array<i32>} : memref<64x128xf32, #tpu.memory_space<vmem>>, vector<16xf32>,
        %get3A_574 = arith.index_cast %add3A_528 : i32 to index
        %get3A_575 = arith.constant 112 : index
        %get3A_576 = tpu.vector_load %arg12[%get3A_574, %get3A_575] {strides = array<i32>} : memref<64x128xf32, #tpu.memory_space<vmem>>, vector<16xf32>,
        %mul3A_577 = arith.mulf %get3A_460, %get3A_484 : vector<16xf32>
        %mul3A_578 = arith.mulf %get3A_463, %get3A_487 : vector<16xf32>
        %mul3A_579 = arith.mulf %get3A_466, %get3A_490 : vector<16xf32>
        %mul3A_580 = arith.mulf %get3A_469, %get3A_493 : vector<16xf32>
        %mul3A_581 = arith.mulf %get3A_472, %get3A_496 : vector<16xf32>
        %mul3A_582 = arith.mulf %get3A_475, %get3A_499 : vector<16xf32>
        %mul3A_583 = arith.mulf %get3A_478, %get3A_502 : vector<16xf32>
        %mul3A_584 = arith.mulf %get3A_481, %get3A_505 : vector<16xf32>
        %add3A_585 = arith.addf %mul3A_577, %mul3A_578 : vector<16xf32>
        %add3A_586 = arith.addf %mul3A_579, %mul3A_580 : vector<16xf32>
        %add3A_587 = arith.addf %mul3A_581, %mul3A_582 : vector<16xf32>
        %add3A_588 = arith.addf %mul3A_583, %mul3A_584 : vector<16xf32>
        %add3A_589 = arith.addf %add3A_585, %add3A_586 : vector<16xf32>
        %add3A_590 = arith.addf %add3A_587, %add3A_588 : vector<16xf32>
        %add3A_591 = arith.addf %add3A_589, %add3A_590 : vector<16xf32>
        %swap3A_592 = arith.constant 5 : i32
        %swap3A_593 = arith.index_cast %swap3A_592 : i32 to index
        %swap3A_594 = arith.constant 0 : index
        %swap3A_595 = tpu.vector_load %arg13[%swap3A_593, %swap3A_594] {strides = array<i32>} : memref<16x17xf32, #tpu.memory_space<vmem>>, vector<16xf32>,
        tpu.vector_store %arg13[%swap3A_593, %swap3A_594], %add3A_591 {strides = array<i32>} : memref<16x17xf32, #tpu.memory_space<vmem>>, vector<16xf32>,
        %mul3A_596 = arith.constant 16 : i32
        %mul3A_597 = arith.muli %add3A_119, %mul3A_596 : i32
        %add3A_598 = arith.constant 7 : i32
        %add3A_599 = arith.addi %mul3A_597, %add3A_598 : i32
        %get3A_600 = arith.index_cast %add3A_599 : i32 to index
        %get3A_601 = arith.constant 0 : index
        %get3A_602 = tpu.vector_load %arg10[%get3A_600, %get3A_601] {strides = array<i32>} : memref<64x128xf32, #tpu.memory_space<vmem>>, vector<16xf32>,
        %get3A_603 = arith.index_cast %add3A_599 : i32 to index
        %get3A_604 = arith.constant 16 : index
        %get3A_605 = tpu.vector_load %arg10[%get3A_603, %get3A_604] {strides = array<i32>} : memref<64x128xf32, #tpu.memory_space<vmem>>, vector<16xf32>,
        %get3A_606 = arith.index_cast %add3A_599 : i32 to index
        %get3A_607 = arith.constant 32 : index
        %get3A_608 = tpu.vector_load %arg10[%get3A_606, %get3A_607] {strides = array<i32>} : memref<64x128xf32, #tpu.memory_space<vmem>>, vector<16xf32>,
        %get3A_609 = arith.index_cast %add3A_599 : i32 to index
        %get3A_610 = arith.constant 48 : index
        %get3A_611 = tpu.vector_load %arg10[%get3A_609, %get3A_610] {strides = array<i32>} : memref<64x128xf32, #tpu.memory_space<vmem>>, vector<16xf32>,
        %get3A_612 = arith.index_cast %add3A_599 : i32 to index
        %get3A_613 = arith.constant 64 : index
        %get3A_614 = tpu.vector_load %arg10[%get3A_612, %get3A_613] {strides = array<i32>} : memref<64x128xf32, #tpu.memory_space<vmem>>, vector<16xf32>,
        %get3A_615 = arith.index_cast %add3A_599 : i32 to index
        %get3A_616 = arith.constant 80 : index
        %get3A_617 = tpu.vector_load %arg10[%get3A_615, %get3A_616] {strides = array<i32>} : memref<64x128xf32, #tpu.memory_space<vmem>>, vector<16xf32>,
        %get3A_618 = arith.index_cast %add3A_599 : i32 to index
        %get3A_619 = arith.constant 96 : index
        %get3A_620 = tpu.vector_load %arg10[%get3A_618, %get3A_619] {strides = array<i32>} : memref<64x128xf32, #tpu.memory_space<vmem>>, vector<16xf32>,
        %get3A_621 = arith.index_cast %add3A_599 : i32 to index
        %get3A_622 = arith.constant 112 : index
        %get3A_623 = tpu.vector_load %arg10[%get3A_621, %get3A_622] {strides = array<i32>} : memref<64x128xf32, #tpu.memory_space<vmem>>, vector<16xf32>,
        %get3A_624 = arith.index_cast %add3A_599 : i32 to index
        %get3A_625 = arith.constant 0 : index
        %get3A_626 = tpu.vector_load %arg12[%get3A_624, %get3A_625] {strides = array<i32>} : memref<64x128xf32, #tpu.memory_space<vmem>>, vector<16xf32>,
        %get3A_627 = arith.index_cast %add3A_599 : i32 to index
        %get3A_628 = arith.constant 16 : index
        %get3A_629 = tpu.vector_load %arg12[%get3A_627, %get3A_628] {strides = array<i32>} : memref<64x128xf32, #tpu.memory_space<vmem>>, vector<16xf32>,
        %get3A_630 = arith.index_cast %add3A_599 : i32 to index
        %get3A_631 = arith.constant 32 : index
        %get3A_632 = tpu.vector_load %arg12[%get3A_630, %get3A_631] {strides = array<i32>} : memref<64x128xf32, #tpu.memory_space<vmem>>, vector<16xf32>,
        %get3A_633 = arith.index_cast %add3A_599 : i32 to index
        %get3A_634 = arith.constant 48 : index
        %get3A_635 = tpu.vector_load %arg12[%get3A_633, %get3A_634] {strides = array<i32>} : memref<64x128xf32, #tpu.memory_space<vmem>>, vector<16xf32>,
        %get3A_636 = arith.index_cast %add3A_599 : i32 to index
        %get3A_637 = arith.constant 64 : index
        %get3A_638 = tpu.vector_load %arg12[%get3A_636, %get3A_637] {strides = array<i32>} : memref<64x128xf32, #tpu.memory_space<vmem>>, vector<16xf32>,
        %get3A_639 = arith.index_cast %add3A_599 : i32 to index
        %get3A_640 = arith.constant 80 : index
        %get3A_641 = tpu.vector_load %arg12[%get3A_639, %get3A_640] {strides = array<i32>} : memref<64x128xf32, #tpu.memory_space<vmem>>, vector<16xf32>,
        %get3A_642 = arith.index_cast %add3A_599 : i32 to index
        %get3A_643 = arith.constant 96 : index
        %get3A_644 = tpu.vector_load %arg12[%get3A_642, %get3A_643] {strides = array<i32>} : memref<64x128xf32, #tpu.memory_space<vmem>>, vector<16xf32>,
        %get3A_645 = arith.index_cast %add3A_599 : i32 to index
        %get3A_646 = arith.constant 112 : index
        %get3A_647 = tpu.vector_load %arg12[%get3A_645, %get3A_646] {strides = array<i32>} : memref<64x128xf32, #tpu.memory_space<vmem>>, vector<16xf32>,
        %mul3A_648 = arith.mulf %get3A_531, %get3A_555 : vector<16xf32>
        %mul3A_649 = arith.mulf %get3A_534, %get3A_558 : vector<16xf32>
        %mul3A_650 = arith.mulf %get3A_537, %get3A_561 : vector<16xf32>
        %mul3A_651 = arith.mulf %get3A_540, %get3A_564 : vector<16xf32>
        %mul3A_652 = arith.mulf %get3A_543, %get3A_567 : vector<16xf32>
        %mul3A_653 = arith.mulf %get3A_546, %get3A_570 : vector<16xf32>
        %mul3A_654 = arith.mulf %get3A_549, %get3A_573 : vector<16xf32>
        %mul3A_655 = arith.mulf %get3A_552, %get3A_576 : vector<16xf32>
        %add3A_656 = arith.addf %mul3A_648, %mul3A_649 : vector<16xf32>
        %add3A_657 = arith.addf %mul3A_650, %mul3A_651 : vector<16xf32>
        %add3A_658 = arith.addf %mul3A_652, %mul3A_653 : vector<16xf32>
        %add3A_659 = arith.addf %mul3A_654, %mul3A_655 : vector<16xf32>
        %add3A_660 = arith.addf %add3A_656, %add3A_657 : vector<16xf32>
        %add3A_661 = arith.addf %add3A_658, %add3A_659 : vector<16xf32>
        %add3A_662 = arith.addf %add3A_660, %add3A_661 : vector<16xf32>
        %swap3A_663 = arith.constant 6 : i32
        %swap3A_664 = arith.index_cast %swap3A_663 : i32 to index
        %swap3A_665 = arith.constant 0 : index
        %swap3A_666 = tpu.vector_load %arg13[%swap3A_664, %swap3A_665] {strides = array<i32>} : memref<16x17xf32, #tpu.memory_space<vmem>>, vector<16xf32>,
        tpu.vector_store %arg13[%swap3A_664, %swap3A_665], %add3A_662 {strides = array<i32>} : memref<16x17xf32, #tpu.memory_space<vmem>>, vector<16xf32>,
        %mul3A_667 = arith.constant 16 : i32
        %mul3A_668 = arith.muli %add3A_119, %mul3A_667 : i32
        %add3A_669 = arith.constant 8 : i32
        %add3A_670 = arith.addi %mul3A_668, %add3A_669 : i32
        %get3A_671 = arith.index_cast %add3A_670 : i32 to index
        %get3A_672 = arith.constant 0 : index
        %get3A_673 = tpu.vector_load %arg10[%get3A_671, %get3A_672] {strides = array<i32>} : memref<64x128xf32, #tpu.memory_space<vmem>>, vector<16xf32>,
        %get3A_674 = arith.index_cast %add3A_670 : i32 to index
        %get3A_675 = arith.constant 16 : index
        %get3A_676 = tpu.vector_load %arg10[%get3A_674, %get3A_675] {strides = array<i32>} : memref<64x128xf32, #tpu.memory_space<vmem>>, vector<16xf32>,
        %get3A_677 = arith.index_cast %add3A_670 : i32 to index
        %get3A_678 = arith.constant 32 : index
        %get3A_679 = tpu.vector_load %arg10[%get3A_677, %get3A_678] {strides = array<i32>} : memref<64x128xf32, #tpu.memory_space<vmem>>, vector<16xf32>,
        %get3A_680 = arith.index_cast %add3A_670 : i32 to index
        %get3A_681 = arith.constant 48 : index
        %get3A_682 = tpu.vector_load %arg10[%get3A_680, %get3A_681] {strides = array<i32>} : memref<64x128xf32, #tpu.memory_space<vmem>>, vector<16xf32>,
        %get3A_683 = arith.index_cast %add3A_670 : i32 to index
        %get3A_684 = arith.constant 64 : index
        %get3A_685 = tpu.vector_load %arg10[%get3A_683, %get3A_684] {strides = array<i32>} : memref<64x128xf32, #tpu.memory_space<vmem>>, vector<16xf32>,
        %get3A_686 = arith.index_cast %add3A_670 : i32 to index
        %get3A_687 = arith.constant 80 : index
        %get3A_688 = tpu.vector_load %arg10[%get3A_686, %get3A_687] {strides = array<i32>} : memref<64x128xf32, #tpu.memory_space<vmem>>, vector<16xf32>,
        %get3A_689 = arith.index_cast %add3A_670 : i32 to index
        %get3A_690 = arith.constant 96 : index
        %get3A_691 = tpu.vector_load %arg10[%get3A_689, %get3A_690] {strides = array<i32>} : memref<64x128xf32, #tpu.memory_space<vmem>>, vector<16xf32>,
        %get3A_692 = arith.index_cast %add3A_670 : i32 to index
        %get3A_693 = arith.constant 112 : index
        %get3A_694 = tpu.vector_load %arg10[%get3A_692, %get3A_693] {strides = array<i32>} : memref<64x128xf32, #tpu.memory_space<vmem>>, vector<16xf32>,
        %get3A_695 = arith.index_cast %add3A_670 : i32 to index
        %get3A_696 = arith.constant 0 : index
        %get3A_697 = tpu.vector_load %arg12[%get3A_695, %get3A_696] {strides = array<i32>} : memref<64x128xf32, #tpu.memory_space<vmem>>, vector<16xf32>,
        %get3A_698 = arith.index_cast %add3A_670 : i32 to index
        %get3A_699 = arith.constant 16 : index
        %get3A_700 = tpu.vector_load %arg12[%get3A_698, %get3A_699] {strides = array<i32>} : memref<64x128xf32, #tpu.memory_space<vmem>>, vector<16xf32>,
        %get3A_701 = arith.index_cast %add3A_670 : i32 to index
        %get3A_702 = arith.constant 32 : index
        %get3A_703 = tpu.vector_load %arg12[%get3A_701, %get3A_702] {strides = array<i32>} : memref<64x128xf32, #tpu.memory_space<vmem>>, vector<16xf32>,
        %get3A_704 = arith.index_cast %add3A_670 : i32 to index
        %get3A_705 = arith.constant 48 : index
        %get3A_706 = tpu.vector_load %arg12[%get3A_704, %get3A_705] {strides = array<i32>} : memref<64x128xf32, #tpu.memory_space<vmem>>, vector<16xf32>,
        %get3A_707 = arith.index_cast %add3A_670 : i32 to index
        %get3A_708 = arith.constant 64 : index
        %get3A_709 = tpu.vector_load %arg12[%get3A_707, %get3A_708] {strides = array<i32>} : memref<64x128xf32, #tpu.memory_space<vmem>>, vector<16xf32>,
        %get3A_710 = arith.index_cast %add3A_670 : i32 to index
        %get3A_711 = arith.constant 80 : index
        %get3A_712 = tpu.vector_load %arg12[%get3A_710, %get3A_711] {strides = array<i32>} : memref<64x128xf32, #tpu.memory_space<vmem>>, vector<16xf32>,
        %get3A_713 = arith.index_cast %add3A_670 : i32 to index
        %get3A_714 = arith.constant 96 : index
        %get3A_715 = tpu.vector_load %arg12[%get3A_713, %get3A_714] {strides = array<i32>} : memref<64x128xf32, #tpu.memory_space<vmem>>, vector<16xf32>,
        %get3A_716 = arith.index_cast %add3A_670 : i32 to index
        %get3A_717 = arith.constant 112 : index
        %get3A_718 = tpu.vector_load %arg12[%get3A_716, %get3A_717] {strides = array<i32>} : memref<64x128xf32, #tpu.memory_space<vmem>>, vector<16xf32>,
        %mul3A_719 = arith.mulf %get3A_602, %get3A_626 : vector<16xf32>
        %mul3A_720 = arith.mulf %get3A_605, %get3A_629 : vector<16xf32>
        %mul3A_721 = arith.mulf %get3A_608, %get3A_632 : vector<16xf32>
        %mul3A_722 = arith.mulf %get3A_611, %get3A_635 : vector<16xf32>
        %mul3A_723 = arith.mulf %get3A_614, %get3A_638 : vector<16xf32>
        %mul3A_724 = arith.mulf %get3A_617, %get3A_641 : vector<16xf32>
        %mul3A_725 = arith.mulf %get3A_620, %get3A_644 : vector<16xf32>
        %mul3A_726 = arith.mulf %get3A_623, %get3A_647 : vector<16xf32>
        %add3A_727 = arith.addf %mul3A_719, %mul3A_720 : vector<16xf32>
        %add3A_728 = arith.addf %mul3A_721, %mul3A_722 : vector<16xf32>
        %add3A_729 = arith.addf %mul3A_723, %mul3A_724 : vector<16xf32>
        %add3A_730 = arith.addf %mul3A_725, %mul3A_726 : vector<16xf32>
        %add3A_731 = arith.addf %add3A_727, %add3A_728 : vector<16xf32>
        %add3A_732 = arith.addf %add3A_729, %add3A_730 : vector<16xf32>
        %add3A_733 = arith.addf %add3A_731, %add3A_732 : vector<16xf32>
        %swap3A_734 = arith.constant 7 : i32
        %swap3A_735 = arith.index_cast %swap3A_734 : i32 to index
        %swap3A_736 = arith.constant 0 : index
        %swap3A_737 = tpu.vector_load %arg13[%swap3A_735, %swap3A_736] {strides = array<i32>} : memref<16x17xf32, #tpu.memory_space<vmem>>, vector<16xf32>,
        tpu.vector_store %arg13[%swap3A_735, %swap3A_736], %add3A_733 {strides = array<i32>} : memref<16x17xf32, #tpu.memory_space<vmem>>, vector<16xf32>,
        %mul3A_738 = arith.constant 16 : i32
        %mul3A_739 = arith.muli %add3A_119, %mul3A_738 : i32
        %add3A_740 = arith.constant 9 : i32
        %add3A_741 = arith.addi %mul3A_739, %add3A_740 : i32
        %get3A_742 = arith.index_cast %add3A_741 : i32 to index
        %get3A_743 = arith.constant 0 : index
        %get3A_744 = tpu.vector_load %arg10[%get3A_742, %get3A_743] {strides = array<i32>} : memref<64x128xf32, #tpu.memory_space<vmem>>, vector<16xf32>,
        %get3A_745 = arith.index_cast %add3A_741 : i32 to index
        %get3A_746 = arith.constant 16 : index
        %get3A_747 = tpu.vector_load %arg10[%get3A_745, %get3A_746] {strides = array<i32>} : memref<64x128xf32, #tpu.memory_space<vmem>>, vector<16xf32>,
        %get3A_748 = arith.index_cast %add3A_741 : i32 to index
        %get3A_749 = arith.constant 32 : index
        %get3A_750 = tpu.vector_load %arg10[%get3A_748, %get3A_749] {strides = array<i32>} : memref<64x128xf32, #tpu.memory_space<vmem>>, vector<16xf32>,
        %get3A_751 = arith.index_cast %add3A_741 : i32 to index
        %get3A_752 = arith.constant 48 : index
        %get3A_753 = tpu.vector_load %arg10[%get3A_751, %get3A_752] {strides = array<i32>} : memref<64x128xf32, #tpu.memory_space<vmem>>, vector<16xf32>,
        %get3A_754 = arith.index_cast %add3A_741 : i32 to index
        %get3A_755 = arith.constant 64 : index
        %get3A_756 = tpu.vector_load %arg10[%get3A_754, %get3A_755] {strides = array<i32>} : memref<64x128xf32, #tpu.memory_space<vmem>>, vector<16xf32>,
        %get3A_757 = arith.index_cast %add3A_741 : i32 to index
        %get3A_758 = arith.constant 80 : index
        %get3A_759 = tpu.vector_load %arg10[%get3A_757, %get3A_758] {strides = array<i32>} : memref<64x128xf32, #tpu.memory_space<vmem>>, vector<16xf32>,
        %get3A_760 = arith.index_cast %add3A_741 : i32 to index
        %get3A_761 = arith.constant 96 : index
        %get3A_762 = tpu.vector_load %arg10[%get3A_760, %get3A_761] {strides = array<i32>} : memref<64x128xf32, #tpu.memory_space<vmem>>, vector<16xf32>,
        %get3A_763 = arith.index_cast %add3A_741 : i32 to index
        %get3A_764 = arith.constant 112 : index
        %get3A_765 = tpu.vector_load %arg10[%get3A_763, %get3A_764] {strides = array<i32>} : memref<64x128xf32, #tpu.memory_space<vmem>>, vector<16xf32>,
        %get3A_766 = arith.index_cast %add3A_741 : i32 to index
        %get3A_767 = arith.constant 0 : index
        %get3A_768 = tpu.vector_load %arg12[%get3A_766, %get3A_767] {strides = array<i32>} : memref<64x128xf32, #tpu.memory_space<vmem>>, vector<16xf32>,
        %get3A_769 = arith.index_cast %add3A_741 : i32 to index
        %get3A_770 = arith.constant 16 : index
        %get3A_771 = tpu.vector_load %arg12[%get3A_769, %get3A_770] {strides = array<i32>} : memref<64x128xf32, #tpu.memory_space<vmem>>, vector<16xf32>,
        %get3A_772 = arith.index_cast %add3A_741 : i32 to index
        %get3A_773 = arith.constant 32 : index
        %get3A_774 = tpu.vector_load %arg12[%get3A_772, %get3A_773] {strides = array<i32>} : memref<64x128xf32, #tpu.memory_space<vmem>>, vector<16xf32>,
        %get3A_775 = arith.index_cast %add3A_741 : i32 to index
        %get3A_776 = arith.constant 48 : index
        %get3A_777 = tpu.vector_load %arg12[%get3A_775, %get3A_776] {strides = array<i32>} : memref<64x128xf32, #tpu.memory_space<vmem>>, vector<16xf32>,
        %get3A_778 = arith.index_cast %add3A_741 : i32 to index
        %get3A_779 = arith.constant 64 : index
        %get3A_780 = tpu.vector_load %arg12[%get3A_778, %get3A_779] {strides = array<i32>} : memref<64x128xf32, #tpu.memory_space<vmem>>, vector<16xf32>,
        %get3A_781 = arith.index_cast %add3A_741 : i32 to index
        %get3A_782 = arith.constant 80 : index
        %get3A_783 = tpu.vector_load %arg12[%get3A_781, %get3A_782] {strides = array<i32>} : memref<64x128xf32, #tpu.memory_space<vmem>>, vector<16xf32>,
        %get3A_784 = arith.index_cast %add3A_741 : i32 to index
        %get3A_785 = arith.constant 96 : index
        %get3A_786 = tpu.vector_load %arg12[%get3A_784, %get3A_785] {strides = array<i32>} : memref<64x128xf32, #tpu.memory_space<vmem>>, vector<16xf32>,
        %get3A_787 = arith.index_cast %add3A_741 : i32 to index
        %get3A_788 = arith.constant 112 : index
        %get3A_789 = tpu.vector_load %arg12[%get3A_787, %get3A_788] {strides = array<i32>} : memref<64x128xf32, #tpu.memory_space<vmem>>, vector<16xf32>,
        %mul3A_790 = arith.mulf %get3A_673, %get3A_697 : vector<16xf32>
        %mul3A_791 = arith.mulf %get3A_676, %get3A_700 : vector<16xf32>
        %mul3A_792 = arith.mulf %get3A_679, %get3A_703 : vector<16xf32>
        %mul3A_793 = arith.mulf %get3A_682, %get3A_706 : vector<16xf32>
        %mul3A_794 = arith.mulf %get3A_685, %get3A_709 : vector<16xf32>
        %mul3A_795 = arith.mulf %get3A_688, %get3A_712 : vector<16xf32>
        %mul3A_796 = arith.mulf %get3A_691, %get3A_715 : vector<16xf32>
        %mul3A_797 = arith.mulf %get3A_694, %get3A_718 : vector<16xf32>
        %add3A_798 = arith.addf %mul3A_790, %mul3A_791 : vector<16xf32>
        %add3A_799 = arith.addf %mul3A_792, %mul3A_793 : vector<16xf32>
        %add3A_800 = arith.addf %mul3A_794, %mul3A_795 : vector<16xf32>
        %add3A_801 = arith.addf %mul3A_796, %mul3A_797 : vector<16xf32>
        %add3A_802 = arith.addf %add3A_798, %add3A_799 : vector<16xf32>
        %add3A_803 = arith.addf %add3A_800, %add3A_801 : vector<16xf32>
        %add3A_804 = arith.addf %add3A_802, %add3A_803 : vector<16xf32>
        %swap3A_805 = arith.constant 8 : i32
        %swap3A_806 = arith.index_cast %swap3A_805 : i32 to index
        %swap3A_807 = arith.constant 0 : index
        %swap3A_808 = tpu.vector_load %arg13[%swap3A_806, %swap3A_807] {strides = array<i32>} : memref<16x17xf32, #tpu.memory_space<vmem>>, vector<16xf32>,
        tpu.vector_store %arg13[%swap3A_806, %swap3A_807], %add3A_804 {strides = array<i32>} : memref<16x17xf32, #tpu.memory_space<vmem>>, vector<16xf32>,
        %mul3A_809 = arith.constant 16 : i32
        %mul3A_810 = arith.muli %add3A_119, %mul3A_809 : i32
        %add3A_811 = arith.constant 10 : i32
        %add3A_812 = arith.addi %mul3A_810, %add3A_811 : i32
        %get3A_813 = arith.index_cast %add3A_812 : i32 to index
        %get3A_814 = arith.constant 0 : index
        %get3A_815 = tpu.vector_load %arg10[%get3A_813, %get3A_814] {strides = array<i32>} : memref<64x128xf32, #tpu.memory_space<vmem>>, vector<16xf32>,
        %get3A_816 = arith.index_cast %add3A_812 : i32 to index
        %get3A_817 = arith.constant 16 : index
        %get3A_818 = tpu.vector_load %arg10[%get3A_816, %get3A_817] {strides = array<i32>} : memref<64x128xf32, #tpu.memory_space<vmem>>, vector<16xf32>,
        %get3A_819 = arith.index_cast %add3A_812 : i32 to index
        %get3A_820 = arith.constant 32 : index
        %get3A_821 = tpu.vector_load %arg10[%get3A_819, %get3A_820] {strides = array<i32>} : memref<64x128xf32, #tpu.memory_space<vmem>>, vector<16xf32>,
        %get3A_822 = arith.index_cast %add3A_812 : i32 to index
        %get3A_823 = arith.constant 48 : index
        %get3A_824 = tpu.vector_load %arg10[%get3A_822, %get3A_823] {strides = array<i32>} : memref<64x128xf32, #tpu.memory_space<vmem>>, vector<16xf32>,
        %get3A_825 = arith.index_cast %add3A_812 : i32 to index
        %get3A_826 = arith.constant 64 : index
        %get3A_827 = tpu.vector_load %arg10[%get3A_825, %get3A_826] {strides = array<i32>} : memref<64x128xf32, #tpu.memory_space<vmem>>, vector<16xf32>,
        %get3A_828 = arith.index_cast %add3A_812 : i32 to index
        %get3A_829 = arith.constant 80 : index
        %get3A_830 = tpu.vector_load %arg10[%get3A_828, %get3A_829] {strides = array<i32>} : memref<64x128xf32, #tpu.memory_space<vmem>>, vector<16xf32>,
        %get3A_831 = arith.index_cast %add3A_812 : i32 to index
        %get3A_832 = arith.constant 96 : index
        %get3A_833 = tpu.vector_load %arg10[%get3A_831, %get3A_832] {strides = array<i32>} : memref<64x128xf32, #tpu.memory_space<vmem>>, vector<16xf32>,
        %get3A_834 = arith.index_cast %add3A_812 : i32 to index
        %get3A_835 = arith.constant 112 : index
        %get3A_836 = tpu.vector_load %arg10[%get3A_834, %get3A_835] {strides = array<i32>} : memref<64x128xf32, #tpu.memory_space<vmem>>, vector<16xf32>,
        %get3A_837 = arith.index_cast %add3A_812 : i32 to index
        %get3A_838 = arith.constant 0 : index
        %get3A_839 = tpu.vector_load %arg12[%get3A_837, %get3A_838] {strides = array<i32>} : memref<64x128xf32, #tpu.memory_space<vmem>>, vector<16xf32>,
        %get3A_840 = arith.index_cast %add3A_812 : i32 to index
        %get3A_841 = arith.constant 16 : index
        %get3A_842 = tpu.vector_load %arg12[%get3A_840, %get3A_841] {strides = array<i32>} : memref<64x128xf32, #tpu.memory_space<vmem>>, vector<16xf32>,
        %get3A_843 = arith.index_cast %add3A_812 : i32 to index
        %get3A_844 = arith.constant 32 : index
        %get3A_845 = tpu.vector_load %arg12[%get3A_843, %get3A_844] {strides = array<i32>} : memref<64x128xf32, #tpu.memory_space<vmem>>, vector<16xf32>,
        %get3A_846 = arith.index_cast %add3A_812 : i32 to index
        %get3A_847 = arith.constant 48 : index
        %get3A_848 = tpu.vector_load %arg12[%get3A_846, %get3A_847] {strides = array<i32>} : memref<64x128xf32, #tpu.memory_space<vmem>>, vector<16xf32>,
        %get3A_849 = arith.index_cast %add3A_812 : i32 to index
        %get3A_850 = arith.constant 64 : index
        %get3A_851 = tpu.vector_load %arg12[%get3A_849, %get3A_850] {strides = array<i32>} : memref<64x128xf32, #tpu.memory_space<vmem>>, vector<16xf32>,
        %get3A_852 = arith.index_cast %add3A_812 : i32 to index
        %get3A_853 = arith.constant 80 : index
        %get3A_854 = tpu.vector_load %arg12[%get3A_852, %get3A_853] {strides = array<i32>} : memref<64x128xf32, #tpu.memory_space<vmem>>, vector<16xf32>,
        %get3A_855 = arith.index_cast %add3A_812 : i32 to index
        %get3A_856 = arith.constant 96 : index
        %get3A_857 = tpu.vector_load %arg12[%get3A_855, %get3A_856] {strides = array<i32>} : memref<64x128xf32, #tpu.memory_space<vmem>>, vector<16xf32>,
        %get3A_858 = arith.index_cast %add3A_812 : i32 to index
        %get3A_859 = arith.constant 112 : index
        %get3A_860 = tpu.vector_load %arg12[%get3A_858, %get3A_859] {strides = array<i32>} : memref<64x128xf32, #tpu.memory_space<vmem>>, vector<16xf32>,
        %mul3A_861 = arith.mulf %get3A_744, %get3A_768 : vector<16xf32>
        %mul3A_862 = arith.mulf %get3A_747, %get3A_771 : vector<16xf32>
        %mul3A_863 = arith.mulf %get3A_750, %get3A_774 : vector<16xf32>
        %mul3A_864 = arith.mulf %get3A_753, %get3A_777 : vector<16xf32>
        %mul3A_865 = arith.mulf %get3A_756, %get3A_780 : vector<16xf32>
        %mul3A_866 = arith.mulf %get3A_759, %get3A_783 : vector<16xf32>
        %mul3A_867 = arith.mulf %get3A_762, %get3A_786 : vector<16xf32>
        %mul3A_868 = arith.mulf %get3A_765, %get3A_789 : vector<16xf32>
        %add3A_869 = arith.addf %mul3A_861, %mul3A_862 : vector<16xf32>
        %add3A_870 = arith.addf %mul3A_863, %mul3A_864 : vector<16xf32>
        %add3A_871 = arith.addf %mul3A_865, %mul3A_866 : vector<16xf32>
        %add3A_872 = arith.addf %mul3A_867, %mul3A_868 : vector<16xf32>
        %add3A_873 = arith.addf %add3A_869, %add3A_870 : vector<16xf32>
        %add3A_874 = arith.addf %add3A_871, %add3A_872 : vector<16xf32>
        %add3A_875 = arith.addf %add3A_873, %add3A_874 : vector<16xf32>
        %swap3A_876 = arith.constant 9 : i32
        %swap3A_877 = arith.index_cast %swap3A_876 : i32 to index
        %swap3A_878 = arith.constant 0 : index
        %swap3A_879 = tpu.vector_load %arg13[%swap3A_877, %swap3A_878] {strides = array<i32>} : memref<16x17xf32, #tpu.memory_space<vmem>>, vector<16xf32>,
        tpu.vector_store %arg13[%swap3A_877, %swap3A_878], %add3A_875 {strides = array<i32>} : memref<16x17xf32, #tpu.memory_space<vmem>>, vector<16xf32>,
        %mul3A_880 = arith.constant 16 : i32
        %mul3A_881 = arith.muli %add3A_119, %mul3A_880 : i32
        %add3A_882 = arith.constant 11 : i32
        %add3A_883 = arith.addi %mul3A_881, %add3A_882 : i32
        %get3A_884 = arith.index_cast %add3A_883 : i32 to index
        %get3A_885 = arith.constant 0 : index
        %get3A_886 = tpu.vector_load %arg10[%get3A_884, %get3A_885] {strides = array<i32>} : memref<64x128xf32, #tpu.memory_space<vmem>>, vector<16xf32>,
        %get3A_887 = arith.index_cast %add3A_883 : i32 to index
        %get3A_888 = arith.constant 16 : index
        %get3A_889 = tpu.vector_load %arg10[%get3A_887, %get3A_888] {strides = array<i32>} : memref<64x128xf32, #tpu.memory_space<vmem>>, vector<16xf32>,
        %get3A_890 = arith.index_cast %add3A_883 : i32 to index
        %get3A_891 = arith.constant 32 : index
        %get3A_892 = tpu.vector_load %arg10[%get3A_890, %get3A_891] {strides = array<i32>} : memref<64x128xf32, #tpu.memory_space<vmem>>, vector<16xf32>,
        %get3A_893 = arith.index_cast %add3A_883 : i32 to index
        %get3A_894 = arith.constant 48 : index
        %get3A_895 = tpu.vector_load %arg10[%get3A_893, %get3A_894] {strides = array<i32>} : memref<64x128xf32, #tpu.memory_space<vmem>>, vector<16xf32>,
        %get3A_896 = arith.index_cast %add3A_883 : i32 to index
        %get3A_897 = arith.constant 64 : index
        %get3A_898 = tpu.vector_load %arg10[%get3A_896, %get3A_897] {strides = array<i32>} : memref<64x128xf32, #tpu.memory_space<vmem>>, vector<16xf32>,
        %get3A_899 = arith.index_cast %add3A_883 : i32 to index
        %get3A_900 = arith.constant 80 : index
        %get3A_901 = tpu.vector_load %arg10[%get3A_899, %get3A_900] {strides = array<i32>} : memref<64x128xf32, #tpu.memory_space<vmem>>, vector<16xf32>,
        %get3A_902 = arith.index_cast %add3A_883 : i32 to index
        %get3A_903 = arith.constant 96 : index
        %get3A_904 = tpu.vector_load %arg10[%get3A_902, %get3A_903] {strides = array<i32>} : memref<64x128xf32, #tpu.memory_space<vmem>>, vector<16xf32>,
        %get3A_905 = arith.index_cast %add3A_883 : i32 to index
        %get3A_906 = arith.constant 112 : index
        %get3A_907 = tpu.vector_load %arg10[%get3A_905, %get3A_906] {strides = array<i32>} : memref<64x128xf32, #tpu.memory_space<vmem>>, vector<16xf32>,
        %get3A_908 = arith.index_cast %add3A_883 : i32 to index
        %get3A_909 = arith.constant 0 : index
        %get3A_910 = tpu.vector_load %arg12[%get3A_908, %get3A_909] {strides = array<i32>} : memref<64x128xf32, #tpu.memory_space<vmem>>, vector<16xf32>,
        %get3A_911 = arith.index_cast %add3A_883 : i32 to index
        %get3A_912 = arith.constant 16 : index
        %get3A_913 = tpu.vector_load %arg12[%get3A_911, %get3A_912] {strides = array<i32>} : memref<64x128xf32, #tpu.memory_space<vmem>>, vector<16xf32>,
        %get3A_914 = arith.index_cast %add3A_883 : i32 to index
        %get3A_915 = arith.constant 32 : index
        %get3A_916 = tpu.vector_load %arg12[%get3A_914, %get3A_915] {strides = array<i32>} : memref<64x128xf32, #tpu.memory_space<vmem>>, vector<16xf32>,
        %get3A_917 = arith.index_cast %add3A_883 : i32 to index
        %get3A_918 = arith.constant 48 : index
        %get3A_919 = tpu.vector_load %arg12[%get3A_917, %get3A_918] {strides = array<i32>} : memref<64x128xf32, #tpu.memory_space<vmem>>, vector<16xf32>,
        %get3A_920 = arith.index_cast %add3A_883 : i32 to index
        %get3A_921 = arith.constant 64 : index
        %get3A_922 = tpu.vector_load %arg12[%get3A_920, %get3A_921] {strides = array<i32>} : memref<64x128xf32, #tpu.memory_space<vmem>>, vector<16xf32>,
        %get3A_923 = arith.index_cast %add3A_883 : i32 to index
        %get3A_924 = arith.constant 80 : index
        %get3A_925 = tpu.vector_load %arg12[%get3A_923, %get3A_924] {strides = array<i32>} : memref<64x128xf32, #tpu.memory_space<vmem>>, vector<16xf32>,
        %get3A_926 = arith.index_cast %add3A_883 : i32 to index
        %get3A_927 = arith.constant 96 : index
        %get3A_928 = tpu.vector_load %arg12[%get3A_926, %get3A_927] {strides = array<i32>} : memref<64x128xf32, #tpu.memory_space<vmem>>, vector<16xf32>,
        %get3A_929 = arith.index_cast %add3A_883 : i32 to index
        %get3A_930 = arith.constant 112 : index
        %get3A_931 = tpu.vector_load %arg12[%get3A_929, %get3A_930] {strides = array<i32>} : memref<64x128xf32, #tpu.memory_space<vmem>>, vector<16xf32>,
        %mul3A_932 = arith.mulf %get3A_815, %get3A_839 : vector<16xf32>
        %mul3A_933 = arith.mulf %get3A_818, %get3A_842 : vector<16xf32>
        %mul3A_934 = arith.mulf %get3A_821, %get3A_845 : vector<16xf32>
        %mul3A_935 = arith.mulf %get3A_824, %get3A_848 : vector<16xf32>
        %mul3A_936 = arith.mulf %get3A_827, %get3A_851 : vector<16xf32>
        %mul3A_937 = arith.mulf %get3A_830, %get3A_854 : vector<16xf32>
        %mul3A_938 = arith.mulf %get3A_833, %get3A_857 : vector<16xf32>
        %mul3A_939 = arith.mulf %get3A_836, %get3A_860 : vector<16xf32>
        %add3A_940 = arith.addf %mul3A_932, %mul3A_933 : vector<16xf32>
        %add3A_941 = arith.addf %mul3A_934, %mul3A_935 : vector<16xf32>
        %add3A_942 = arith.addf %mul3A_936, %mul3A_937 : vector<16xf32>
        %add3A_943 = arith.addf %mul3A_938, %mul3A_939 : vector<16xf32>
        %add3A_944 = arith.addf %add3A_940, %add3A_941 : vector<16xf32>
        %add3A_945 = arith.addf %add3A_942, %add3A_943 : vector<16xf32>
        %add3A_946 = arith.addf %add3A_944, %add3A_945 : vector<16xf32>
        %swap3A_947 = arith.constant 10 : i32
        %swap3A_948 = arith.index_cast %swap3A_947 : i32 to index
        %swap3A_949 = arith.constant 0 : index
        %swap3A_950 = tpu.vector_load %arg13[%swap3A_948, %swap3A_949] {strides = array<i32>} : memref<16x17xf32, #tpu.memory_space<vmem>>, vector<16xf32>,
        tpu.vector_store %arg13[%swap3A_948, %swap3A_949], %add3A_946 {strides = array<i32>} : memref<16x17xf32, #tpu.memory_space<vmem>>, vector<16xf32>,
        %mul3A_951 = arith.constant 16 : i32
        %mul3A_952 = arith.muli %add3A_119, %mul3A_951 : i32
        %add3A_953 = arith.constant 12 : i32
        %add3A_954 = arith.addi %mul3A_952, %add3A_953 : i32
        %get3A_955 = arith.index_cast %add3A_954 : i32 to index
        %get3A_956 = arith.constant 0 : index
        %get3A_957 = tpu.vector_load %arg10[%get3A_955, %get3A_956] {strides = array<i32>} : memref<64x128xf32, #tpu.memory_space<vmem>>, vector<16xf32>,
        %get3A_958 = arith.index_cast %add3A_954 : i32 to index
        %get3A_959 = arith.constant 16 : index
        %get3A_960 = tpu.vector_load %arg10[%get3A_958, %get3A_959] {strides = array<i32>} : memref<64x128xf32, #tpu.memory_space<vmem>>, vector<16xf32>,
        %get3A_961 = arith.index_cast %add3A_954 : i32 to index
        %get3A_962 = arith.constant 32 : index
        %get3A_963 = tpu.vector_load %arg10[%get3A_961, %get3A_962] {strides = array<i32>} : memref<64x128xf32, #tpu.memory_space<vmem>>, vector<16xf32>,
        %get3A_964 = arith.index_cast %add3A_954 : i32 to index
        %get3A_965 = arith.constant 48 : index
        %get3A_966 = tpu.vector_load %arg10[%get3A_964, %get3A_965] {strides = array<i32>} : memref<64x128xf32, #tpu.memory_space<vmem>>, vector<16xf32>,
        %get3A_967 = arith.index_cast %add3A_954 : i32 to index
        %get3A_968 = arith.constant 64 : index
        %get3A_969 = tpu.vector_load %arg10[%get3A_967, %get3A_968] {strides = array<i32>} : memref<64x128xf32, #tpu.memory_space<vmem>>, vector<16xf32>,
        %get3A_970 = arith.index_cast %add3A_954 : i32 to index
        %get3A_971 = arith.constant 80 : index
        %get3A_972 = tpu.vector_load %arg10[%get3A_970, %get3A_971] {strides = array<i32>} : memref<64x128xf32, #tpu.memory_space<vmem>>, vector<16xf32>,
        %get3A_973 = arith.index_cast %add3A_954 : i32 to index
        %get3A_974 = arith.constant 96 : index
        %get3A_975 = tpu.vector_load %arg10[%get3A_973, %get3A_974] {strides = array<i32>} : memref<64x128xf32, #tpu.memory_space<vmem>>, vector<16xf32>,
        %get3A_976 = arith.index_cast %add3A_954 : i32 to index
        %get3A_977 = arith.constant 112 : index
        %get3A_978 = tpu.vector_load %arg10[%get3A_976, %get3A_977] {strides = array<i32>} : memref<64x128xf32, #tpu.memory_space<vmem>>, vector<16xf32>,
        %get3A_979 = arith.index_cast %add3A_954 : i32 to index
        %get3A_980 = arith.constant 0 : index
        %get3A_981 = tpu.vector_load %arg12[%get3A_979, %get3A_980] {strides = array<i32>} : memref<64x128xf32, #tpu.memory_space<vmem>>, vector<16xf32>,
        %get3A_982 = arith.index_cast %add3A_954 : i32 to index
        %get3A_983 = arith.constant 16 : index
        %get3A_984 = tpu.vector_load %arg12[%get3A_982, %get3A_983] {strides = array<i32>} : memref<64x128xf32, #tpu.memory_space<vmem>>, vector<16xf32>,
        %get3A_985 = arith.index_cast %add3A_954 : i32 to index
        %get3A_986 = arith.constant 32 : index
        %get3A_987 = tpu.vector_load %arg12[%get3A_985, %get3A_986] {strides = array<i32>} : memref<64x128xf32, #tpu.memory_space<vmem>>, vector<16xf32>,
        %get3A_988 = arith.index_cast %add3A_954 : i32 to index
        %get3A_989 = arith.constant 48 : index
        %get3A_990 = tpu.vector_load %arg12[%get3A_988, %get3A_989] {strides = array<i32>} : memref<64x128xf32, #tpu.memory_space<vmem>>, vector<16xf32>,
        %get3A_991 = arith.index_cast %add3A_954 : i32 to index
        %get3A_992 = arith.constant 64 : index
        %get3A_993 = tpu.vector_load %arg12[%get3A_991, %get3A_992] {strides = array<i32>} : memref<64x128xf32, #tpu.memory_space<vmem>>, vector<16xf32>,
        %get3A_994 = arith.index_cast %add3A_954 : i32 to index
        %get3A_995 = arith.constant 80 : index
        %get3A_996 = tpu.vector_load %arg12[%get3A_994, %get3A_995] {strides = array<i32>} : memref<64x128xf32, #tpu.memory_space<vmem>>, vector<16xf32>,
        %get3A_997 = arith.index_cast %add3A_954 : i32 to index
        %get3A_998 = arith.constant 96 : index
        %get3A_999 = tpu.vector_load %arg12[%get3A_997, %get3A_998] {strides = array<i32>} : memref<64x128xf32, #tpu.memory_space<vmem>>, vector<16xf32>,
        %get3A_1000 = arith.index_cast %add3A_954 : i32 to index
        %get3A_1001 = arith.constant 112 : index
        %get3A_1002 = tpu.vector_load %arg12[%get3A_1000, %get3A_1001] {strides = array<i32>} : memref<64x128xf32, #tpu.memory_space<vmem>>, vector<16xf32>,
        %mul3A_1003 = arith.mulf %get3A_886, %get3A_910 : vector<16xf32>
        %mul3A_1004 = arith.mulf %get3A_889, %get3A_913 : vector<16xf32>
        %mul3A_1005 = arith.mulf %get3A_892, %get3A_916 : vector<16xf32>
        %mul3A_1006 = arith.mulf %get3A_895, %get3A_919 : vector<16xf32>
        %mul3A_1007 = arith.mulf %get3A_898, %get3A_922 : vector<16xf32>
        %mul3A_1008 = arith.mulf %get3A_901, %get3A_925 : vector<16xf32>
        %mul3A_1009 = arith.mulf %get3A_904, %get3A_928 : vector<16xf32>
        %mul3A_1010 = arith.mulf %get3A_907, %get3A_931 : vector<16xf32>
        %add3A_1011 = arith.addf %mul3A_1003, %mul3A_1004 : vector<16xf32>
        %add3A_1012 = arith.addf %mul3A_1005, %mul3A_1006 : vector<16xf32>
        %add3A_1013 = arith.addf %mul3A_1007, %mul3A_1008 : vector<16xf32>
        %add3A_1014 = arith.addf %mul3A_1009, %mul3A_1010 : vector<16xf32>
        %add3A_1015 = arith.addf %add3A_1011, %add3A_1012 : vector<16xf32>
        %add3A_1016 = arith.addf %add3A_1013, %add3A_1014 : vector<16xf32>
        %add3A_1017 = arith.addf %add3A_1015, %add3A_1016 : vector<16xf32>
        %swap3A_1018 = arith.constant 11 : i32
        %swap3A_1019 = arith.index_cast %swap3A_1018 : i32 to index
        %swap3A_1020 = arith.constant 0 : index
        %swap3A_1021 = tpu.vector_load %arg13[%swap3A_1019, %swap3A_1020] {strides = array<i32>} : memref<16x17xf32, #tpu.memory_space<vmem>>, vector<16xf32>,
        tpu.vector_store %arg13[%swap3A_1019, %swap3A_1020], %add3A_1017 {strides = array<i32>} : memref<16x17xf32, #tpu.memory_space<vmem>>, vector<16xf32>,
        %mul3A_1022 = arith.constant 16 : i32
        %mul3A_1023 = arith.muli %add3A_119, %mul3A_1022 : i32
        %add3A_1024 = arith.constant 13 : i32
        %add3A_1025 = arith.addi %mul3A_1023, %add3A_1024 : i32
        %get3A_1026 = arith.index_cast %add3A_1025 : i32 to index
        %get3A_1027 = arith.constant 0 : index
        %get3A_1028 = tpu.vector_load %arg10[%get3A_1026, %get3A_1027] {strides = array<i32>} : memref<64x128xf32, #tpu.memory_space<vmem>>, vector<16xf32>,
        %get3A_1029 = arith.index_cast %add3A_1025 : i32 to index
        %get3A_1030 = arith.constant 16 : index
        %get3A_1031 = tpu.vector_load %arg10[%get3A_1029, %get3A_1030] {strides = array<i32>} : memref<64x128xf32, #tpu.memory_space<vmem>>, vector<16xf32>,
        %get3A_1032 = arith.index_cast %add3A_1025 : i32 to index
        %get3A_1033 = arith.constant 32 : index
        %get3A_1034 = tpu.vector_load %arg10[%get3A_1032, %get3A_1033] {strides = array<i32>} : memref<64x128xf32, #tpu.memory_space<vmem>>, vector<16xf32>,
        %get3A_1035 = arith.index_cast %add3A_1025 : i32 to index
        %get3A_1036 = arith.constant 48 : index
        %get3A_1037 = tpu.vector_load %arg10[%get3A_1035, %get3A_1036] {strides = array<i32>} : memref<64x128xf32, #tpu.memory_space<vmem>>, vector<16xf32>,
        %get3A_1038 = arith.index_cast %add3A_1025 : i32 to index
        %get3A_1039 = arith.constant 64 : index
        %get3A_1040 = tpu.vector_load %arg10[%get3A_1038, %get3A_1039] {strides = array<i32>} : memref<64x128xf32, #tpu.memory_space<vmem>>, vector<16xf32>,
        %get3A_1041 = arith.index_cast %add3A_1025 : i32 to index
        %get3A_1042 = arith.constant 80 : index
        %get3A_1043 = tpu.vector_load %arg10[%get3A_1041, %get3A_1042] {strides = array<i32>} : memref<64x128xf32, #tpu.memory_space<vmem>>, vector<16xf32>,
        %get3A_1044 = arith.index_cast %add3A_1025 : i32 to index
        %get3A_1045 = arith.constant 96 : index
        %get3A_1046 = tpu.vector_load %arg10[%get3A_1044, %get3A_1045] {strides = array<i32>} : memref<64x128xf32, #tpu.memory_space<vmem>>, vector<16xf32>,
        %get3A_1047 = arith.index_cast %add3A_1025 : i32 to index
        %get3A_1048 = arith.constant 112 : index
        %get3A_1049 = tpu.vector_load %arg10[%get3A_1047, %get3A_1048] {strides = array<i32>} : memref<64x128xf32, #tpu.memory_space<vmem>>, vector<16xf32>,
        %get3A_1050 = arith.index_cast %add3A_1025 : i32 to index
        %get3A_1051 = arith.constant 0 : index
        %get3A_1052 = tpu.vector_load %arg12[%get3A_1050, %get3A_1051] {strides = array<i32>} : memref<64x128xf32, #tpu.memory_space<vmem>>, vector<16xf32>,
        %get3A_1053 = arith.index_cast %add3A_1025 : i32 to index
        %get3A_1054 = arith.constant 16 : index
        %get3A_1055 = tpu.vector_load %arg12[%get3A_1053, %get3A_1054] {strides = array<i32>} : memref<64x128xf32, #tpu.memory_space<vmem>>, vector<16xf32>,
        %get3A_1056 = arith.index_cast %add3A_1025 : i32 to index
        %get3A_1057 = arith.constant 32 : index
        %get3A_1058 = tpu.vector_load %arg12[%get3A_1056, %get3A_1057] {strides = array<i32>} : memref<64x128xf32, #tpu.memory_space<vmem>>, vector<16xf32>,
        %get3A_1059 = arith.index_cast %add3A_1025 : i32 to index
        %get3A_1060 = arith.constant 48 : index
        %get3A_1061 = tpu.vector_load %arg12[%get3A_1059, %get3A_1060] {strides = array<i32>} : memref<64x128xf32, #tpu.memory_space<vmem>>, vector<16xf32>,
        %get3A_1062 = arith.index_cast %add3A_1025 : i32 to index
        %get3A_1063 = arith.constant 64 : index
        %get3A_1064 = tpu.vector_load %arg12[%get3A_1062, %get3A_1063] {strides = array<i32>} : memref<64x128xf32, #tpu.memory_space<vmem>>, vector<16xf32>,
        %get3A_1065 = arith.index_cast %add3A_1025 : i32 to index
        %get3A_1066 = arith.constant 80 : index
        %get3A_1067 = tpu.vector_load %arg12[%get3A_1065, %get3A_1066] {strides = array<i32>} : memref<64x128xf32, #tpu.memory_space<vmem>>, vector<16xf32>,
        %get3A_1068 = arith.index_cast %add3A_1025 : i32 to index
        %get3A_1069 = arith.constant 96 : index
        %get3A_1070 = tpu.vector_load %arg12[%get3A_1068, %get3A_1069] {strides = array<i32>} : memref<64x128xf32, #tpu.memory_space<vmem>>, vector<16xf32>,
        %get3A_1071 = arith.index_cast %add3A_1025 : i32 to index
        %get3A_1072 = arith.constant 112 : index
        %get3A_1073 = tpu.vector_load %arg12[%get3A_1071, %get3A_1072] {strides = array<i32>} : memref<64x128xf32, #tpu.memory_space<vmem>>, vector<16xf32>,
        %mul3A_1074 = arith.mulf %get3A_957, %get3A_981 : vector<16xf32>
        %mul3A_1075 = arith.mulf %get3A_960, %get3A_984 : vector<16xf32>
        %mul3A_1076 = arith.mulf %get3A_963, %get3A_987 : vector<16xf32>
        %mul3A_1077 = arith.mulf %get3A_966, %get3A_990 : vector<16xf32>
        %mul3A_1078 = arith.mulf %get3A_969, %get3A_993 : vector<16xf32>
        %mul3A_1079 = arith.mulf %get3A_972, %get3A_996 : vector<16xf32>
        %mul3A_1080 = arith.mulf %get3A_975, %get3A_999 : vector<16xf32>
        %mul3A_1081 = arith.mulf %get3A_978, %get3A_1002 : vector<16xf32>
        %add3A_1082 = arith.addf %mul3A_1074, %mul3A_1075 : vector<16xf32>
        %add3A_1083 = arith.addf %mul3A_1076, %mul3A_1077 : vector<16xf32>
        %add3A_1084 = arith.addf %mul3A_1078, %mul3A_1079 : vector<16xf32>
        %add3A_1085 = arith.addf %mul3A_1080, %mul3A_1081 : vector<16xf32>
        %add3A_1086 = arith.addf %add3A_1082, %add3A_1083 : vector<16xf32>
        %add3A_1087 = arith.addf %add3A_1084, %add3A_1085 : vector<16xf32>
        %add3A_1088 = arith.addf %add3A_1086, %add3A_1087 : vector<16xf32>
        %swap3A_1089 = arith.constant 12 : i32
        %swap3A_1090 = arith.index_cast %swap3A_1089 : i32 to index
        %swap3A_1091 = arith.constant 0 : index
        %swap3A_1092 = tpu.vector_load %arg13[%swap3A_1090, %swap3A_1091] {strides = array<i32>} : memref<16x17xf32, #tpu.memory_space<vmem>>, vector<16xf32>,
        tpu.vector_store %arg13[%swap3A_1090, %swap3A_1091], %add3A_1088 {strides = array<i32>} : memref<16x17xf32, #tpu.memory_space<vmem>>, vector<16xf32>,
        %mul3A_1093 = arith.constant 16 : i32
        %mul3A_1094 = arith.muli %add3A_119, %mul3A_1093 : i32
        %add3A_1095 = arith.constant 14 : i32
        %add3A_1096 = arith.addi %mul3A_1094, %add3A_1095 : i32
        %get3A_1097 = arith.index_cast %add3A_1096 : i32 to index
        %get3A_1098 = arith.constant 0 : index
        %get3A_1099 = tpu.vector_load %arg10[%get3A_1097, %get3A_1098] {strides = array<i32>} : memref<64x128xf32, #tpu.memory_space<vmem>>, vector<16xf32>,
        %get3A_1100 = arith.index_cast %add3A_1096 : i32 to index
        %get3A_1101 = arith.constant 16 : index
        %get3A_1102 = tpu.vector_load %arg10[%get3A_1100, %get3A_1101] {strides = array<i32>} : memref<64x128xf32, #tpu.memory_space<vmem>>, vector<16xf32>,
        %get3A_1103 = arith.index_cast %add3A_1096 : i32 to index
        %get3A_1104 = arith.constant 32 : index
        %get3A_1105 = tpu.vector_load %arg10[%get3A_1103, %get3A_1104] {strides = array<i32>} : memref<64x128xf32, #tpu.memory_space<vmem>>, vector<16xf32>,
        %get3A_1106 = arith.index_cast %add3A_1096 : i32 to index
        %get3A_1107 = arith.constant 48 : index
        %get3A_1108 = tpu.vector_load %arg10[%get3A_1106, %get3A_1107] {strides = array<i32>} : memref<64x128xf32, #tpu.memory_space<vmem>>, vector<16xf32>,
        %get3A_1109 = arith.index_cast %add3A_1096 : i32 to index
        %get3A_1110 = arith.constant 64 : index
        %get3A_1111 = tpu.vector_load %arg10[%get3A_1109, %get3A_1110] {strides = array<i32>} : memref<64x128xf32, #tpu.memory_space<vmem>>, vector<16xf32>,
        %get3A_1112 = arith.index_cast %add3A_1096 : i32 to index
        %get3A_1113 = arith.constant 80 : index
        %get3A_1114 = tpu.vector_load %arg10[%get3A_1112, %get3A_1113] {strides = array<i32>} : memref<64x128xf32, #tpu.memory_space<vmem>>, vector<16xf32>,
        %get3A_1115 = arith.index_cast %add3A_1096 : i32 to index
        %get3A_1116 = arith.constant 96 : index
        %get3A_1117 = tpu.vector_load %arg10[%get3A_1115, %get3A_1116] {strides = array<i32>} : memref<64x128xf32, #tpu.memory_space<vmem>>, vector<16xf32>,
        %get3A_1118 = arith.index_cast %add3A_1096 : i32 to index
        %get3A_1119 = arith.constant 112 : index
        %get3A_1120 = tpu.vector_load %arg10[%get3A_1118, %get3A_1119] {strides = array<i32>} : memref<64x128xf32, #tpu.memory_space<vmem>>, vector<16xf32>,
        %get3A_1121 = arith.index_cast %add3A_1096 : i32 to index
        %get3A_1122 = arith.constant 0 : index
        %get3A_1123 = tpu.vector_load %arg12[%get3A_1121, %get3A_1122] {strides = array<i32>} : memref<64x128xf32, #tpu.memory_space<vmem>>, vector<16xf32>,
        %get3A_1124 = arith.index_cast %add3A_1096 : i32 to index
        %get3A_1125 = arith.constant 16 : index
        %get3A_1126 = tpu.vector_load %arg12[%get3A_1124, %get3A_1125] {strides = array<i32>} : memref<64x128xf32, #tpu.memory_space<vmem>>, vector<16xf32>,
        %get3A_1127 = arith.index_cast %add3A_1096 : i32 to index
        %get3A_1128 = arith.constant 32 : index
        %get3A_1129 = tpu.vector_load %arg12[%get3A_1127, %get3A_1128] {strides = array<i32>} : memref<64x128xf32, #tpu.memory_space<vmem>>, vector<16xf32>,
        %get3A_1130 = arith.index_cast %add3A_1096 : i32 to index
        %get3A_1131 = arith.constant 48 : index
        %get3A_1132 = tpu.vector_load %arg12[%get3A_1130, %get3A_1131] {strides = array<i32>} : memref<64x128xf32, #tpu.memory_space<vmem>>, vector<16xf32>,
        %get3A_1133 = arith.index_cast %add3A_1096 : i32 to index
        %get3A_1134 = arith.constant 64 : index
        %get3A_1135 = tpu.vector_load %arg12[%get3A_1133, %get3A_1134] {strides = array<i32>} : memref<64x128xf32, #tpu.memory_space<vmem>>, vector<16xf32>,
        %get3A_1136 = arith.index_cast %add3A_1096 : i32 to index
        %get3A_1137 = arith.constant 80 : index
        %get3A_1138 = tpu.vector_load %arg12[%get3A_1136, %get3A_1137] {strides = array<i32>} : memref<64x128xf32, #tpu.memory_space<vmem>>, vector<16xf32>,
        %get3A_1139 = arith.index_cast %add3A_1096 : i32 to index
        %get3A_1140 = arith.constant 96 : index
        %get3A_1141 = tpu.vector_load %arg12[%get3A_1139, %get3A_1140] {strides = array<i32>} : memref<64x128xf32, #tpu.memory_space<vmem>>, vector<16xf32>,
        %get3A_1142 = arith.index_cast %add3A_1096 : i32 to index
        %get3A_1143 = arith.constant 112 : index
        %get3A_1144 = tpu.vector_load %arg12[%get3A_1142, %get3A_1143] {strides = array<i32>} : memref<64x128xf32, #tpu.memory_space<vmem>>, vector<16xf32>,
        %mul3A_1145 = arith.mulf %get3A_1028, %get3A_1052 : vector<16xf32>
        %mul3A_1146 = arith.mulf %get3A_1031, %get3A_1055 : vector<16xf32>
        %mul3A_1147 = arith.mulf %get3A_1034, %get3A_1058 : vector<16xf32>
        %mul3A_1148 = arith.mulf %get3A_1037, %get3A_1061 : vector<16xf32>
        %mul3A_1149 = arith.mulf %get3A_1040, %get3A_1064 : vector<16xf32>
        %mul3A_1150 = arith.mulf %get3A_1043, %get3A_1067 : vector<16xf32>
        %mul3A_1151 = arith.mulf %get3A_1046, %get3A_1070 : vector<16xf32>
        %mul3A_1152 = arith.mulf %get3A_1049, %get3A_1073 : vector<16xf32>
        %add3A_1153 = arith.addf %mul3A_1145, %mul3A_1146 : vector<16xf32>
        %add3A_1154 = arith.addf %mul3A_1147, %mul3A_1148 : vector<16xf32>
        %add3A_1155 = arith.addf %mul3A_1149, %mul3A_1150 : vector<16xf32>
        %add3A_1156 = arith.addf %mul3A_1151, %mul3A_1152 : vector<16xf32>
        %add3A_1157 = arith.addf %add3A_1153, %add3A_1154 : vector<16xf32>
        %add3A_1158 = arith.addf %add3A_1155, %add3A_1156 : vector<16xf32>
        %add3A_1159 = arith.addf %add3A_1157, %add3A_1158 : vector<16xf32>
        %swap3A_1160 = arith.constant 13 : i32
        %swap3A_1161 = arith.index_cast %swap3A_1160 : i32 to index
        %swap3A_1162 = arith.constant 0 : index
        %swap3A_1163 = tpu.vector_load %arg13[%swap3A_1161, %swap3A_1162] {strides = array<i32>} : memref<16x17xf32, #tpu.memory_space<vmem>>, vector<16xf32>,
        tpu.vector_store %arg13[%swap3A_1161, %swap3A_1162], %add3A_1159 {strides = array<i32>} : memref<16x17xf32, #tpu.memory_space<vmem>>, vector<16xf32>,
        %mul3A_1164 = arith.constant 16 : i32
        %mul3A_1165 = arith.muli %add3A_119, %mul3A_1164 : i32
        %add3A_1166 = arith.constant 15 : i32
        %add3A_1167 = arith.addi %mul3A_1165, %add3A_1166 : i32
        %get3A_1168 = arith.index_cast %add3A_1167 : i32 to index
        %get3A_1169 = arith.constant 0 : index
        %get3A_1170 = tpu.vector_load %arg10[%get3A_1168, %get3A_1169] {strides = array<i32>} : memref<64x128xf32, #tpu.memory_space<vmem>>, vector<16xf32>,
        %get3A_1171 = arith.index_cast %add3A_1167 : i32 to index
        %get3A_1172 = arith.constant 16 : index
        %get3A_1173 = tpu.vector_load %arg10[%get3A_1171, %get3A_1172] {strides = array<i32>} : memref<64x128xf32, #tpu.memory_space<vmem>>, vector<16xf32>,
        %get3A_1174 = arith.index_cast %add3A_1167 : i32 to index
        %get3A_1175 = arith.constant 32 : index
        %get3A_1176 = tpu.vector_load %arg10[%get3A_1174, %get3A_1175] {strides = array<i32>} : memref<64x128xf32, #tpu.memory_space<vmem>>, vector<16xf32>,
        %get3A_1177 = arith.index_cast %add3A_1167 : i32 to index
        %get3A_1178 = arith.constant 48 : index
        %get3A_1179 = tpu.vector_load %arg10[%get3A_1177, %get3A_1178] {strides = array<i32>} : memref<64x128xf32, #tpu.memory_space<vmem>>, vector<16xf32>,
        %get3A_1180 = arith.index_cast %add3A_1167 : i32 to index
        %get3A_1181 = arith.constant 64 : index
        %get3A_1182 = tpu.vector_load %arg10[%get3A_1180, %get3A_1181] {strides = array<i32>} : memref<64x128xf32, #tpu.memory_space<vmem>>, vector<16xf32>,
        %get3A_1183 = arith.index_cast %add3A_1167 : i32 to index
        %get3A_1184 = arith.constant 80 : index
        %get3A_1185 = tpu.vector_load %arg10[%get3A_1183, %get3A_1184] {strides = array<i32>} : memref<64x128xf32, #tpu.memory_space<vmem>>, vector<16xf32>,
        %get3A_1186 = arith.index_cast %add3A_1167 : i32 to index
        %get3A_1187 = arith.constant 96 : index
        %get3A_1188 = tpu.vector_load %arg10[%get3A_1186, %get3A_1187] {strides = array<i32>} : memref<64x128xf32, #tpu.memory_space<vmem>>, vector<16xf32>,
        %get3A_1189 = arith.index_cast %add3A_1167 : i32 to index
        %get3A_1190 = arith.constant 112 : index
        %get3A_1191 = tpu.vector_load %arg10[%get3A_1189, %get3A_1190] {strides = array<i32>} : memref<64x128xf32, #tpu.memory_space<vmem>>, vector<16xf32>,
        %get3A_1192 = arith.index_cast %add3A_1167 : i32 to index
        %get3A_1193 = arith.constant 0 : index
        %get3A_1194 = tpu.vector_load %arg12[%get3A_1192, %get3A_1193] {strides = array<i32>} : memref<64x128xf32, #tpu.memory_space<vmem>>, vector<16xf32>,
        %get3A_1195 = arith.index_cast %add3A_1167 : i32 to index
        %get3A_1196 = arith.constant 16 : index
        %get3A_1197 = tpu.vector_load %arg12[%get3A_1195, %get3A_1196] {strides = array<i32>} : memref<64x128xf32, #tpu.memory_space<vmem>>, vector<16xf32>,
        %get3A_1198 = arith.index_cast %add3A_1167 : i32 to index
        %get3A_1199 = arith.constant 32 : index
        %get3A_1200 = tpu.vector_load %arg12[%get3A_1198, %get3A_1199] {strides = array<i32>} : memref<64x128xf32, #tpu.memory_space<vmem>>, vector<16xf32>,
        %get3A_1201 = arith.index_cast %add3A_1167 : i32 to index
        %get3A_1202 = arith.constant 48 : index
        %get3A_1203 = tpu.vector_load %arg12[%get3A_1201, %get3A_1202] {strides = array<i32>} : memref<64x128xf32, #tpu.memory_space<vmem>>, vector<16xf32>,
        %get3A_1204 = arith.index_cast %add3A_1167 : i32 to index
        %get3A_1205 = arith.constant 64 : index
        %get3A_1206 = tpu.vector_load %arg12[%get3A_1204, %get3A_1205] {strides = array<i32>} : memref<64x128xf32, #tpu.memory_space<vmem>>, vector<16xf32>,
        %get3A_1207 = arith.index_cast %add3A_1167 : i32 to index
        %get3A_1208 = arith.constant 80 : index
        %get3A_1209 = tpu.vector_load %arg12[%get3A_1207, %get3A_1208] {strides = array<i32>} : memref<64x128xf32, #tpu.memory_space<vmem>>, vector<16xf32>,
        %get3A_1210 = arith.index_cast %add3A_1167 : i32 to index
        %get3A_1211 = arith.constant 96 : index
        %get3A_1212 = tpu.vector_load %arg12[%get3A_1210, %get3A_1211] {strides = array<i32>} : memref<64x128xf32, #tpu.memory_space<vmem>>, vector<16xf32>,
        %get3A_1213 = arith.index_cast %add3A_1167 : i32 to index
        %get3A_1214 = arith.constant 112 : index
        %get3A_1215 = tpu.vector_load %arg12[%get3A_1213, %get3A_1214] {strides = array<i32>} : memref<64x128xf32, #tpu.memory_space<vmem>>, vector<16xf32>,
        %mul3A_1216 = arith.mulf %get3A_1099, %get3A_1123 : vector<16xf32>
        %mul3A_1217 = arith.mulf %get3A_1102, %get3A_1126 : vector<16xf32>
        %mul3A_1218 = arith.mulf %get3A_1105, %get3A_1129 : vector<16xf32>
        %mul3A_1219 = arith.mulf %get3A_1108, %get3A_1132 : vector<16xf32>
        %mul3A_1220 = arith.mulf %get3A_1111, %get3A_1135 : vector<16xf32>
        %mul3A_1221 = arith.mulf %get3A_1114, %get3A_1138 : vector<16xf32>
        %mul3A_1222 = arith.mulf %get3A_1117, %get3A_1141 : vector<16xf32>
        %mul3A_1223 = arith.mulf %get3A_1120, %get3A_1144 : vector<16xf32>
        %add3A_1224 = arith.addf %mul3A_1216, %mul3A_1217 : vector<16xf32>
        %add3A_1225 = arith.addf %mul3A_1218, %mul3A_1219 : vector<16xf32>
        %add3A_1226 = arith.addf %mul3A_1220, %mul3A_1221 : vector<16xf32>
        %add3A_1227 = arith.addf %mul3A_1222, %mul3A_1223 : vector<16xf32>
        %add3A_1228 = arith.addf %add3A_1224, %add3A_1225 : vector<16xf32>
        %add3A_1229 = arith.addf %add3A_1226, %add3A_1227 : vector<16xf32>
        %add3A_1230 = arith.addf %add3A_1228, %add3A_1229 : vector<16xf32>
        %swap3A_1231 = arith.constant 14 : i32
        %swap3A_1232 = arith.index_cast %swap3A_1231 : i32 to index
        %swap3A_1233 = arith.constant 0 : index
        %swap3A_1234 = tpu.vector_load %arg13[%swap3A_1232, %swap3A_1233] {strides = array<i32>} : memref<16x17xf32, #tpu.memory_space<vmem>>, vector<16xf32>,
        tpu.vector_store %arg13[%swap3A_1232, %swap3A_1233], %add3A_1230 {strides = array<i32>} : memref<16x17xf32, #tpu.memory_space<vmem>>, vector<16xf32>,
        %mul3A_1235 = arith.mulf %get3A_1170, %get3A_1194 : vector<16xf32>
        %mul3A_1236 = arith.mulf %get3A_1173, %get3A_1197 : vector<16xf32>
        %mul3A_1237 = arith.mulf %get3A_1176, %get3A_1200 : vector<16xf32>
        %mul3A_1238 = arith.mulf %get3A_1179, %get3A_1203 : vector<16xf32>
        %mul3A_1239 = arith.mulf %get3A_1182, %get3A_1206 : vector<16xf32>
        %mul3A_1240 = arith.mulf %get3A_1185, %get3A_1209 : vector<16xf32>
        %mul3A_1241 = arith.mulf %get3A_1188, %get3A_1212 : vector<16xf32>
        %mul3A_1242 = arith.mulf %get3A_1191, %get3A_1215 : vector<16xf32>
        %add3A_1243 = arith.addf %mul3A_1235, %mul3A_1236 : vector<16xf32>
        %add3A_1244 = arith.addf %mul3A_1237, %mul3A_1238 : vector<16xf32>
        %add3A_1245 = arith.addf %mul3A_1239, %mul3A_1240 : vector<16xf32>
        %add3A_1246 = arith.addf %mul3A_1241, %mul3A_1242 : vector<16xf32>
        %add3A_1247 = arith.addf %add3A_1243, %add3A_1244 : vector<16xf32>
        %add3A_1248 = arith.addf %add3A_1245, %add3A_1246 : vector<16xf32>
        %add3A_1249 = arith.addf %add3A_1247, %add3A_1248 : vector<16xf32>
        %swap3A_1250 = arith.constant 15 : i32
        %swap3A_1251 = arith.index_cast %swap3A_1250 : i32 to index
        %swap3A_1252 = arith.constant 0 : index
        %swap3A_1253 = tpu.vector_load %arg13[%swap3A_1251, %swap3A_1252] {strides = array<i32>} : memref<16x17xf32, #tpu.memory_space<vmem>>, vector<16xf32>,
        tpu.vector_store %arg13[%swap3A_1251, %swap3A_1252], %add3A_1249 {strides = array<i32>} : memref<16x17xf32, #tpu.memory_space<vmem>>, vector<16xf32>,
        %gather3A = tpu.vector_load_idx %arg13[%iota3A, %broadcast_in_dim3A_9] : memref<16x17xf32, #tpu.memory_space<vmem>>[vector<16xi32>, vector<16xi32>], vector<16xf32>,
        %gather3A_1254 = tpu.vector_load_idx %arg13[%iota3A, %broadcast_in_dim3A_11] : memref<16x17xf32, #tpu.memory_space<vmem>>[vector<16xi32>, vector<16xi32>], vector<16xf32>,
        %gather3A_1255 = tpu.vector_load_idx %arg13[%iota3A, %broadcast_in_dim3A_13] : memref<16x17xf32, #tpu.memory_space<vmem>>[vector<16xi32>, vector<16xi32>], vector<16xf32>,
        %gather3A_1256 = tpu.vector_load_idx %arg13[%iota3A, %broadcast_in_dim3A_15] : memref<16x17xf32, #tpu.memory_space<vmem>>[vector<16xi32>, vector<16xi32>], vector<16xf32>,
        %gather3A_1257 = tpu.vector_load_idx %arg13[%iota3A, %broadcast_in_dim3A_17] : memref<16x17xf32, #tpu.memory_space<vmem>>[vector<16xi32>, vector<16xi32>], vector<16xf32>,
        %gather3A_1258 = tpu.vector_load_idx %arg13[%iota3A, %broadcast_in_dim3A_19] : memref<16x17xf32, #tpu.memory_space<vmem>>[vector<16xi32>, vector<16xi32>], vector<16xf32>,
        %gather3A_1259 = tpu.vector_load_idx %arg13[%iota3A, %broadcast_in_dim3A_21] : memref<16x17xf32, #tpu.memory_space<vmem>>[vector<16xi32>, vector<16xi32>], vector<16xf32>,
        %gather3A_1260 = tpu.vector_load_idx %arg13[%iota3A, %broadcast_in_dim3A_23] : memref<16x17xf32, #tpu.memory_space<vmem>>[vector<16xi32>, vector<16xi32>], vector<16xf32>,
        %gather3A_1261 = tpu.vector_load_idx %arg13[%iota3A, %broadcast_in_dim3A_25] : memref<16x17xf32, #tpu.memory_space<vmem>>[vector<16xi32>, vector<16xi32>], vector<16xf32>,
        %gather3A_1262 = tpu.vector_load_idx %arg13[%iota3A, %broadcast_in_dim3A_27] : memref<16x17xf32, #tpu.memory_space<vmem>>[vector<16xi32>, vector<16xi32>], vector<16xf32>,
        %gather3A_1263 = tpu.vector_load_idx %arg13[%iota3A, %broadcast_in_dim3A_29] : memref<16x17xf32, #tpu.memory_space<vmem>>[vector<16xi32>, vector<16xi32>], vector<16xf32>,
        %gather3A_1264 = tpu.vector_load_idx %arg13[%iota3A, %broadcast_in_dim3A_31] : memref<16x17xf32, #tpu.memory_space<vmem>>[vector<16xi32>, vector<16xi32>], vector<16xf32>,
        %gather3A_1265 = tpu.vector_load_idx %arg13[%iota3A, %broadcast_in_dim3A_33] : memref<16x17xf32, #tpu.memory_space<vmem>>[vector<16xi32>, vector<16xi32>], vector<16xf32>,
        %gather3A_1266 = tpu.vector_load_idx %arg13[%iota3A, %broadcast_in_dim3A_35] : memref<16x17xf32, #tpu.memory_space<vmem>>[vector<16xi32>, vector<16xi32>], vector<16xf32>,
        %gather3A_1267 = tpu.vector_load_idx %arg13[%iota3A, %broadcast_in_dim3A_37] : memref<16x17xf32, #tpu.memory_space<vmem>>[vector<16xi32>, vector<16xi32>], vector<16xf32>,
        %gather3A_1268 = tpu.vector_load_idx %arg13[%iota3A, %broadcast_in_dim3A_39] : memref<16x17xf32, #tpu.memory_space<vmem>>[vector<16xi32>, vector<16xi32>], vector<16xf32>,
        %add3A_1269 = arith.addf %gather3A, %gather3A_1254 : vector<16xf32>
        %add3A_1270 = arith.addf %gather3A_1255, %gather3A_1256 : vector<16xf32>
        %add3A_1271 = arith.addf %gather3A_1257, %gather3A_1258 : vector<16xf32>
        %add3A_1272 = arith.addf %gather3A_1259, %gather3A_1260 : vector<16xf32>
        %add3A_1273 = arith.addf %gather3A_1261, %gather3A_1262 : vector<16xf32>
        %add3A_1274 = arith.addf %gather3A_1263, %gather3A_1264 : vector<16xf32>
        %add3A_1275 = arith.addf %gather3A_1265, %gather3A_1266 : vector<16xf32>
        %add3A_1276 = arith.addf %gather3A_1267, %gather3A_1268 : vector<16xf32>
        %add3A_1277 = arith.addf %add3A_1269, %add3A_1270 : vector<16xf32>
        %add3A_1278 = arith.addf %add3A_1271, %add3A_1272 : vector<16xf32>
        %add3A_1279 = arith.addf %add3A_1273, %add3A_1274 : vector<16xf32>
        %add3A_1280 = arith.addf %add3A_1275, %add3A_1276 : vector<16xf32>
        %add3A_1281 = arith.addf %add3A_1277, %add3A_1278 : vector<16xf32>
        %add3A_1282 = arith.addf %add3A_1279, %add3A_1280 : vector<16xf32>
        %add3A_1283 = arith.addf %add3A_1281, %add3A_1282 : vector<16xf32>
        %mul3A_1284 = arith.constant 64 : i32
        %mul3A_1285 = arith.muli %add3A_64, %mul3A_1284 : i32
        %mul3A_1286 = arith.constant 16 : i32
        %mul3A_1287 = arith.muli %add3A_119, %mul3A_1286 : i32
        %add3A_1288 = arith.addi %mul3A_1285, %mul3A_1287 : i32
        %swap3A_1289 = arith.index_cast %add3A_1288 : i32 to index
        %swap3A_1290 = tpu.vector_load %arg14[%swap3A_1289] {strides = array<i32>} : memref<512xf32, #tpu.memory_space<vmem>>, vector<16xf32>,
        tpu.vector_store %arg14[%swap3A_1289], %add3A_1283 {strides = array<i32>} : memref<512xf32, #tpu.memory_space<vmem>>, vector<16xf32>,
      }
      %scan3A_114 = arith.constant 4 : i32
    }
    %scan3A_53 = arith.constant 4 : i32
    "tpu.region"() ({
      %run_scoped3A = tpu.sem_alloc : memref<!tpu.dma_semaphore, #tpu.memory_space<semaphore_mem>>
      %dma_start3A_54 = tpu.memref_slice %arg6[%mul3A_2] : memref<16384xf32, #tpu.memory_space<hbm>> -> memref<512xf32, #tpu.memory_space<hbm>>
      %dma_start3A_55 = tpu.memref_slice %arg6[%mul3A_2] : memref<16384xf32, #tpu.memory_space<hbm>> -> memref<512xf32, #tpu.memory_space<hbm>>
      tpu.enqueue_dma source(%arg14 : memref<512xf32, #tpu.memory_space<vmem>>) target(%dma_start3A_55 : memref<512xf32, #tpu.memory_space<hbm>>) target_semaphore(%run_scoped3A : memref<!tpu.dma_semaphore, #tpu.memory_space<semaphore_mem>>)
      %dma_wait3A_56 = tpu.memref_slice %arg6[%mul3A_2] : memref<16384xf32, #tpu.memory_space<hbm>> -> memref<512xf32, #tpu.memory_space<hbm>>
      %dma_wait3A_57 = tpu.memref_slice %arg6[%mul3A_2] : memref<16384xf32, #tpu.memory_space<hbm>> -> memref<512xf32, #tpu.memory_space<hbm>>
      tpu.wait_dma2 semaphore(%run_scoped3A : memref<!tpu.dma_semaphore, #tpu.memory_space<semaphore_mem>>) src(%arg14 : memref<512xf32, #tpu.memory_space<vmem>>) dst(%dma_wait3A_57 : memref<512xf32, #tpu.memory_space<hbm>>)
      tpu.yield
    }) : () -> ()
    return
  }
}

</mosaic_0001>

<sc_bundles>
// kernel: _bpr_sc.3.cloned.1.call-start
scs
__scs_entry_jumppad:
0x0: {  	(pc) =	sbr.rel $0x88, $3  }
0x1: {  	(tag) =	ssettag $0x0;
	lr =	simm.s32 $0x1  }
0x2: {  	[smem:$0x3F9D] =	sst lr;
	_ =	strace $0xD0000000  }
0x3: {  	_ = 	snop  }
0x4: {  	_ = 	snop  }
0x5: {  	_ = 	snop  }
0x6: {  	_ = 	snop  }
0x7: {  	_ = 	snop  }
__scs_overlays_trampoline_lowered:
0x8: {  	[smem:$0x3FAC] =	sst s0  }
0x9: {  	[smem:$0x3FAD] =	sst s1  }
0xa: {  	[smem:$0x3FAE] =	sst s2  }
0xb: {  	[smem:$0x3FAF] =	sst s3  }
0xc: {  	[smem:$0x3FB0] =	sst s4  }
0xd: {  	[smem:$0x3FB1] =	sst s5  }
0xe: {  	[smem:$0x3FB2] =	sst s6  }
0xf: {  	[smem:$0x3FB3] =	sst s7  }
0x10: {  	[smem:$0x3FB4] =	sst s8  }
0x11: {  	[smem:$0x3FB5] =	sst s9;
	s0 =	simm.s32 @!p0 $0x0  }
0x12: {  	s1 =	sld [smem:$0x3F9B];
	s0 =	simm.s32 @p0 $0x1  }
0x13: {  	[smem:$0x3FB6] =	sst s0;
	s0 =	simm.s32 @!p1 $0x0  }
0x14: {  	s2 =	sld [smem:$0x3F9A];
	s0 =	simm.s32 @p1 $0x1  }
0x15: {  	[smem:$0x3FB7] =	sst s0;
	s0 =	simm.s32 @!p2 $0x0  }
0x16: {  	s3 =	sld [smem:$0x3FDB];
	s0 =	simm.s32 @p2 $0x1  }
0x17: {  	s4 =	simm.s32 $0x1BF5;
	[smem:$0x3FB9] =	sst s0  }
0x18: {  	s0 =	sld [smem:$0x3F9C];
	_ =	swait.ge [sflag:s4], $0x0  }
0x19: {  	s7 =	sld [smem:$0x3F9D]  }
0x1a: {  	s8 =	sadd.s32 $0xFFFFE003, lr  }
0x1b: {  	s9 =	sadd.s32 $0xFFFFFEF7, lr;
	s5 =	simm.s32 $0xFFFFFFFF;
	p2 =	slt.u32 s8, $0xFFFFF086  }
0x1c: {  	p1 =	slt.u32 s9, $0xF7A;
	s5 =	simm.s32 @!p2 $0x0  }
0x1d: {  	s5 =	simm.s32 @p1 $0x1;
	p0 =	seq.s32 s7, s2  }
0x1e: {  	s7 =	smul.u32 @!p0 $0xF7A, s2;
	p2 =	seq.s32 @!p0 s5, $0x0  }
0x1f: {  	s9 =	smul.u32 $0xF7A, s1;
	s8 =	simm.s32 @!p0 $0x1BF5;
	p2 =	por !p2, p0  }
0x20: {  	[sflag:s8] =	ssyncset.s32 @!p0 $0xFFFFF086;
	s6 =	sadd.s32 @!p0 s3, s7;
	s7 =	simm.s32 @!p0 $0x108  }
0x21: {  	s3 =	sadd.s32 s3, s9;
	s6 =	sadd.s32 @!p0 $0x88, s6;
	s7 =	simm.s32 @p2 $0x1082  }
0x22: {  	[simem:s7], [sflag:s8] =	dma.local @!p0 [hbm:s6], $0xF7A  }
0x23: {  	s9 =	sor.u32 $0xD0000000, s2;
	s6 =	simm.s32 $0x108;
	_ =	swait.ge @!p0 [sflag:s8], $0x0  }
0x24: {  	s3 =	sadd.s32 $0x88, s3;
	s6 =	simm.s32 @!p1 $0x1082;
	[sflag:s4] =	ssyncset.s32 $0xFFFFF086  }
0x25: {  	[simem:s6], [sflag:s4] =	dma.local [hbm:s3], $0xF7A  }
0x26: {  	[smem:$0x3F9D] =	sst s1;
	(tag) =	ssettag s2;
	_ =	strace s9  }
0x27: {  	s1 =	sld [smem:$0x3FAD]  }
0x28: {  	s2 =	sld [smem:$0x3FAE]  }
0x29: {  	s4 =	sld [smem:$0x3FB0]  }
0x2a: {  	p0 =	seq.s32 s5, $0x0;
	s5 =	sld [smem:$0x3FB1]  }
0x2b: {  	s6 =	sld [smem:$0x3FB2]  }
0x2c: {  	s7 =	sld [smem:$0x3FB3]  }
0x2d: {  	s3 =	simm.s32 $0x108;
	s8 =	sld [smem:$0x3FB4]  }
0x2e: {  	s3 =	simm.s32 @!p0 $0x1082;
	s9 =	sld [smem:$0x3FB5]  }
0x2f: {  	lr =	sadd.s32 s0, s3;
	s0 =	sld [smem:$0x3FAC]  }
0x30: {  	s3 =	sld [smem:$0x3FAF]  }
0x31: {  	[smem:$0x3FB8] =	sst s10  }
0x32: {  	s10 =	sld [smem:$0x3FB6];
	_ =	sdelay $0x3  }
0x33: {  	p0 =	seq.s32 s10, $0x1;
	s10 =	sld [smem:$0x3FB8];
	_ =	sdelay $0x3  }
0x34: {  	[smem:$0x3FB8] =	sst s10  }
0x35: {  	s10 =	sld [smem:$0x3FB7];
	_ =	sdelay $0x3  }
0x36: {  	p1 =	seq.s32 s10, $0x1;
	s10 =	sld [smem:$0x3FB8];
	_ =	sdelay $0x3  }
0x37: {  	[smem:$0x3FB8] =	sst s10  }
0x38: {  	s10 =	sld [smem:$0x3FB9]  }
0x39: {  	_ = 	snop;
	(pc) =	sbr.ind lr, $3  }
0x3a: {  	_ = 	snop  }
0x3b: {  	_ = 	snop  }
0x3c: {  	p2 =	seq.s32 s10, $0x1;
	s10 =	sld [smem:$0x3FB8]  }
0x3d: {  	_ =	shalt  }
0x3e: {  	_ =	shalt  }
0x3f: {  	_ =	shalt  }
0x40: {  	_ =	shalt  }
0x41: {  	_ =	shalt  }
0x42: {  	_ =	shalt  }
0x43: {  	_ =	shalt  }
0x44: {  	_ =	shalt  }
0x45: {  	_ =	shalt  }
0x46: {  	_ =	shalt  }
0x47: {  	_ =	shalt  }
0x48: {  	_ =	shalt  }
0x49: {  	_ =	shalt  }
0x4a: {  	_ =	shalt  }
0x4b: {  	_ =	shalt  }
0x4c: {  	_ =	shalt  }
0x4d: {  	_ =	shalt  }
0x4e: {  	_ =	shalt  }
0x4f: {  	_ =	shalt  }
0x50: {  	_ =	shalt  }
0x51: {  	_ =	shalt  }
0x52: {  	_ =	shalt  }
0x53: {  	_ =	shalt  }
0x54: {  	_ =	shalt  }
0x55: {  	_ =	shalt  }
0x56: {  	_ =	shalt  }
0x57: {  	_ =	shalt  }
0x58: {  	_ =	shalt  }
0x59: {  	_ =	shalt  }
0x5a: {  	_ =	shalt  }
0x5b: {  	_ =	shalt  }
0x5c: {  	_ =	shalt  }
0x5d: {  	_ =	shalt  }
0x5e: {  	_ =	shalt  }
0x5f: {  	_ =	shalt  }
0x60: {  	_ =	shalt  }
0x61: {  	_ =	shalt  }
0x62: {  	_ =	shalt  }
0x63: {  	_ =	shalt  }
0x64: {  	_ =	shalt  }
0x65: {  	_ =	shalt  }
0x66: {  	_ =	shalt  }
0x67: {  	_ =	shalt  }
0x68: {  	_ =	shalt  }
0x69: {  	_ =	shalt  }
0x6a: {  	_ =	shalt  }
0x6b: {  	_ =	shalt  }
0x6c: {  	_ =	shalt  }
0x6d: {  	_ =	shalt  }
0x6e: {  	_ =	shalt  }
0x6f: {  	_ =	shalt  }
0x70: {  	_ =	shalt  }
0x71: {  	_ =	shalt  }
0x72: {  	_ =	shalt  }
0x73: {  	_ =	shalt  }
0x74: {  	_ =	shalt  }
0x75: {  	_ =	shalt  }
0x76: {  	_ =	shalt  }
0x77: {  	_ =	shalt  }
0x78: {  	_ =	shalt  }
0x79: {  	_ =	shalt  }
0x7a: {  	_ =	shalt  }
0x7b: {  	_ =	shalt  }
0x7c: {  	_ =	shalt  }
0x7d: {  	_ =	shalt  }
0x7e: {  	_ =	shalt  }
0x7f: {  	_ =	shalt  }
0x80: {  	_ =	shalt  }
0x81: {  	_ =	shalt  }
0x82: {  	_ =	shalt  }
0x83: {  	_ =	shalt  }
0x84: {  	_ =	shalt  }
0x85: {  	_ =	shalt  }
0x86: {  	_ =	shalt  }
0x87: {  	_ =	shalt  }
.Lfunc_end0:
.L_simem_size_0:
called_computation_lowered:
.L_overlay_start_0:
0x88: {  	s2 =	sld [smem:$0x3FD9]  }
0x89: {  	s3 =	sld [smem:$0x3FFE];
	_ =	sdelay $0x1  }
0x8a: {  	s1 =	srdreg.scid  }
0x8b: {  	s0 =	sand.u32 $0x1, s1  }
0x8c: {  	s18 =	sshll.u32 s0, $0xA;
	s2 =	sadd.s32 s3, s2  }
0x8d: {  	s2 =	sadd.s32 s2, s18  }
0x8e: {  	[smem:$0x3FC4] =	sst s2  }
0x8f: {  	_ = 	snop  }
0x90: {  	s2 =	sld [smem:$0x3FC9]  }
0x91: {  	s19 =	sld [smem:$0x3FC8]  }
0x92: {  	s4 =	sld [smem:$0x3FC7]  }
0x93: {  	s5 =	sld [smem:$0x3FC6]  }
0x94: {  	s6 =	sld [smem:$0x3FD0];
	(tm) =	ssettm $0x1  }
0x95: {  	s7 =	sld [smem:$0x3FFB];
	_ =	sdelay $0x3  }
0x96: {  	_ =	strace s7  }
0x97: {  	s7 =	sld [smem:$0x3FFC];
	_ =	sdelay $0x3  }
0x98: {  	_ =	strace s7  }
0x99: {  	s7 =	sld [smem:$0x3FFD];
	_ =	sdelay $0x3  }
0x9a: {  	_ =	strace s7  }
0x9b: {  	_ =	strace $0x8FFFFFFF  }
0x9c: {  	s20 =	sld [smem:$0x3FDB];
	_ =	sdelay $0x1  }
0x9d: {  	s8 =	simm.s32 $_scs_section_size  }
0x9e: {  	s9 =	simm.s32 $_size__tile_overlayer_lowered;
	s10 =	simm.s32 $_tile_overlayer_lowered  }
0x9f: {  	s23 =	simm.s32 $0x1BFF;
	s22 =	sshll.u32 s10, $0x1;
	s7 =	sadd.s32 s8, s20  }
0xa0: {  	s11 =	simm.s32 $0x0;
	s21 =	sshll.u32 s9, $0x1;
	s9 =	sadd.s32 s22, s7  }
0xa1: {  	[timem:s11], [sflag:s23] =	dma.local [hbm:s9], s21  }
0xa2: {  	_ =	swait.ge [sflag:s23], s21  }
0xa3: {  	s8 =	ssub.s32 $0x0, s21;
	[sflag:s23] =	ssyncset.done $0x0  }
0xa4: {  	[sflag:s23] =	ssyncadd.s32 s8;
	_ =	sdelay $0x1  }
0xa5: {  	s24 =	simm.s32 $0x1B8B  }
0xa6: {  	_ =	swait.ge [sflag:s24], $0x1  }
0xa7: {  	[sflag:s24] =	ssyncset.done $0x0  }
0xa8: {  	s25 =	simm.s32 $0x1B8E;
	[sflag:s24] =	ssyncadd.s32 $0xFFFFFFFF  }
0xa9: {  	s26 =	simm.s32 $execute0_lowered;
	[smem:$0x3FD2] =	sst s25  }
0xaa: {  	s8 =	sshll.u32 s26, $0x1;
	_ =	strace $0x80000046;
	[dreg:$0x1] =	wrdreg $0xFFFFFFFF  }
0xab: {  	s28 =	simm.s32 $_size_execute0_lowered;
	s7 =	sadd.s32 s7, s8;
	[dreg:$0x0] =	wrdreg $0x0  }
0xac: {  	s8 =	sshll.u32 s28, $0x1;
	[dreg:$0x2] =	wrdreg s7  }
0xad: {  	[dreg:$0x3] =	wrdreg s8  }
0xae: {  	[dreg:$0x4] =	wrdreg $0xC0  }
0xaf: {  	_ =	task [dreg:s11], $0x5FFFF  }
0xb0: {  	[dreg:$0x1] =	wrdreg $0xFFFFFFFF  }
0xb1: {  	[dreg:$0x0] =	wrdreg $0x60  }
0xb2: {  	[dreg:$0x2] =	wrdreg s2  }
0xb3: {  	[dreg:$0x3] =	wrdreg s19  }
0xb4: {  	[dreg:$0x4] =	wrdreg s4  }
0xb5: {  	[dreg:$0x5] =	wrdreg s5  }
0xb6: {  	[dreg:$0x6] =	wrdreg s6  }
0xb7: {  	[dreg:$0x7] =	wrdreg $0x9  }
0xb8: {  	_ =	task.clear_ibuf [dreg:s11], $0x8FFFF;
	_ =	strace $0x90000046  }
0xb9: {  	s29 =	simm.s32 $0x9;
	_ =	strace $0x80000048  }
0xba: {  	_ =	swait.ge [sflag:s29], $0x1  }
0xbb: {  	[sflag:s29] =	ssyncadd.s32 $0xFFFFFFFF  }
0xbc: {  	_ =	strace $0x90000048  }
0xbd: {  	_ =	sfence  }
0xbe: {  	s30 =	sld [smem:$0x0];
	_ =	sdelay $0x2  }
0xbf: {  	s31 =	sshll.u32 s1, $0xD;
	s1 =	sshrl.u32 s1, $0x2  }
0xc0: {  	s3 =	sand.u32 $0x4000, s31;
	s1 =	sadd.s32 s1, s30  }
0xc1: {  	s0 =	sor.u32 s3, s0;
	s1 =	sshll.u32 s1, $0x11  }
0xc2: {  	s0 =	sor.u32 s1, s0  }
0xc3: {  	s0 =	sadd.s32 $0x8F2B, s0  }
0xc4: {  	[sflag:s0] =	ssyncadd.remote.s32 $0x1  }
0xc5: {  	_ =	sfence.sel $0xFFFF  }
0xc6: {  	[dreg:$0x0] =	wrdreg $0xFFFFFFFF;
	(pc) =	sbr.abs _section_cstart, $3  }
0xc7: {  	[dreg:$0x1] =	wrdreg $0xFFFFFFFF  }
0xc8: {  	_ =	task.clear_ibuf [dreg:s11], $0x2FFFF;
	_ =	strace $0x9FFFFFFF  }
0xc9: {  	(tm) =	ssettm $0x7FFFFFFF  }
tec
execute0_lowered:
.L_overlay_start_1:
0x0: {  	(tag) =	ssettag $0x1  }
0x1: {  	s5 =	rddreg [dreg:$0x0]  }
0x2: {  	s6 =	rddreg [dreg:$0x1]  }
0x3: {  	s1 =	rddreg [dreg:$0x2]  }
0x4: {  	s2 =	rddreg [dreg:$0x3]  }
0x5: {  	s7 =	rddreg [dreg:$0x4];
	s3 =	srdreg.scid  }
0x6: {  	s0 =	rddreg [dreg:$0x5];
	s4 =	simm.s32 $0x0;
	s12 =	simm.s32 $0x40  }
0x7: {  	s13 =	simm.s32 $0x400;
	s14 =	simm.s32 $0x4400;
	s15 =	simm.s32 $0x2400  }
0x8: {  	v0 =	vlaneseq.u32;
	s16 =	simm.s32 $0x6400;
	s17 =	simm.s32 $0x8400;
	s18 =	simm.s32 $0x2  }
0x9: {  	s19 =	simm.s32 $0x4;
	s20 =	simm.s32 $0x8C00;
	s21 =	simm.s32 $0x5;
	v0 =	vmul.u32 $0x80, v0  }
0xa: {  	s22 =	simm.s32 $0x0;
	s8 =	sand.u32 $0x1, s3;
	s3 =	stileid.u32  }
0xb: {  	[smem:$0x7FF] =	sst s4;
	s9 =	ssub.s32 $0x2, s8;
	s11 =	sshll.u32 s3, $0x7;
	v1 =	vor.u32 $0x1, v0;
	v2 =	vor.u32 $0x2, v0;
	v3 =	vor.u32 $0x3, v0  }
0xc: {  	s8 =	sshll.u32 s8, $0x6;
	_ =	strace $0x80000047;
	s10 =	sshrl.u32 s9, $0x1;
	v4 =	vor.u32 $0x4, v0;
	v5 =	vor.u32 $0x5, v0;
	v6 =	vor.u32 $0x6, v0  }
0xd: {  	s8 =	sor.u32 s8, s11;
	s11 =	simm.s32 $0x3;
	v7 =	vor.u32 $0x7, v0;
	v8 =	vor.u32 $0x8, v0;
	v9 =	vor.u32 $0x9, v0;
	s9 =	ssub.s32 s9, s10  }
0xe: {  	v10 =	vor.u32 $0xA, v0;
	v11 =	vor.u32 $0xB, v0;
	v12 =	vor.u32 $0xC, v0;
	s5 =	sadd.s32 s5, s8;
	s6 =	sadd.s32 s6, s8;
	s7 =	sadd.s32 s7, s8  }
0xf: {  	v13 =	vor.u32 $0xD, v0;
	v14 =	vor.u32 $0xE, v0;
	v15 =	vor.u32 $0xF, v0;
	s10 =	simm.s32 $0x1;
	s8 =	smax.u32 s9, $0x1;
	s9 =	simm.s32 $0x200  }
.LBB2_1:
0x10: {  	[tilespmem:s4], [sflag:$0x1] =	stream.linear.gather [hbm4b:s5+s4], $0x200, $0x38;
	[tilespmem:$0x8E00] =	vst v63  }
0x11: {  	_ = 	snop  }
0x12: {  	[tilespmem:s9], [sflag:$0x3] =	stream.linear.gather [hbm4b:s6+s4], $0x200, $0x38;
	[tilespmem:$0x8E00] =	vst v63  }
0x13: {  	_ =	swait.ge [sflag:s10], $0x200  }
0x14: {  	[sflag:s10] =	ssyncset.done $0x0  }
0x15: {  	[sflag:s10] =	ssyncadd.s32 $0xFFFFFE00  }
0x16: {  	_ =	swait.ge [sflag:s11], $0x200  }
0x17: {  	[sflag:s11] =	ssyncset.done $0x0  }
0x18: {  	[sflag:s11] =	ssyncadd.s32 $0xFFFFFE00  }
0x19: {  	[tilespmem:s13], [sflag:$0x1] =	stream.indirect.gather [hbm4b:s1+s12], $0x80, s4, s12, $0xb8;
	[tilespmem:$0x8E00] =	vst v63  }
0x1a: {  	s23 =	simm.s32 $0x0  }
0x1b: {  	[tilespmem:s14], [sflag:$0x3] =	stream.indirect.gather [hbm4b:s2+s12], $0x80, s9, s12, $0xb8;
	[tilespmem:$0x8E00] =	vst v63  }
.LBB2_3:
0x1c: {  	s25 =	sshll.u32 s23, $0x7  }
0x1d: {  	s24 =	sor.u32 $0x40, s25  }
0x1e: {  	[tilespmem:s15], [sflag:$0x2] =	stream.indirect.gather [hbm4b:s1+s12], $0x80, s24, s12, $0xb8;
	[tilespmem:$0x8E00] =	vst v63  }
0x1f: {  	s26 =	sadd.s32 $0x240, s25  }
0x20: {  	[tilespmem:s16], [sflag:$0x4] =	stream.indirect.gather [hbm4b:s2+s12], $0x80, s26, s12, $0xb8;
	[tilespmem:$0x8E00] =	vst v63  }
0x21: {  	_ =	swait.ge [sflag:s10], $0x2000  }
0x22: {  	[sflag:s10] =	ssyncset.done $0x0  }
0x23: {  	[sflag:s10] =	ssyncadd.s32 $0xFFFFE000  }
0x24: {  	s31 =	sand.u32 $0x3FFFFF80, s25;
	_ =	swait.ge [sflag:s11], $0x2000  }
0x25: {  	s28 =	sadd.s32 $0x8C00, s31;
	[sflag:s11] =	ssyncset.done $0x0  }
0x26: {  	v16 =	vmov s28;
	s26 =	simm.s32 $0x0;
	[sflag:s11] =	ssyncadd.s32 $0xFFFFE000  }
.LBB2_4:
0x27: {  	s28 =	sshll.u32 s26, $0xB  }
0x28: {  	v17 =	vld [tilespmem:s28+$0x400]  }
0x29: {  	v18 =	vld [tilespmem:s28+$0x410]  }
0x2a: {  	v19 =	vld [tilespmem:s28+$0x420]  }
0x2b: {  	v20 =	vld [tilespmem:s28+$0x430]  }
0x2c: {  	v21 =	vld [tilespmem:s28+$0x440]  }
0x2d: {  	v22 =	vld [tilespmem:s28+$0x450]  }
0x2e: {  	v23 =	vld [tilespmem:s28+$0x460]  }
0x2f: {  	v24 =	vld [tilespmem:s28+$0x470]  }
0x30: {  	v25 =	vld [tilespmem:s28+$0x4400]  }
0x31: {  	v26 =	vld [tilespmem:s28+$0x4410]  }
0x32: {  	v27 =	vld [tilespmem:s28+$0x4420]  }
0x33: {  	v28 =	vld [tilespmem:s28+$0x4430]  }
0x34: {  	v29 =	vld [tilespmem:s28+$0x4440]  }
0x35: {  	v30 =	vld [tilespmem:s28+$0x4450]  }
0x36: {  	v31 =	vld [tilespmem:s28+$0x4460]  }
0x37: {  	v32 =	vld [tilespmem:s28+$0x4470]  }
0x38: {  	v33 =	vld [tilespmem:s28+$0x480]  }
0x39: {  	v34 =	vld [tilespmem:s28+$0x490]  }
0x3a: {  	v35 =	vld [tilespmem:s28+$0x4A0]  }
0x3b: {  	v36 =	vld [tilespmem:s28+$0x4B0]  }
0x3c: {  	v37 =	vld [tilespmem:s28+$0x4C0];
	v17 =	vmul.f32 v25, v17;
	v18 =	vmul.f32 v26, v18  }
0x3d: {  	v38 =	vld [tilespmem:s28+$0x4D0];
	v19 =	vmul.f32 v27, v19;
	v20 =	vmul.f32 v28, v20  }
0x3e: {  	v40 =	vld [tilespmem:s28+$0x4E0];
	v21 =	vmul.f32 v29, v21;
	v22 =	vmul.f32 v30, v22  }
0x3f: {  	v41 =	vld [tilespmem:s28+$0x4F0];
	v23 =	vmul.f32 v31, v23;
	v24 =	vmul.f32 v32, v24  }
0x40: {  	v42 =	vld [tilespmem:s28+$0x4480];
	v17 =	vadd.f32 v18, v17;
	v18 =	vadd.f32 v20, v19  }
0x41: {  	v43 =	vld [tilespmem:s28+$0x4490];
	v44 =	vadd.f32 v22, v21;
	v45 =	vadd.f32 v24, v23  }
0x42: {  	v46 =	vld [tilespmem:s28+$0x44B0]  }
0x43: {  	v47 =	vld [tilespmem:s28+$0x44C0];
	v17 =	vadd.f32 v18, v17;
	v18 =	vadd.f32 v45, v44  }
0x44: {  	v48 =	vld [tilespmem:s28+$0x44D0]  }
0x45: {  	v49 =	vld [tilespmem:s28+$0x44E0];
	v17 =	vadd.f32 v18, v17  }
0x46: {  	v19 =	vld [tilespmem:s28+$0x44A0]  }
0x47: {  	v18 =	vld [tilespmem:s28+$0x44F0];
	[tilespmem:$0x8400] =	vst v17  }
0x48: {  	v17 =	vld [tilespmem:s28+$0x500]  }
0x49: {  	v50 =	vld [tilespmem:s28+$0x510]  }
0x4a: {  	v51 =	vld [tilespmem:s28+$0x520]  }
0x4b: {  	v52 =	vld [tilespmem:s28+$0x530]  }
0x4c: {  	v27 =	vmul.f32 v42, v33;
	v28 =	vmul.f32 v43, v34;
	v53 =	vld [tilespmem:s28+$0x540]  }
0x4d: {  	v22 =	vmul.f32 v46, v36;
	v23 =	vmul.f32 v47, v37;
	v54 =	vld [tilespmem:s28+$0x550]  }
0x4e: {  	v20 =	vmul.f32 v48, v38;
	v21 =	vmul.f32 v49, v40;
	v55 =	vld [tilespmem:s28+$0x560]  }
0x4f: {  	v19 =	vmul.f32 v19, v35;
	v56 =	vld [tilespmem:s28+$0x570];
	v18 =	vmul.f32 v18, v41  }
0x50: {  	v59 =	vadd.f32 v28, v27;
	v20 =	vadd.f32 v20, v23;
	v57 =	vld [tilespmem:s28+$0x4500]  }
0x51: {  	v58 =	vld [tilespmem:s28+$0x4510];
	v19 =	vadd.f32 v22, v19;
	v18 =	vadd.f32 v18, v21  }
0x52: {  	v60 =	vld [tilespmem:s28+$0x4520]  }
0x53: {  	v61 =	vld [tilespmem:s28+$0x4530];
	v19 =	vadd.f32 v19, v59;
	v18 =	vadd.f32 v18, v20  }
0x54: {  	v62 =	vld [tilespmem:s28+$0x4540]  }
0x55: {  	v63 =	vld [tilespmem:s28+$0x4550];
	v18 =	vadd.f32 v18, v19  }
0x56: {  	v40 =	vld [tilespmem:s28+$0x4560]  }
0x57: {  	v19 =	vld [tilespmem:s28+$0x4570];
	[tilespmem:$0x8480] =	vst v18  }
0x58: {  	v18 =	vld [tilespmem:s28+$0x580]  }
0x59: {  	v41 =	vld [tilespmem:s28+$0x590]  }
0x5a: {  	v42 =	vld [tilespmem:s28+$0x5A0]  }
0x5b: {  	v43 =	vld [tilespmem:s28+$0x5B0]  }
0x5c: {  	v17 =	vmul.f32 v57, v17;
	v24 =	vmul.f32 v58, v50;
	v44 =	vld [tilespmem:s28+$0x5C0]  }
0x5d: {  	v22 =	vmul.f32 v60, v51;
	v21 =	vmul.f32 v61, v52;
	v45 =	vld [tilespmem:s28+$0x5D0]  }
0x5e: {  	v23 =	vmul.f32 v62, v53;
	v26 =	vmul.f32 v40, v55;
	v46 =	vld [tilespmem:s28+$0x5E0]  }
0x5f: {  	v20 =	vmul.f32 v63, v54;
	v47 =	vld [tilespmem:s28+$0x5F0];
	v19 =	vmul.f32 v19, v56  }
0x60: {  	v17 =	vadd.f32 v24, v17;
	v21 =	vadd.f32 v21, v22;
	v48 =	vld [tilespmem:s28+$0x4580]  }
0x61: {  	v20 =	vadd.f32 v20, v23;
	v49 =	vld [tilespmem:s28+$0x4590];
	v19 =	vadd.f32 v19, v26  }
0x62: {  	v50 =	vld [tilespmem:s28+$0x45A0]  }
0x63: {  	v17 =	vadd.f32 v21, v17;
	v51 =	vld [tilespmem:s28+$0x45B0];
	v19 =	vadd.f32 v19, v20  }
0x64: {  	v52 =	vld [tilespmem:s28+$0x45C0]  }
0x65: {  	v53 =	vld [tilespmem:s28+$0x45D0];
	v17 =	vadd.f32 v19, v17  }
0x66: {  	v54 =	vld [tilespmem:s28+$0x45E0]  }
0x67: {  	v19 =	vld [tilespmem:s28+$0x45F0];
	[tilespmem:$0x8500] =	vst v17  }
0x68: {  	v17 =	vld [tilespmem:s28+$0x600]  }
0x69: {  	v55 =	vld [tilespmem:s28+$0x610]  }
0x6a: {  	v56 =	vld [tilespmem:s28+$0x620]  }
0x6b: {  	v57 =	vld [tilespmem:s28+$0x630]  }
0x6c: {  	v18 =	vmul.f32 v48, v18;
	v27 =	vmul.f32 v49, v41;
	v58 =	vld [tilespmem:s28+$0x640]  }
0x6d: {  	v22 =	vmul.f32 v50, v42;
	v23 =	vmul.f32 v51, v43;
	v59 =	vld [tilespmem:s28+$0x650]  }
0x6e: {  	v24 =	vmul.f32 v52, v44;
	v21 =	vmul.f32 v54, v46;
	v60 =	vld [tilespmem:s28+$0x660]  }
0x6f: {  	v20 =	vmul.f32 v53, v45;
	v61 =	vld [tilespmem:s28+$0x670];
	v19 =	vmul.f32 v19, v47  }
0x70: {  	v18 =	vadd.f32 v27, v18;
	v22 =	vadd.f32 v23, v22;
	v62 =	vld [tilespmem:s28+$0x4600]  }
0x71: {  	v20 =	vadd.f32 v20, v24;
	v63 =	vld [tilespmem:s28+$0x4610];
	v19 =	vadd.f32 v19, v21  }
0x72: {  	v40 =	vld [tilespmem:s28+$0x4620]  }
0x73: {  	v18 =	vadd.f32 v22, v18;
	v41 =	vld [tilespmem:s28+$0x4630];
	v19 =	vadd.f32 v19, v20  }
0x74: {  	v42 =	vld [tilespmem:s28+$0x4640]  }
0x75: {  	v43 =	vld [tilespmem:s28+$0x4650];
	v18 =	vadd.f32 v19, v18  }
0x76: {  	v44 =	vld [tilespmem:s28+$0x4660]  }
0x77: {  	v19 =	vld [tilespmem:s28+$0x4670];
	[tilespmem:$0x8580] =	vst v18  }
0x78: {  	v18 =	vld [tilespmem:s28+$0x680]  }
0x79: {  	v45 =	vld [tilespmem:s28+$0x690]  }
0x7a: {  	v46 =	vld [tilespmem:s28+$0x6A0]  }
0x7b: {  	v47 =	vld [tilespmem:s28+$0x6B0]  }
0x7c: {  	v17 =	vmul.f32 v62, v17;
	v25 =	vmul.f32 v63, v55;
	v48 =	vld [tilespmem:s28+$0x6C0]  }
0x7d: {  	v23 =	vmul.f32 v40, v56;
	v21 =	vmul.f32 v41, v57;
	v49 =	vld [tilespmem:s28+$0x6D0]  }
0x7e: {  	v24 =	vmul.f32 v42, v58;
	v22 =	vmul.f32 v44, v60;
	v50 =	vld [tilespmem:s28+$0x6E0]  }
0x7f: {  	v20 =	vmul.f32 v43, v59;
	v51 =	vld [tilespmem:s28+$0x6F0];
	v19 =	vmul.f32 v19, v61  }
0x80: {  	v17 =	vadd.f32 v25, v17;
	v21 =	vadd.f32 v21, v23;
	v52 =	vld [tilespmem:s28+$0x4680]  }
0x81: {  	v20 =	vadd.f32 v20, v24;
	v53 =	vld [tilespmem:s28+$0x4690];
	v19 =	vadd.f32 v19, v22  }
0x82: {  	v54 =	vld [tilespmem:s28+$0x46A0]  }
0x83: {  	v17 =	vadd.f32 v21, v17;
	v55 =	vld [tilespmem:s28+$0x46B0];
	v19 =	vadd.f32 v19, v20  }
0x84: {  	v56 =	vld [tilespmem:s28+$0x46C0]  }
0x85: {  	v57 =	vld [tilespmem:s28+$0x46D0];
	v17 =	vadd.f32 v19, v17  }
0x86: {  	v58 =	vld [tilespmem:s28+$0x46E0]  }
0x87: {  	v19 =	vld [tilespmem:s28+$0x46F0];
	[tilespmem:$0x8600] =	vst v17  }
0x88: {  	v17 =	vld [tilespmem:s28+$0x700]  }
0x89: {  	v59 =	vld [tilespmem:s28+$0x710]  }
0x8a: {  	v60 =	vld [tilespmem:s28+$0x720]  }
0x8b: {  	v61 =	vld [tilespmem:s28+$0x730]  }
0x8c: {  	v18 =	vmul.f32 v52, v18;
	v27 =	vmul.f32 v53, v45;
	v62 =	vld [tilespmem:s28+$0x740]  }
0x8d: {  	v23 =	vmul.f32 v54, v46;
	v22 =	vmul.f32 v55, v47;
	v63 =	vld [tilespmem:s28+$0x750]  }
0x8e: {  	v24 =	vmul.f32 v56, v48;
	v21 =	vmul.f32 v58, v50;
	v40 =	vld [tilespmem:s28+$0x760]  }
0x8f: {  	v20 =	vmul.f32 v57, v49;
	v41 =	vld [tilespmem:s28+$0x770];
	v19 =	vmul.f32 v19, v51  }
0x90: {  	v18 =	vadd.f32 v27, v18;
	v22 =	vadd.f32 v22, v23;
	v42 =	vld [tilespmem:s28+$0x4700]  }
0x91: {  	v20 =	vadd.f32 v20, v24;
	v43 =	vld [tilespmem:s28+$0x4710];
	v19 =	vadd.f32 v19, v21  }
0x92: {  	v44 =	vld [tilespmem:s28+$0x4720]  }
0x93: {  	v18 =	vadd.f32 v22, v18;
	v45 =	vld [tilespmem:s28+$0x4730];
	v19 =	vadd.f32 v19, v20  }
0x94: {  	v46 =	vld [tilespmem:s28+$0x4740]  }
0x95: {  	v47 =	vld [tilespmem:s28+$0x4750];
	v18 =	vadd.f32 v19, v18  }
0x96: {  	v48 =	vld [tilespmem:s28+$0x4760]  }
0x97: {  	v19 =	vld [tilespmem:s28+$0x4770];
	[tilespmem:$0x8680] =	vst v18  }
0x98: {  	v18 =	vld [tilespmem:s28+$0x780]  }
0x99: {  	v49 =	vld [tilespmem:s28+$0x790]  }
0x9a: {  	v50 =	vld [tilespmem:s28+$0x7A0]  }
0x9b: {  	v51 =	vld [tilespmem:s28+$0x7B0]  }
0x9c: {  	v17 =	vmul.f32 v42, v17;
	v25 =	vmul.f32 v43, v59;
	v52 =	vld [tilespmem:s28+$0x7C0]  }
0x9d: {  	v23 =	vmul.f32 v44, v60;
	v21 =	vmul.f32 v45, v61;
	v53 =	vld [tilespmem:s28+$0x7D0]  }
0x9e: {  	v24 =	vmul.f32 v46, v62;
	v22 =	vmul.f32 v48, v40;
	v54 =	vld [tilespmem:s28+$0x7E0]  }
0x9f: {  	v20 =	vmul.f32 v47, v63;
	v55 =	vld [tilespmem:s28+$0x7F0];
	v19 =	vmul.f32 v19, v41  }
0xa0: {  	v17 =	vadd.f32 v25, v17;
	v21 =	vadd.f32 v21, v23;
	v56 =	vld [tilespmem:s28+$0x4780]  }
0xa1: {  	v20 =	vadd.f32 v20, v24;
	v57 =	vld [tilespmem:s28+$0x4790];
	v19 =	vadd.f32 v19, v22  }
0xa2: {  	v58 =	vld [tilespmem:s28+$0x47A0]  }
0xa3: {  	v17 =	vadd.f32 v21, v17;
	v59 =	vld [tilespmem:s28+$0x47B0];
	v19 =	vadd.f32 v19, v20  }
0xa4: {  	v60 =	vld [tilespmem:s28+$0x47C0]  }
0xa5: {  	v61 =	vld [tilespmem:s28+$0x47D0];
	v17 =	vadd.f32 v19, v17  }
0xa6: {  	v62 =	vld [tilespmem:s28+$0x47E0]  }
0xa7: {  	v19 =	vld [tilespmem:s28+$0x47F0];
	[tilespmem:$0x8700] =	vst v17  }
0xa8: {  	v17 =	vld [tilespmem:s28+$0x800]  }
0xa9: {  	v63 =	vld [tilespmem:s28+$0x810]  }
0xaa: {  	v40 =	vld [tilespmem:s28+$0x820]  }
0xab: {  	v41 =	vld [tilespmem:s28+$0x830]  }
0xac: {  	v18 =	vmul.f32 v56, v18;
	v27 =	vmul.f32 v57, v49;
	v42 =	vld [tilespmem:s28+$0x840]  }
0xad: {  	v23 =	vmul.f32 v58, v50;
	v22 =	vmul.f32 v59, v51;
	v43 =	vld [tilespmem:s28+$0x850]  }
0xae: {  	v24 =	vmul.f32 v60, v52;
	v21 =	vmul.f32 v62, v54;
	v44 =	vld [tilespmem:s28+$0x860]  }
0xaf: {  	v20 =	vmul.f32 v61, v53;
	v45 =	vld [tilespmem:s28+$0x870];
	v19 =	vmul.f32 v19, v55  }
0xb0: {  	v18 =	vadd.f32 v27, v18;
	v22 =	vadd.f32 v22, v23;
	v46 =	vld [tilespmem:s28+$0x4800]  }
0xb1: {  	v20 =	vadd.f32 v20, v24;
	v47 =	vld [tilespmem:s28+$0x4810];
	v19 =	vadd.f32 v19, v21  }
0xb2: {  	v48 =	vld [tilespmem:s28+$0x4820]  }
0xb3: {  	v18 =	vadd.f32 v22, v18;
	v49 =	vld [tilespmem:s28+$0x4830];
	v19 =	vadd.f32 v19, v20  }
0xb4: {  	v50 =	vld [tilespmem:s28+$0x4840]  }
0xb5: {  	v51 =	vld [tilespmem:s28+$0x4850];
	v18 =	vadd.f32 v19, v18  }
0xb6: {  	v52 =	vld [tilespmem:s28+$0x4860]  }
0xb7: {  	v19 =	vld [tilespmem:s28+$0x4870];
	[tilespmem:$0x8780] =	vst v18  }
0xb8: {  	v18 =	vld [tilespmem:s28+$0x880]  }
0xb9: {  	v53 =	vld [tilespmem:s28+$0x890]  }
0xba: {  	v54 =	vld [tilespmem:s28+$0x8A0]  }
0xbb: {  	v55 =	vld [tilespmem:s28+$0x8B0]  }
0xbc: {  	v17 =	vmul.f32 v46, v17;
	v25 =	vmul.f32 v47, v63;
	v56 =	vld [tilespmem:s28+$0x8C0]  }
0xbd: {  	v23 =	vmul.f32 v48, v40;
	v21 =	vmul.f32 v49, v41;
	v57 =	vld [tilespmem:s28+$0x8D0]  }
0xbe: {  	v24 =	vmul.f32 v50, v42;
	v22 =	vmul.f32 v52, v44;
	v58 =	vld [tilespmem:s28+$0x8E0]  }
0xbf: {  	v20 =	vmul.f32 v51, v43;
	v59 =	vld [tilespmem:s28+$0x8F0];
	v19 =	vmul.f32 v19, v45  }
0xc0: {  	v17 =	vadd.f32 v25, v17;
	v21 =	vadd.f32 v21, v23;
	v60 =	vld [tilespmem:s28+$0x4880]  }
0xc1: {  	v20 =	vadd.f32 v20, v24;
	v61 =	vld [tilespmem:s28+$0x4890];
	v19 =	vadd.f32 v19, v22  }
0xc2: {  	v62 =	vld [tilespmem:s28+$0x48A0]  }
0xc3: {  	v17 =	vadd.f32 v21, v17;
	v63 =	vld [tilespmem:s28+$0x48B0];
	v19 =	vadd.f32 v19, v20  }
0xc4: {  	v39 =	vld [tilespmem:s28+$0x48C0]  }
0xc5: {  	v40 =	vld [tilespmem:s28+$0x48D0];
	v17 =	vadd.f32 v19, v17  }
0xc6: {  	v41 =	vld [tilespmem:s28+$0x48E0]  }
0xc7: {  	v19 =	vld [tilespmem:s28+$0x48F0];
	[tilespmem:$0x8800] =	vst v17  }
0xc8: {  	v17 =	vld [tilespmem:s28+$0x900]  }
0xc9: {  	v42 =	vld [tilespmem:s28+$0x910]  }
0xca: {  	v43 =	vld [tilespmem:s28+$0x920]  }
0xcb: {  	v44 =	vld [tilespmem:s28+$0x930]  }
0xcc: {  	v18 =	vmul.f32 v60, v18;
	v27 =	vmul.f32 v61, v53;
	v45 =	vld [tilespmem:s28+$0x940]  }
0xcd: {  	v23 =	vmul.f32 v62, v54;
	v22 =	vmul.f32 v63, v55;
	v46 =	vld [tilespmem:s28+$0x950]  }
0xce: {  	v24 =	vmul.f32 v39, v56;
	v21 =	vmul.f32 v41, v58;
	v47 =	vld [tilespmem:s28+$0x960]  }
0xcf: {  	v20 =	vmul.f32 v40, v57;
	v48 =	vld [tilespmem:s28+$0x970];
	v19 =	vmul.f32 v19, v59  }
0xd0: {  	v18 =	vadd.f32 v27, v18;
	v22 =	vadd.f32 v22, v23;
	v49 =	vld [tilespmem:s28+$0x4900]  }
0xd1: {  	v20 =	vadd.f32 v20, v24;
	v50 =	vld [tilespmem:s28+$0x4910];
	v19 =	vadd.f32 v19, v21  }
0xd2: {  	v51 =	vld [tilespmem:s28+$0x4920]  }
0xd3: {  	v18 =	vadd.f32 v22, v18;
	v52 =	vld [tilespmem:s28+$0x4930];
	v19 =	vadd.f32 v19, v20  }
0xd4: {  	v53 =	vld [tilespmem:s28+$0x4940]  }
0xd5: {  	v54 =	vld [tilespmem:s28+$0x4950];
	v18 =	vadd.f32 v19, v18  }
0xd6: {  	v55 =	vld [tilespmem:s28+$0x4960]  }
0xd7: {  	v19 =	vld [tilespmem:s28+$0x4970];
	[tilespmem:$0x8880] =	vst v18  }
0xd8: {  	v18 =	vld [tilespmem:s28+$0x980]  }
0xd9: {  	v56 =	vld [tilespmem:s28+$0x990]  }
0xda: {  	v57 =	vld [tilespmem:s28+$0x9A0]  }
0xdb: {  	v58 =	vld [tilespmem:s28+$0x9B0]  }
0xdc: {  	v17 =	vmul.f32 v49, v17;
	v25 =	vmul.f32 v50, v42;
	v59 =	vld [tilespmem:s28+$0x9C0]  }
0xdd: {  	v23 =	vmul.f32 v51, v43;
	v21 =	vmul.f32 v52, v44;
	v60 =	vld [tilespmem:s28+$0x9D0]  }
0xde: {  	v24 =	vmul.f32 v53, v45;
	v22 =	vmul.f32 v55, v47;
	v61 =	vld [tilespmem:s28+$0x9E0]  }
0xdf: {  	v20 =	vmul.f32 v54, v46;
	v62 =	vld [tilespmem:s28+$0x9F0];
	v19 =	vmul.f32 v19, v48  }
0xe0: {  	v17 =	vadd.f32 v25, v17;
	v21 =	vadd.f32 v21, v23;
	v63 =	vld [tilespmem:s28+$0x4980]  }
0xe1: {  	v20 =	vadd.f32 v20, v24;
	v39 =	vld [tilespmem:s28+$0x4990];
	v19 =	vadd.f32 v19, v22  }
0xe2: {  	v40 =	vld [tilespmem:s28+$0x49A0]  }
0xe3: {  	v17 =	vadd.f32 v21, v17;
	v41 =	vld [tilespmem:s28+$0x49B0];
	v19 =	vadd.f32 v19, v20  }
0xe4: {  	v42 =	vld [tilespmem:s28+$0x49C0]  }
0xe5: {  	v43 =	vld [tilespmem:s28+$0x49D0];
	v17 =	vadd.f32 v19, v17  }
0xe6: {  	v44 =	vld [tilespmem:s28+$0x49E0]  }
0xe7: {  	v19 =	vld [tilespmem:s28+$0x49F0];
	[tilespmem:$0x8900] =	vst v17  }
0xe8: {  	v17 =	vld [tilespmem:s28+$0xA00]  }
0xe9: {  	v45 =	vld [tilespmem:s28+$0xA10]  }
0xea: {  	v46 =	vld [tilespmem:s28+$0xA20]  }
0xeb: {  	v47 =	vld [tilespmem:s28+$0xA30]  }
0xec: {  	v18 =	vmul.f32 v63, v18;
	v27 =	vmul.f32 v39, v56;
	v48 =	vld [tilespmem:s28+$0xA40]  }
0xed: {  	v23 =	vmul.f32 v40, v57;
	v22 =	vmul.f32 v41, v58;
	v49 =	vld [tilespmem:s28+$0xA50]  }
0xee: {  	v24 =	vmul.f32 v42, v59;
	v21 =	vmul.f32 v44, v61;
	v50 =	vld [tilespmem:s28+$0xA60]  }
0xef: {  	v20 =	vmul.f32 v43, v60;
	v51 =	vld [tilespmem:s28+$0xA70];
	v19 =	vmul.f32 v19, v62  }
0xf0: {  	v18 =	vadd.f32 v27, v18;
	v22 =	vadd.f32 v22, v23;
	v52 =	vld [tilespmem:s28+$0x4A00]  }
0xf1: {  	v20 =	vadd.f32 v20, v24;
	v53 =	vld [tilespmem:s28+$0x4A10];
	v19 =	vadd.f32 v19, v21  }
0xf2: {  	v54 =	vld [tilespmem:s28+$0x4A20]  }
0xf3: {  	v18 =	vadd.f32 v22, v18;
	v55 =	vld [tilespmem:s28+$0x4A30];
	v19 =	vadd.f32 v19, v20  }
0xf4: {  	v56 =	vld [tilespmem:s28+$0x4A40]  }
0xf5: {  	v57 =	vld [tilespmem:s28+$0x4A50];
	v18 =	vadd.f32 v19, v18  }
0xf6: {  	v58 =	vld [tilespmem:s28+$0x4A60]  }
0xf7: {  	v19 =	vld [tilespmem:s28+$0x4A70];
	[tilespmem:$0x8980] =	vst v18  }
0xf8: {  	v18 =	vld [tilespmem:s28+$0xA80]  }
0xf9: {  	v59 =	vld [tilespmem:s28+$0xA90]  }
0xfa: {  	v60 =	vld [tilespmem:s28+$0xAA0]  }
0xfb: {  	v61 =	vld [tilespmem:s28+$0xAB0]  }
0xfc: {  	v17 =	vmul.f32 v52, v17;
	v25 =	vmul.f32 v53, v45;
	v62 =	vld [tilespmem:s28+$0xAC0]  }
0xfd: {  	v23 =	vmul.f32 v54, v46;
	v21 =	vmul.f32 v55, v47;
	v63 =	vld [tilespmem:s28+$0xAD0]  }
0xfe: {  	v24 =	vmul.f32 v56, v48;
	v22 =	vmul.f32 v58, v50;
	v39 =	vld [tilespmem:s28+$0xAE0]  }
0xff: {  	v20 =	vmul.f32 v57, v49;
	v40 =	vld [tilespmem:s28+$0xAF0];
	v19 =	vmul.f32 v19, v51  }
0x100: {  	v17 =	vadd.f32 v25, v17;
	v21 =	vadd.f32 v21, v23;
	v41 =	vld [tilespmem:s28+$0x4A80]  }
0x101: {  	v20 =	vadd.f32 v20, v24;
	v42 =	vld [tilespmem:s28+$0x4A90];
	v19 =	vadd.f32 v19, v22  }
0x102: {  	v43 =	vld [tilespmem:s28+$0x4AA0]  }
0x103: {  	v17 =	vadd.f32 v21, v17;
	v44 =	vld [tilespmem:s28+$0x4AB0];
	v19 =	vadd.f32 v19, v20  }
0x104: {  	v45 =	vld [tilespmem:s28+$0x4AC0]  }
0x105: {  	v46 =	vld [tilespmem:s28+$0x4AD0];
	v17 =	vadd.f32 v19, v17  }
0x106: {  	v47 =	vld [tilespmem:s28+$0x4AE0]  }
0x107: {  	v19 =	vld [tilespmem:s28+$0x4AF0];
	[tilespmem:$0x8A00] =	vst v17  }
0x108: {  	v17 =	vld [tilespmem:s28+$0xB00]  }
0x109: {  	v25 =	vld [tilespmem:s28+$0xB10]  }
0x10a: {  	v29 =	vld [tilespmem:s28+$0xB20]  }
0x10b: {  	v33 =	vld [tilespmem:s28+$0xB30]  }
0x10c: {  	v18 =	vmul.f32 v41, v18;
	v27 =	vmul.f32 v42, v59;
	v48 =	vld [tilespmem:s28+$0xB40]  }
0x10d: {  	v23 =	vmul.f32 v43, v60;
	v22 =	vmul.f32 v44, v61;
	v49 =	vld [tilespmem:s28+$0xB50]  }
0x10e: {  	v24 =	vmul.f32 v45, v62;
	v21 =	vmul.f32 v47, v39;
	v50 =	vld [tilespmem:s28+$0xB60]  }
0x10f: {  	v20 =	vmul.f32 v46, v63;
	v51 =	vld [tilespmem:s28+$0xB70];
	v19 =	vmul.f32 v19, v40  }
0x110: {  	v18 =	vadd.f32 v27, v18;
	v22 =	vadd.f32 v22, v23;
	v52 =	vld [tilespmem:s28+$0x4B00]  }
0x111: {  	v20 =	vadd.f32 v20, v24;
	v53 =	vld [tilespmem:s28+$0x4B10];
	v19 =	vadd.f32 v19, v21  }
0x112: {  	v54 =	vld [tilespmem:s28+$0x4B20]  }
0x113: {  	v18 =	vadd.f32 v22, v18;
	v55 =	vld [tilespmem:s28+$0x4B30];
	v19 =	vadd.f32 v19, v20  }
0x114: {  	v56 =	vld [tilespmem:s28+$0x4B40]  }
0x115: {  	v57 =	vld [tilespmem:s28+$0x4B50];
	v18 =	vadd.f32 v19, v18  }
0x116: {  	v58 =	vld [tilespmem:s28+$0x4B60]  }
0x117: {  	v19 =	vld [tilespmem:s28+$0x4B70];
	[tilespmem:$0x8A80] =	vst v18  }
0x118: {  	v18 =	vld [tilespmem:s28+$0xB80]  }
0x119: {  	v59 =	vld [tilespmem:s28+$0xB90]  }
0x11a: {  	v60 =	vld [tilespmem:s28+$0xBA0]  }
0x11b: {  	v61 =	vld [tilespmem:s28+$0xBB0]  }
0x11c: {  	v62 =	vld [tilespmem:s28+$0xBC0]  }
0x11d: {  	v63 =	vld [tilespmem:s28+$0xBD0]  }
0x11e: {  	v39 =	vld [tilespmem:s28+$0xBE0]  }
0x11f: {  	v40 =	vld [tilespmem:s28+$0xBF0]  }
0x120: {  	v41 =	vld [tilespmem:s28+$0x4B80]  }
0x121: {  	v42 =	vld [tilespmem:s28+$0x4B90]  }
0x122: {  	v43 =	vld [tilespmem:s28+$0x4BA0]  }
0x123: {  	v44 =	vld [tilespmem:s28+$0x4BB0]  }
0x124: {  	v45 =	vld [tilespmem:s28+$0x4BC0]  }
0x125: {  	v17 =	vmul.f32 v52, v17;
	v25 =	vmul.f32 v53, v25;
	v46 =	vld [tilespmem:s28+$0x4BD0]  }
0x126: {  	v23 =	vmul.f32 v54, v29;
	v21 =	vmul.f32 v55, v33;
	v32 =	vld [tilespmem:s28+$0x4BE0]  }
0x127: {  	v24 =	vmul.f32 v56, v48;
	v22 =	vmul.f32 v58, v50;
	v33 =	vld [tilespmem:s28+$0x4BF0]  }
0x128: {  	v20 =	vmul.f32 v57, v49;
	v19 =	vmul.f32 v19, v51  }
0x129: {  	v17 =	vadd.f32 v25, v17;
	v18 =	vmul.f32 v41, v18;
	v34 =	vmul.f32 v42, v59  }
0x12a: {  	v21 =	vadd.f32 v21, v23;
	v35 =	vmul.f32 v43, v60;
	v36 =	vmul.f32 v44, v61  }
0x12b: {  	v20 =	vadd.f32 v20, v24;
	v37 =	vmul.f32 v45, v62;
	v41 =	vmul.f32 v46, v63  }
0x12c: {  	v19 =	vadd.f32 v19, v22;
	v42 =	vmul.f32 v32, v39;
	v43 =	vmul.f32 v33, v40  }
0x12d: {  	v18 =	vadd.f32 v34, v18;
	v23 =	vadd.f32 v36, v35  }
0x12e: {  	v24 =	vadd.f32 v41, v37;
	v22 =	vadd.f32 v43, v42  }
0x12f: {  	v17 =	vadd.f32 v21, v17;
	v19 =	vadd.f32 v19, v20  }
0x130: {  	v18 =	vadd.f32 v23, v18;
	v44 =	vadd.f32 v22, v24  }
0x131: {  	v17 =	vadd.f32 v19, v17  }
0x132: {  	v18 =	vadd.f32 v44, v18  }
0x133: {  	[tilespmem:$0x8B00] =	vst v17  }
0x134: {  	[tilespmem:$0x8B80] =	vst v18  }
0x135: {  	v17 =	vld.idx.msk [tilespmem:v0+s17+$0x0], $0xffff  }
0x136: {  	v18 =	vld.idx.msk [tilespmem:v1+s17+$0x0], $0xffff  }
0x137: {  	v19 =	vld.idx.msk [tilespmem:v2+s17+$0x0], $0xffff  }
0x138: {  	v45 =	vld.idx.msk [tilespmem:v3+s17+$0x0], $0xffff  }
0x139: {  	v46 =	vld.idx.msk [tilespmem:v4+s17+$0x0], $0xffff  }
0x13a: {  	v47 =	vld.idx.msk [tilespmem:v5+s17+$0x0], $0xffff  }
0x13b: {  	v48 =	vld.idx.msk [tilespmem:v6+s17+$0x0], $0xffff  }
0x13c: {  	v49 =	vld.idx.msk [tilespmem:v7+s17+$0x0], $0xffff  }
0x13d: {  	v50 =	vld.idx.msk [tilespmem:v8+s17+$0x0], $0xffff  }
0x13e: {  	v51 =	vld.idx.msk [tilespmem:v9+s17+$0x0], $0xffff  }
0x13f: {  	v52 =	vld.idx.msk [tilespmem:v10+s17+$0x0], $0xffff  }
0x140: {  	v53 =	vld.idx.msk [tilespmem:v11+s17+$0x0], $0xffff  }
0x141: {  	v54 =	vld.idx.msk [tilespmem:v12+s17+$0x0], $0xffff  }
0x142: {  	v55 =	vld.idx.msk [tilespmem:v13+s17+$0x0], $0xffff  }
0x143: {  	v56 =	vld.idx.msk [tilespmem:v14+s17+$0x0], $0xffff  }
0x144: {  	v57 =	vld.idx.msk [tilespmem:v15+s17+$0x0], $0xffff;
	_ =	sdelay $0x1  }
0x145: {  	v17 =	vadd.f32 v18, v17;
	v18 =	vadd.f32 v45, v19  }
0x146: {  	v19 =	vadd.f32 v47, v46;
	v58 =	vadd.f32 v49, v48  }
0x147: {  	v59 =	vadd.f32 v51, v50;
	v60 =	vadd.f32 v53, v52  }
0x148: {  	v61 =	vadd.f32 v55, v54;
	v62 =	vadd.f32 v57, v56  }
0x149: {  	v17 =	vadd.f32 v18, v17;
	v18 =	vadd.f32 v58, v19  }
0x14a: {  	v19 =	vadd.f32 v60, v59;
	v63 =	vadd.f32 v62, v61  }
0x14b: {  	p0 =	sne.s32 s26, $0x3  }
.Ltmp0:
0x14c: {  	v17 =	vadd.f32 v18, v17;
	v18 =	vadd.f32 v63, v19;
	(pc) =	sbr.rel @p0 .LBB2_4-.Ltmp0, $4  }
0x14d: {  	_ = 	snop  }
0x14e: {  	s31 =	sshll.u32 s26, $0x4;
	v17 =	vadd.f32 v18, v17  }
0x14f: {  	s28 =	sand.u32 $0x3FFFFFF0, s31  }
0x150: {  	s26 =	sadd.s32 $0x1, s26;
	[tilespmem:v16+s28+$0x0 ss:$0x1] =	vst.idx.msk $0xffff, v17  }
0x151: {  	p0 =	seq.s32 s23, $0x3  }
0x152: {  	s26 =	sadd.s32 @!p0 $0x80, s25;
	s28 =	simm.s32 @!p0 $0x40;
	s29 =	simm.s32 @!p0 $0x400  }
0x153: {  	[tilespmem:s29], [sflag:$0x1] =	stream.indirect.gather @!p0 [hbm4b:s1+s28], $0x80, s26, s28, $0xb8;
	[tilespmem:$0x8E00] =	vst v63  }
0x154: {  	s25 =	sadd.s32 @!p0 $0x280, s25;
	s26 =	simm.s32 @!p0 $0x4400  }
0x155: {  	[tilespmem:s26], [sflag:$0x3] =	stream.indirect.gather @!p0 [hbm4b:s2+s28], $0x80, s25, s28, $0xb8;
	[tilespmem:$0x8E00] =	vst v63  }
0x156: {  	_ =	swait.ge [sflag:s18], $0x2000  }
0x157: {  	[sflag:s18] =	ssyncset.done $0x0  }
0x158: {  	[sflag:s18] =	ssyncadd.s32 $0xFFFFE000  }
0x159: {  	_ =	swait.ge [sflag:s19], $0x2000  }
0x15a: {  	s31 =	sadd.s32 $0x8C00, s24;
	[sflag:s19] =	ssyncset.done $0x0  }
0x15b: {  	s23 =	sadd.s32 $0x1, s23;
	s24 =	simm.s32 $0x0;
	v16 =	vmov s31;
	[sflag:s19] =	ssyncadd.s32 $0xFFFFE000  }
.LBB2_6:
0x15c: {  	s25 =	sshll.u32 s24, $0xB  }
0x15d: {  	v17 =	vld [tilespmem:s25+$0x2400]  }
0x15e: {  	v18 =	vld [tilespmem:s25+$0x2410]  }
0x15f: {  	v19 =	vld [tilespmem:s25+$0x2420]  }
0x160: {  	v20 =	vld [tilespmem:s25+$0x2430]  }
0x161: {  	v21 =	vld [tilespmem:s25+$0x2440]  }
0x162: {  	v22 =	vld [tilespmem:s25+$0x2450]  }
0x163: {  	v23 =	vld [tilespmem:s25+$0x2460]  }
0x164: {  	v24 =	vld [tilespmem:s25+$0x2470]  }
0x165: {  	v25 =	vld [tilespmem:s25+$0x6400]  }
0x166: {  	v26 =	vld [tilespmem:s25+$0x6410]  }
0x167: {  	v27 =	vld [tilespmem:s25+$0x6420]  }
0x168: {  	v28 =	vld [tilespmem:s25+$0x6430]  }
0x169: {  	v29 =	vld [tilespmem:s25+$0x6440]  }
0x16a: {  	v30 =	vld [tilespmem:s25+$0x6450]  }
0x16b: {  	v31 =	vld [tilespmem:s25+$0x6460]  }
0x16c: {  	v32 =	vld [tilespmem:s25+$0x6470]  }
0x16d: {  	v33 =	vld [tilespmem:s25+$0x2480]  }
0x16e: {  	v34 =	vld [tilespmem:s25+$0x2490]  }
0x16f: {  	v35 =	vld [tilespmem:s25+$0x24A0]  }
0x170: {  	v36 =	vld [tilespmem:s25+$0x24B0]  }
0x171: {  	v37 =	vld [tilespmem:s25+$0x24C0];
	v17 =	vmul.f32 v25, v17;
	v18 =	vmul.f32 v26, v18  }
0x172: {  	v38 =	vld [tilespmem:s25+$0x24D0];
	v19 =	vmul.f32 v27, v19;
	v20 =	vmul.f32 v28, v20  }
0x173: {  	v40 =	vld [tilespmem:s25+$0x24E0];
	v21 =	vmul.f32 v29, v21;
	v22 =	vmul.f32 v30, v22  }
0x174: {  	v41 =	vld [tilespmem:s25+$0x24F0];
	v23 =	vmul.f32 v31, v23;
	v24 =	vmul.f32 v32, v24  }
0x175: {  	v42 =	vld [tilespmem:s25+$0x6480];
	v17 =	vadd.f32 v18, v17;
	v18 =	vadd.f32 v20, v19  }
0x176: {  	v43 =	vld [tilespmem:s25+$0x6490];
	v44 =	vadd.f32 v22, v21;
	v45 =	vadd.f32 v24, v23  }
0x177: {  	v46 =	vld [tilespmem:s25+$0x64B0]  }
0x178: {  	v47 =	vld [tilespmem:s25+$0x64C0];
	v17 =	vadd.f32 v18, v17;
	v18 =	vadd.f32 v45, v44  }
0x179: {  	v48 =	vld [tilespmem:s25+$0x64D0]  }
0x17a: {  	v49 =	vld [tilespmem:s25+$0x64E0];
	v17 =	vadd.f32 v18, v17  }
0x17b: {  	v19 =	vld [tilespmem:s25+$0x64A0]  }
0x17c: {  	v18 =	vld [tilespmem:s25+$0x64F0];
	[tilespmem:$0x8400] =	vst v17  }
0x17d: {  	v17 =	vld [tilespmem:s25+$0x2500]  }
0x17e: {  	v50 =	vld [tilespmem:s25+$0x2510]  }
0x17f: {  	v51 =	vld [tilespmem:s25+$0x2520]  }
0x180: {  	v52 =	vld [tilespmem:s25+$0x2530]  }
0x181: {  	v27 =	vmul.f32 v42, v33;
	v28 =	vmul.f32 v43, v34;
	v53 =	vld [tilespmem:s25+$0x2540]  }
0x182: {  	v22 =	vmul.f32 v46, v36;
	v23 =	vmul.f32 v47, v37;
	v54 =	vld [tilespmem:s25+$0x2550]  }
0x183: {  	v20 =	vmul.f32 v48, v38;
	v21 =	vmul.f32 v49, v40;
	v55 =	vld [tilespmem:s25+$0x2560]  }
0x184: {  	v19 =	vmul.f32 v19, v35;
	v56 =	vld [tilespmem:s25+$0x2570];
	v18 =	vmul.f32 v18, v41  }
0x185: {  	v59 =	vadd.f32 v28, v27;
	v20 =	vadd.f32 v20, v23;
	v57 =	vld [tilespmem:s25+$0x6500]  }
0x186: {  	v58 =	vld [tilespmem:s25+$0x6510];
	v19 =	vadd.f32 v22, v19;
	v18 =	vadd.f32 v18, v21  }
0x187: {  	v60 =	vld [tilespmem:s25+$0x6520]  }
0x188: {  	v61 =	vld [tilespmem:s25+$0x6530];
	v19 =	vadd.f32 v19, v59;
	v18 =	vadd.f32 v18, v20  }
0x189: {  	v62 =	vld [tilespmem:s25+$0x6540]  }
0x18a: {  	v63 =	vld [tilespmem:s25+$0x6550];
	v18 =	vadd.f32 v18, v19  }
0x18b: {  	v40 =	vld [tilespmem:s25+$0x6560]  }
0x18c: {  	v19 =	vld [tilespmem:s25+$0x6570];
	[tilespmem:$0x8480] =	vst v18  }
0x18d: {  	v18 =	vld [tilespmem:s25+$0x2580]  }
0x18e: {  	v41 =	vld [tilespmem:s25+$0x2590]  }
0x18f: {  	v42 =	vld [tilespmem:s25+$0x25A0]  }
0x190: {  	v43 =	vld [tilespmem:s25+$0x25B0]  }
0x191: {  	v17 =	vmul.f32 v57, v17;
	v24 =	vmul.f32 v58, v50;
	v44 =	vld [tilespmem:s25+$0x25C0]  }
0x192: {  	v22 =	vmul.f32 v60, v51;
	v21 =	vmul.f32 v61, v52;
	v45 =	vld [tilespmem:s25+$0x25D0]  }
0x193: {  	v23 =	vmul.f32 v62, v53;
	v26 =	vmul.f32 v40, v55;
	v46 =	vld [tilespmem:s25+$0x25E0]  }
0x194: {  	v20 =	vmul.f32 v63, v54;
	v47 =	vld [tilespmem:s25+$0x25F0];
	v19 =	vmul.f32 v19, v56  }
0x195: {  	v17 =	vadd.f32 v24, v17;
	v21 =	vadd.f32 v21, v22;
	v48 =	vld [tilespmem:s25+$0x6580]  }
0x196: {  	v20 =	vadd.f32 v20, v23;
	v49 =	vld [tilespmem:s25+$0x6590];
	v19 =	vadd.f32 v19, v26  }
0x197: {  	v50 =	vld [tilespmem:s25+$0x65A0]  }
0x198: {  	v17 =	vadd.f32 v21, v17;
	v51 =	vld [tilespmem:s25+$0x65B0];
	v19 =	vadd.f32 v19, v20  }
0x199: {  	v52 =	vld [tilespmem:s25+$0x65C0]  }
0x19a: {  	v53 =	vld [tilespmem:s25+$0x65D0];
	v17 =	vadd.f32 v19, v17  }
0x19b: {  	v54 =	vld [tilespmem:s25+$0x65E0]  }
0x19c: {  	v19 =	vld [tilespmem:s25+$0x65F0];
	[tilespmem:$0x8500] =	vst v17  }
0x19d: {  	v17 =	vld [tilespmem:s25+$0x2600]  }
0x19e: {  	v55 =	vld [tilespmem:s25+$0x2610]  }
0x19f: {  	v56 =	vld [tilespmem:s25+$0x2620]  }
0x1a0: {  	v57 =	vld [tilespmem:s25+$0x2630]  }
0x1a1: {  	v18 =	vmul.f32 v48, v18;
	v27 =	vmul.f32 v49, v41;
	v58 =	vld [tilespmem:s25+$0x2640]  }
0x1a2: {  	v22 =	vmul.f32 v50, v42;
	v23 =	vmul.f32 v51, v43;
	v59 =	vld [tilespmem:s25+$0x2650]  }
0x1a3: {  	v24 =	vmul.f32 v52, v44;
	v21 =	vmul.f32 v54, v46;
	v60 =	vld [tilespmem:s25+$0x2660]  }
0x1a4: {  	v20 =	vmul.f32 v53, v45;
	v61 =	vld [tilespmem:s25+$0x2670];
	v19 =	vmul.f32 v19, v47  }
0x1a5: {  	v18 =	vadd.f32 v27, v18;
	v22 =	vadd.f32 v23, v22;
	v62 =	vld [tilespmem:s25+$0x6600]  }
0x1a6: {  	v20 =	vadd.f32 v20, v24;
	v63 =	vld [tilespmem:s25+$0x6610];
	v19 =	vadd.f32 v19, v21  }
0x1a7: {  	v40 =	vld [tilespmem:s25+$0x6620]  }
0x1a8: {  	v18 =	vadd.f32 v22, v18;
	v41 =	vld [tilespmem:s25+$0x6630];
	v19 =	vadd.f32 v19, v20  }
0x1a9: {  	v42 =	vld [tilespmem:s25+$0x6640]  }
0x1aa: {  	v43 =	vld [tilespmem:s25+$0x6650];
	v18 =	vadd.f32 v19, v18  }
0x1ab: {  	v44 =	vld [tilespmem:s25+$0x6660]  }
0x1ac: {  	v19 =	vld [tilespmem:s25+$0x6670];
	[tilespmem:$0x8580] =	vst v18  }
0x1ad: {  	v18 =	vld [tilespmem:s25+$0x2680]  }
0x1ae: {  	v45 =	vld [tilespmem:s25+$0x2690]  }
0x1af: {  	v46 =	vld [tilespmem:s25+$0x26A0]  }
0x1b0: {  	v47 =	vld [tilespmem:s25+$0x26B0]  }
0x1b1: {  	v17 =	vmul.f32 v62, v17;
	v25 =	vmul.f32 v63, v55;
	v48 =	vld [tilespmem:s25+$0x26C0]  }
0x1b2: {  	v23 =	vmul.f32 v40, v56;
	v21 =	vmul.f32 v41, v57;
	v49 =	vld [tilespmem:s25+$0x26D0]  }
0x1b3: {  	v24 =	vmul.f32 v42, v58;
	v22 =	vmul.f32 v44, v60;
	v50 =	vld [tilespmem:s25+$0x26E0]  }
0x1b4: {  	v20 =	vmul.f32 v43, v59;
	v51 =	vld [tilespmem:s25+$0x26F0];
	v19 =	vmul.f32 v19, v61  }
0x1b5: {  	v17 =	vadd.f32 v25, v17;
	v21 =	vadd.f32 v21, v23;
	v52 =	vld [tilespmem:s25+$0x6680]  }
0x1b6: {  	v20 =	vadd.f32 v20, v24;
	v53 =	vld [tilespmem:s25+$0x6690];
	v19 =	vadd.f32 v19, v22  }
0x1b7: {  	v54 =	vld [tilespmem:s25+$0x66A0]  }
0x1b8: {  	v17 =	vadd.f32 v21, v17;
	v55 =	vld [tilespmem:s25+$0x66B0];
	v19 =	vadd.f32 v19, v20  }
0x1b9: {  	v56 =	vld [tilespmem:s25+$0x66C0]  }
0x1ba: {  	v57 =	vld [tilespmem:s25+$0x66D0];
	v17 =	vadd.f32 v19, v17  }
0x1bb: {  	v58 =	vld [tilespmem:s25+$0x66E0]  }
0x1bc: {  	v19 =	vld [tilespmem:s25+$0x66F0];
	[tilespmem:$0x8600] =	vst v17  }
0x1bd: {  	v17 =	vld [tilespmem:s25+$0x2700]  }
0x1be: {  	v59 =	vld [tilespmem:s25+$0x2710]  }
0x1bf: {  	v60 =	vld [tilespmem:s25+$0x2720]  }
0x1c0: {  	v61 =	vld [tilespmem:s25+$0x2730]  }
0x1c1: {  	v18 =	vmul.f32 v52, v18;
	v27 =	vmul.f32 v53, v45;
	v62 =	vld [tilespmem:s25+$0x2740]  }
0x1c2: {  	v23 =	vmul.f32 v54, v46;
	v22 =	vmul.f32 v55, v47;
	v63 =	vld [tilespmem:s25+$0x2750]  }
0x1c3: {  	v24 =	vmul.f32 v56, v48;
	v21 =	vmul.f32 v58, v50;
	v40 =	vld [tilespmem:s25+$0x2760]  }
0x1c4: {  	v20 =	vmul.f32 v57, v49;
	v41 =	vld [tilespmem:s25+$0x2770];
	v19 =	vmul.f32 v19, v51  }
0x1c5: {  	v18 =	vadd.f32 v27, v18;
	v22 =	vadd.f32 v22, v23;
	v42 =	vld [tilespmem:s25+$0x6700]  }
0x1c6: {  	v20 =	vadd.f32 v20, v24;
	v43 =	vld [tilespmem:s25+$0x6710];
	v19 =	vadd.f32 v19, v21  }
0x1c7: {  	v44 =	vld [tilespmem:s25+$0x6720]  }
0x1c8: {  	v18 =	vadd.f32 v22, v18;
	v45 =	vld [tilespmem:s25+$0x6730];
	v19 =	vadd.f32 v19, v20  }
0x1c9: {  	v46 =	vld [tilespmem:s25+$0x6740]  }
0x1ca: {  	v47 =	vld [tilespmem:s25+$0x6750];
	v18 =	vadd.f32 v19, v18  }
0x1cb: {  	v48 =	vld [tilespmem:s25+$0x6760]  }
0x1cc: {  	v19 =	vld [tilespmem:s25+$0x6770];
	[tilespmem:$0x8680] =	vst v18  }
0x1cd: {  	v18 =	vld [tilespmem:s25+$0x2780]  }
0x1ce: {  	v49 =	vld [tilespmem:s25+$0x2790]  }
0x1cf: {  	v50 =	vld [tilespmem:s25+$0x27A0]  }
0x1d0: {  	v51 =	vld [tilespmem:s25+$0x27B0]  }
0x1d1: {  	v17 =	vmul.f32 v42, v17;
	v25 =	vmul.f32 v43, v59;
	v52 =	vld [tilespmem:s25+$0x27C0]  }
0x1d2: {  	v23 =	vmul.f32 v44, v60;
	v21 =	vmul.f32 v45, v61;
	v53 =	vld [tilespmem:s25+$0x27D0]  }
0x1d3: {  	v24 =	vmul.f32 v46, v62;
	v22 =	vmul.f32 v48, v40;
	v54 =	vld [tilespmem:s25+$0x27E0]  }
0x1d4: {  	v20 =	vmul.f32 v47, v63;
	v55 =	vld [tilespmem:s25+$0x27F0];
	v19 =	vmul.f32 v19, v41  }
0x1d5: {  	v17 =	vadd.f32 v25, v17;
	v21 =	vadd.f32 v21, v23;
	v56 =	vld [tilespmem:s25+$0x6780]  }
0x1d6: {  	v20 =	vadd.f32 v20, v24;
	v57 =	vld [tilespmem:s25+$0x6790];
	v19 =	vadd.f32 v19, v22  }
0x1d7: {  	v58 =	vld [tilespmem:s25+$0x67A0]  }
0x1d8: {  	v17 =	vadd.f32 v21, v17;
	v59 =	vld [tilespmem:s25+$0x67B0];
	v19 =	vadd.f32 v19, v20  }
0x1d9: {  	v60 =	vld [tilespmem:s25+$0x67C0]  }
0x1da: {  	v61 =	vld [tilespmem:s25+$0x67D0];
	v17 =	vadd.f32 v19, v17  }
0x1db: {  	v62 =	vld [tilespmem:s25+$0x67E0]  }
0x1dc: {  	v19 =	vld [tilespmem:s25+$0x67F0];
	[tilespmem:$0x8700] =	vst v17  }
0x1dd: {  	v17 =	vld [tilespmem:s25+$0x2800]  }
0x1de: {  	v63 =	vld [tilespmem:s25+$0x2810]  }
0x1df: {  	v40 =	vld [tilespmem:s25+$0x2820]  }
0x1e0: {  	v41 =	vld [tilespmem:s25+$0x2830]  }
0x1e1: {  	v18 =	vmul.f32 v56, v18;
	v27 =	vmul.f32 v57, v49;
	v42 =	vld [tilespmem:s25+$0x2840]  }
0x1e2: {  	v23 =	vmul.f32 v58, v50;
	v22 =	vmul.f32 v59, v51;
	v43 =	vld [tilespmem:s25+$0x2850]  }
0x1e3: {  	v24 =	vmul.f32 v60, v52;
	v21 =	vmul.f32 v62, v54;
	v44 =	vld [tilespmem:s25+$0x2860]  }
0x1e4: {  	v20 =	vmul.f32 v61, v53;
	v45 =	vld [tilespmem:s25+$0x2870];
	v19 =	vmul.f32 v19, v55  }
0x1e5: {  	v18 =	vadd.f32 v27, v18;
	v22 =	vadd.f32 v22, v23;
	v46 =	vld [tilespmem:s25+$0x6800]  }
0x1e6: {  	v20 =	vadd.f32 v20, v24;
	v47 =	vld [tilespmem:s25+$0x6810];
	v19 =	vadd.f32 v19, v21  }
0x1e7: {  	v48 =	vld [tilespmem:s25+$0x6820]  }
0x1e8: {  	v18 =	vadd.f32 v22, v18;
	v49 =	vld [tilespmem:s25+$0x6830];
	v19 =	vadd.f32 v19, v20  }
0x1e9: {  	v50 =	vld [tilespmem:s25+$0x6840]  }
0x1ea: {  	v51 =	vld [tilespmem:s25+$0x6850];
	v18 =	vadd.f32 v19, v18  }
0x1eb: {  	v52 =	vld [tilespmem:s25+$0x6860]  }
0x1ec: {  	v19 =	vld [tilespmem:s25+$0x6870];
	[tilespmem:$0x8780] =	vst v18  }
0x1ed: {  	v18 =	vld [tilespmem:s25+$0x2880]  }
0x1ee: {  	v53 =	vld [tilespmem:s25+$0x2890]  }
0x1ef: {  	v54 =	vld [tilespmem:s25+$0x28A0]  }
0x1f0: {  	v55 =	vld [tilespmem:s25+$0x28B0]  }
0x1f1: {  	v17 =	vmul.f32 v46, v17;
	v25 =	vmul.f32 v47, v63;
	v56 =	vld [tilespmem:s25+$0x28C0]  }
0x1f2: {  	v23 =	vmul.f32 v48, v40;
	v21 =	vmul.f32 v49, v41;
	v57 =	vld [tilespmem:s25+$0x28D0]  }
0x1f3: {  	v24 =	vmul.f32 v50, v42;
	v22 =	vmul.f32 v52, v44;
	v58 =	vld [tilespmem:s25+$0x28E0]  }
0x1f4: {  	v20 =	vmul.f32 v51, v43;
	v59 =	vld [tilespmem:s25+$0x28F0];
	v19 =	vmul.f32 v19, v45  }
0x1f5: {  	v17 =	vadd.f32 v25, v17;
	v21 =	vadd.f32 v21, v23;
	v60 =	vld [tilespmem:s25+$0x6880]  }
0x1f6: {  	v20 =	vadd.f32 v20, v24;
	v61 =	vld [tilespmem:s25+$0x6890];
	v19 =	vadd.f32 v19, v22  }
0x1f7: {  	v62 =	vld [tilespmem:s25+$0x68A0]  }
0x1f8: {  	v17 =	vadd.f32 v21, v17;
	v63 =	vld [tilespmem:s25+$0x68B0];
	v19 =	vadd.f32 v19, v20  }
0x1f9: {  	v39 =	vld [tilespmem:s25+$0x68C0]  }
0x1fa: {  	v40 =	vld [tilespmem:s25+$0x68D0];
	v17 =	vadd.f32 v19, v17  }
0x1fb: {  	v41 =	vld [tilespmem:s25+$0x68E0]  }
0x1fc: {  	v19 =	vld [tilespmem:s25+$0x68F0];
	[tilespmem:$0x8800] =	vst v17  }
0x1fd: {  	v17 =	vld [tilespmem:s25+$0x2900]  }
0x1fe: {  	v42 =	vld [tilespmem:s25+$0x2910]  }
0x1ff: {  	v43 =	vld [tilespmem:s25+$0x2920]  }
0x200: {  	v44 =	vld [tilespmem:s25+$0x2930]  }
0x201: {  	v18 =	vmul.f32 v60, v18;
	v27 =	vmul.f32 v61, v53;
	v45 =	vld [tilespmem:s25+$0x2940]  }
0x202: {  	v23 =	vmul.f32 v62, v54;
	v22 =	vmul.f32 v63, v55;
	v46 =	vld [tilespmem:s25+$0x2950]  }
0x203: {  	v24 =	vmul.f32 v39, v56;
	v21 =	vmul.f32 v41, v58;
	v47 =	vld [tilespmem:s25+$0x2960]  }
0x204: {  	v20 =	vmul.f32 v40, v57;
	v48 =	vld [tilespmem:s25+$0x2970];
	v19 =	vmul.f32 v19, v59  }
0x205: {  	v18 =	vadd.f32 v27, v18;
	v22 =	vadd.f32 v22, v23;
	v49 =	vld [tilespmem:s25+$0x6900]  }
0x206: {  	v20 =	vadd.f32 v20, v24;
	v50 =	vld [tilespmem:s25+$0x6910];
	v19 =	vadd.f32 v19, v21  }
0x207: {  	v51 =	vld [tilespmem:s25+$0x6920]  }
0x208: {  	v18 =	vadd.f32 v22, v18;
	v52 =	vld [tilespmem:s25+$0x6930];
	v19 =	vadd.f32 v19, v20  }
0x209: {  	v53 =	vld [tilespmem:s25+$0x6940]  }
0x20a: {  	v54 =	vld [tilespmem:s25+$0x6950];
	v18 =	vadd.f32 v19, v18  }
0x20b: {  	v55 =	vld [tilespmem:s25+$0x6960]  }
0x20c: {  	v19 =	vld [tilespmem:s25+$0x6970];
	[tilespmem:$0x8880] =	vst v18  }
0x20d: {  	v18 =	vld [tilespmem:s25+$0x2980]  }
0x20e: {  	v56 =	vld [tilespmem:s25+$0x2990]  }
0x20f: {  	v57 =	vld [tilespmem:s25+$0x29A0]  }
0x210: {  	v58 =	vld [tilespmem:s25+$0x29B0]  }
0x211: {  	v17 =	vmul.f32 v49, v17;
	v25 =	vmul.f32 v50, v42;
	v59 =	vld [tilespmem:s25+$0x29C0]  }
0x212: {  	v23 =	vmul.f32 v51, v43;
	v21 =	vmul.f32 v52, v44;
	v60 =	vld [tilespmem:s25+$0x29D0]  }
0x213: {  	v24 =	vmul.f32 v53, v45;
	v22 =	vmul.f32 v55, v47;
	v61 =	vld [tilespmem:s25+$0x29E0]  }
0x214: {  	v20 =	vmul.f32 v54, v46;
	v62 =	vld [tilespmem:s25+$0x29F0];
	v19 =	vmul.f32 v19, v48  }
0x215: {  	v17 =	vadd.f32 v25, v17;
	v21 =	vadd.f32 v21, v23;
	v63 =	vld [tilespmem:s25+$0x6980]  }
0x216: {  	v20 =	vadd.f32 v20, v24;
	v39 =	vld [tilespmem:s25+$0x6990];
	v19 =	vadd.f32 v19, v22  }
0x217: {  	v40 =	vld [tilespmem:s25+$0x69A0]  }
0x218: {  	v17 =	vadd.f32 v21, v17;
	v41 =	vld [tilespmem:s25+$0x69B0];
	v19 =	vadd.f32 v19, v20  }
0x219: {  	v42 =	vld [tilespmem:s25+$0x69C0]  }
0x21a: {  	v43 =	vld [tilespmem:s25+$0x69D0];
	v17 =	vadd.f32 v19, v17  }
0x21b: {  	v44 =	vld [tilespmem:s25+$0x69E0]  }
0x21c: {  	v19 =	vld [tilespmem:s25+$0x69F0];
	[tilespmem:$0x8900] =	vst v17  }
0x21d: {  	v17 =	vld [tilespmem:s25+$0x2A00]  }
0x21e: {  	v45 =	vld [tilespmem:s25+$0x2A10]  }
0x21f: {  	v46 =	vld [tilespmem:s25+$0x2A20]  }
0x220: {  	v47 =	vld [tilespmem:s25+$0x2A30]  }
0x221: {  	v18 =	vmul.f32 v63, v18;
	v27 =	vmul.f32 v39, v56;
	v48 =	vld [tilespmem:s25+$0x2A40]  }
0x222: {  	v23 =	vmul.f32 v40, v57;
	v22 =	vmul.f32 v41, v58;
	v49 =	vld [tilespmem:s25+$0x2A50]  }
0x223: {  	v24 =	vmul.f32 v42, v59;
	v21 =	vmul.f32 v44, v61;
	v50 =	vld [tilespmem:s25+$0x2A60]  }
0x224: {  	v20 =	vmul.f32 v43, v60;
	v51 =	vld [tilespmem:s25+$0x2A70];
	v19 =	vmul.f32 v19, v62  }
0x225: {  	v18 =	vadd.f32 v27, v18;
	v22 =	vadd.f32 v22, v23;
	v52 =	vld [tilespmem:s25+$0x6A00]  }
0x226: {  	v20 =	vadd.f32 v20, v24;
	v53 =	vld [tilespmem:s25+$0x6A10];
	v19 =	vadd.f32 v19, v21  }
0x227: {  	v54 =	vld [tilespmem:s25+$0x6A20]  }
0x228: {  	v18 =	vadd.f32 v22, v18;
	v55 =	vld [tilespmem:s25+$0x6A30];
	v19 =	vadd.f32 v19, v20  }
0x229: {  	v56 =	vld [tilespmem:s25+$0x6A40]  }
0x22a: {  	v57 =	vld [tilespmem:s25+$0x6A50];
	v18 =	vadd.f32 v19, v18  }
0x22b: {  	v58 =	vld [tilespmem:s25+$0x6A60]  }
0x22c: {  	v19 =	vld [tilespmem:s25+$0x6A70];
	[tilespmem:$0x8980] =	vst v18  }
0x22d: {  	v18 =	vld [tilespmem:s25+$0x2A80]  }
0x22e: {  	v59 =	vld [tilespmem:s25+$0x2A90]  }
0x22f: {  	v60 =	vld [tilespmem:s25+$0x2AA0]  }
0x230: {  	v61 =	vld [tilespmem:s25+$0x2AB0]  }
0x231: {  	v17 =	vmul.f32 v52, v17;
	v25 =	vmul.f32 v53, v45;
	v62 =	vld [tilespmem:s25+$0x2AC0]  }
0x232: {  	v23 =	vmul.f32 v54, v46;
	v21 =	vmul.f32 v55, v47;
	v63 =	vld [tilespmem:s25+$0x2AD0]  }
0x233: {  	v24 =	vmul.f32 v56, v48;
	v22 =	vmul.f32 v58, v50;
	v39 =	vld [tilespmem:s25+$0x2AE0]  }
0x234: {  	v20 =	vmul.f32 v57, v49;
	v40 =	vld [tilespmem:s25+$0x2AF0];
	v19 =	vmul.f32 v19, v51  }
0x235: {  	v17 =	vadd.f32 v25, v17;
	v21 =	vadd.f32 v21, v23;
	v41 =	vld [tilespmem:s25+$0x6A80]  }
0x236: {  	v20 =	vadd.f32 v20, v24;
	v42 =	vld [tilespmem:s25+$0x6A90];
	v19 =	vadd.f32 v19, v22  }
0x237: {  	v43 =	vld [tilespmem:s25+$0x6AA0]  }
0x238: {  	v17 =	vadd.f32 v21, v17;
	v44 =	vld [tilespmem:s25+$0x6AB0];
	v19 =	vadd.f32 v19, v20  }
0x239: {  	v45 =	vld [tilespmem:s25+$0x6AC0]  }
0x23a: {  	v46 =	vld [tilespmem:s25+$0x6AD0];
	v17 =	vadd.f32 v19, v17  }
0x23b: {  	v47 =	vld [tilespmem:s25+$0x6AE0]  }
0x23c: {  	v19 =	vld [tilespmem:s25+$0x6AF0];
	[tilespmem:$0x8A00] =	vst v17  }
0x23d: {  	v17 =	vld [tilespmem:s25+$0x2B00]  }
0x23e: {  	v25 =	vld [tilespmem:s25+$0x2B10]  }
0x23f: {  	v29 =	vld [tilespmem:s25+$0x2B20]  }
0x240: {  	v33 =	vld [tilespmem:s25+$0x2B30]  }
0x241: {  	v18 =	vmul.f32 v41, v18;
	v27 =	vmul.f32 v42, v59;
	v48 =	vld [tilespmem:s25+$0x2B40]  }
0x242: {  	v23 =	vmul.f32 v43, v60;
	v22 =	vmul.f32 v44, v61;
	v49 =	vld [tilespmem:s25+$0x2B50]  }
0x243: {  	v24 =	vmul.f32 v45, v62;
	v21 =	vmul.f32 v47, v39;
	v50 =	vld [tilespmem:s25+$0x2B60]  }
0x244: {  	v20 =	vmul.f32 v46, v63;
	v51 =	vld [tilespmem:s25+$0x2B70];
	v19 =	vmul.f32 v19, v40  }
0x245: {  	v18 =	vadd.f32 v27, v18;
	v22 =	vadd.f32 v22, v23;
	v52 =	vld [tilespmem:s25+$0x6B00]  }
0x246: {  	v20 =	vadd.f32 v20, v24;
	v53 =	vld [tilespmem:s25+$0x6B10];
	v19 =	vadd.f32 v19, v21  }
0x247: {  	v54 =	vld [tilespmem:s25+$0x6B20]  }
0x248: {  	v18 =	vadd.f32 v22, v18;
	v55 =	vld [tilespmem:s25+$0x6B30];
	v19 =	vadd.f32 v19, v20  }
0x249: {  	v56 =	vld [tilespmem:s25+$0x6B40]  }
0x24a: {  	v57 =	vld [tilespmem:s25+$0x6B50];
	v18 =	vadd.f32 v19, v18  }
0x24b: {  	v58 =	vld [tilespmem:s25+$0x6B60]  }
0x24c: {  	v19 =	vld [tilespmem:s25+$0x6B70];
	[tilespmem:$0x8A80] =	vst v18  }
0x24d: {  	v18 =	vld [tilespmem:s25+$0x2B80]  }
0x24e: {  	v59 =	vld [tilespmem:s25+$0x2B90]  }
0x24f: {  	v60 =	vld [tilespmem:s25+$0x2BA0]  }
0x250: {  	v61 =	vld [tilespmem:s25+$0x2BB0]  }
0x251: {  	v62 =	vld [tilespmem:s25+$0x2BC0]  }
0x252: {  	v63 =	vld [tilespmem:s25+$0x2BD0]  }
0x253: {  	v39 =	vld [tilespmem:s25+$0x2BE0]  }
0x254: {  	v40 =	vld [tilespmem:s25+$0x2BF0]  }
0x255: {  	v41 =	vld [tilespmem:s25+$0x6B80]  }
0x256: {  	v42 =	vld [tilespmem:s25+$0x6B90]  }
0x257: {  	v43 =	vld [tilespmem:s25+$0x6BA0]  }
0x258: {  	v44 =	vld [tilespmem:s25+$0x6BB0]  }
0x259: {  	v45 =	vld [tilespmem:s25+$0x6BC0]  }
0x25a: {  	v17 =	vmul.f32 v52, v17;
	v25 =	vmul.f32 v53, v25;
	v46 =	vld [tilespmem:s25+$0x6BD0]  }
0x25b: {  	v23 =	vmul.f32 v54, v29;
	v21 =	vmul.f32 v55, v33;
	v32 =	vld [tilespmem:s25+$0x6BE0]  }
0x25c: {  	v24 =	vmul.f32 v56, v48;
	v22 =	vmul.f32 v58, v50;
	v33 =	vld [tilespmem:s25+$0x6BF0]  }
0x25d: {  	v20 =	vmul.f32 v57, v49;
	v19 =	vmul.f32 v19, v51  }
0x25e: {  	v17 =	vadd.f32 v25, v17;
	v18 =	vmul.f32 v41, v18;
	v34 =	vmul.f32 v42, v59  }
0x25f: {  	v21 =	vadd.f32 v21, v23;
	v35 =	vmul.f32 v43, v60;
	v36 =	vmul.f32 v44, v61  }
0x260: {  	v20 =	vadd.f32 v20, v24;
	v37 =	vmul.f32 v45, v62;
	v41 =	vmul.f32 v46, v63  }
0x261: {  	v19 =	vadd.f32 v19, v22;
	v42 =	vmul.f32 v32, v39;
	v43 =	vmul.f32 v33, v40  }
0x262: {  	v18 =	vadd.f32 v34, v18;
	v23 =	vadd.f32 v36, v35  }
0x263: {  	v24 =	vadd.f32 v41, v37;
	v22 =	vadd.f32 v43, v42  }
0x264: {  	v17 =	vadd.f32 v21, v17;
	v19 =	vadd.f32 v19, v20  }
0x265: {  	v18 =	vadd.f32 v23, v18;
	v44 =	vadd.f32 v22, v24  }
0x266: {  	v17 =	vadd.f32 v19, v17  }
0x267: {  	v18 =	vadd.f32 v44, v18  }
0x268: {  	[tilespmem:$0x8B00] =	vst v17  }
0x269: {  	[tilespmem:$0x8B80] =	vst v18  }
0x26a: {  	v17 =	vld.idx.msk [tilespmem:v0+s17+$0x0], $0xffff  }
0x26b: {  	v18 =	vld.idx.msk [tilespmem:v1+s17+$0x0], $0xffff  }
0x26c: {  	v19 =	vld.idx.msk [tilespmem:v2+s17+$0x0], $0xffff  }
0x26d: {  	v45 =	vld.idx.msk [tilespmem:v3+s17+$0x0], $0xffff  }
0x26e: {  	v46 =	vld.idx.msk [tilespmem:v4+s17+$0x0], $0xffff  }
0x26f: {  	v47 =	vld.idx.msk [tilespmem:v5+s17+$0x0], $0xffff  }
0x270: {  	v48 =	vld.idx.msk [tilespmem:v6+s17+$0x0], $0xffff  }
0x271: {  	v49 =	vld.idx.msk [tilespmem:v7+s17+$0x0], $0xffff  }
0x272: {  	v50 =	vld.idx.msk [tilespmem:v8+s17+$0x0], $0xffff  }
0x273: {  	v51 =	vld.idx.msk [tilespmem:v9+s17+$0x0], $0xffff  }
0x274: {  	v52 =	vld.idx.msk [tilespmem:v10+s17+$0x0], $0xffff  }
0x275: {  	v53 =	vld.idx.msk [tilespmem:v11+s17+$0x0], $0xffff  }
0x276: {  	v54 =	vld.idx.msk [tilespmem:v12+s17+$0x0], $0xffff  }
0x277: {  	v55 =	vld.idx.msk [tilespmem:v13+s17+$0x0], $0xffff  }
0x278: {  	v56 =	vld.idx.msk [tilespmem:v14+s17+$0x0], $0xffff  }
0x279: {  	v57 =	vld.idx.msk [tilespmem:v15+s17+$0x0], $0xffff;
	_ =	sdelay $0x1  }
0x27a: {  	v17 =	vadd.f32 v18, v17;
	v18 =	vadd.f32 v45, v19  }
0x27b: {  	v19 =	vadd.f32 v47, v46;
	v58 =	vadd.f32 v49, v48  }
0x27c: {  	v59 =	vadd.f32 v51, v50;
	v60 =	vadd.f32 v53, v52  }
0x27d: {  	v61 =	vadd.f32 v55, v54;
	v62 =	vadd.f32 v57, v56  }
0x27e: {  	v17 =	vadd.f32 v18, v17;
	v18 =	vadd.f32 v58, v19  }
0x27f: {  	v19 =	vadd.f32 v60, v59;
	v63 =	vadd.f32 v62, v61  }
0x280: {  	p0 =	seq.s32 s24, $0x3  }
.Ltmp1:
0x281: {  	v17 =	vadd.f32 v18, v17;
	v18 =	vadd.f32 v63, v19;
	(pc) =	sbr.rel @!p0 .LBB2_6-.Ltmp1, $4  }
0x282: {  	_ = 	snop  }
0x283: {  	s31 =	sshll.u32 s24, $0x4;
	v17 =	vadd.f32 v18, v17  }
0x284: {  	s25 =	sand.u32 $0x3FFFFFF0, s31  }
0x285: {  	s24 =	sadd.s32 $0x1, s24;
	[tilespmem:v16+s25+$0x0 ss:$0x1] =	vst.idx.msk $0xffff, v17  }
0x286: {  	p0 =	seq.s32 s23, $0x4  }
.Ltmp2:
0x287: {  	_ = 	snop;
	(pc) =	sbr.rel @!p0 .LBB2_3-.Ltmp2, $1  }
0x288: {  	_ =	sdelay $0x3  }
0x289: {  	s22 =	sadd.s32 $0x1, s22  }
0x28a: {  	p0 =	sne.s32 s22, s8  }
.Ltmp3:
0x28b: {  	_ = 	snop;
	(pc) =	sbr.rel @p0 .LBB2_1-.Ltmp3, $4  }
0x28c: {  	[hbm4b:s7+s4] =	stream.linear.scatter [tilespmem:s20], [sflag:$0x5], $0x200, $0x38;
	[tilespmem:$0x8E00] =	vst v63  }
0x28d: {  	_ =	swait.ge [sflag:s21], $0x200  }
0x28e: {  	[sflag:s21] =	ssyncset.done $0x0  }
0x28f: {  	[sflag:s21] =	ssyncadd.s32 $0xFFFFFE00  }
0x290: {  	_ =	sfence.sel $0x180000  }
0x291: {  	[bflag:$0x0] =	sbarrier.arrive $0xFFFF  }
0x292: {  	p0 =	sne.s32 s3, $0x0;
	_ =	strace $0x90000047  }
0x293: {  	s0 =	sadd.s32 @!p0 $0x100000, s0;
	[bflag:$0x2] =	sbarrier.arrive $0xFFFF  }
0x294: {  	[sflag:s0] =	ssyncadd.tile.s32 @!p0 $0x1;
	_ =	shalt  }
.Lfunc_end2:
_tile_overlayer_lowered:
.L_overlay_start_2:
0x295: {  	(tag) =	ssettag $0x2  }
0x296: {  	s0 =	rddreg [dreg:$0x0];
	s2 =	stileid.u32  }
0x297: {  	s1 =	rddreg [dreg:$0x1];
	p0 =	sne.s32 s2, $0x0  }
0x298: {  	s3 =	rddreg [dreg:$0x2];
	[bflag:$0x3] =	sbarrier.arrive $0xFFFF;
	s2 =	simm.s32 @!p0 $0x1C05  }
0x299: {  	[timem:s3], [sflag:s2] =	dma.local @!p0 [hbm:s0], s1  }
0x29a: {  	s0 =	simm.s32 @!p0 $0x5  }
0x29b: {  	_ =	swait.ge @!p0 [sflag:s0], s1  }
0x29c: {  	s1 =	ssub.s32 @!p0 $0x0, s1;
	[sflag:s0] =	ssyncset.done @!p0 $0x0  }
0x29d: {  	[sflag:s0] =	ssyncadd.s32 @!p0 s1  }
0x29e: {  	[bflag:$0x3] =	sbarrier.arrive $0xFFFF  }
0x29f: {  	_ =	shalt  }

</sc_bundles>
